<compile_context>
chip_gen: v7x
topology: tpu7x:2x2x1
jax: 0.10.2.dev20260603
libtpu: 0.0.44.dev20260713+nightly
codegen_flags: <defaults>
</compile_context>

<pallas_src>
import functools

import jax
import jax.numpy as jnp
from jax import lax
from jax.experimental import pallas as pl
from jax.experimental.pallas import tpu as pltpu
from jax.experimental.pallas import tpu_sc as plsc

NC = 2
NS = 16
NW = NC * NS

IDXW = 128
SUPER_IR = 8
SUB_IR = 2
SUB = SUB_IR * IDXW
NSLOT = SUPER_IR // SUB_IR
RETIRE_LAG = 3


def _make_gather(n_rows_total, d):
    rows_per_w = n_rows_total // NW
    ir_per_w = rows_per_w // IDXW
    n_super = ir_per_w // SUPER_IR
    mesh = plsc.VectorSubcoreMesh(core_axis_name="c", subcore_axis_name="s")

    @functools.partial(
        pl.kernel,
        mesh=mesh,
        out_type=jax.ShapeDtypeStruct((n_rows_total, d), jnp.float32),
        scratch_types=[
            pltpu.VMEM((SUPER_IR, IDXW), jnp.int32),
            pltpu.VMEM((SUPER_IR, IDXW), jnp.int32),
            pltpu.VMEM((SUB, d), jnp.float32),
            pltpu.VMEM((SUB, d), jnp.float32),
            pltpu.VMEM((SUB, d), jnp.float32),
            pltpu.VMEM((SUB, d), jnp.float32),
            pltpu.SemaphoreType.DMA,
            pltpu.SemaphoreType.DMA,
            pltpu.SemaphoreType.DMA,
            pltpu.SemaphoreType.DMA,
            pltpu.SemaphoreType.DMA,
            pltpu.SemaphoreType.DMA,
            pltpu.SemaphoreType.DMA,
            pltpu.SemaphoreType.DMA,
            pltpu.SemaphoreType.DMA,
            pltpu.SemaphoreType.DMA,
        ],
        compiler_params=pltpu.CompilerParams(use_tc_tiling_on_sc=False),
    )
    def gather_kernel(table_hbm, idx_hbm, out_hbm, idx_v0, idx_v1,
                      r0, r1, r2, r3, sg0, sg1, sg2, sg3,
                      so0, so1, so2, so3, si0, si1):
        wid = lax.axis_index("s") * NC + lax.axis_index("c")
        base_ir = wid * ir_per_w
        base_row = wid * rows_per_w
        idx_v = (idx_v0, idx_v1)
        rows = (r0, r1, r2, r3)
        sg = (sg0, sg1, sg2, sg3)
        so = (so0, so1, so2, so3)
        si = (si0, si1)

        def idx_desc(sc, ibuf):
            return (idx_hbm.at[pl.ds(base_ir + sc * SUPER_IR, SUPER_IR)],
                    idx_v[ibuf], si[ibuf])

        def gather_descs(slot, ibuf):
            return [
                (table_hbm.at[idx_v[ibuf].at[slot * SUB_IR + j]],
                 rows[slot].at[pl.ds(j * IDXW, IDXW)], sg[slot])
                for j in range(SUB_IR)
            ]

        def out_ref(t):
            return out_hbm.at[pl.ds(base_row + t * SUB, SUB)]

        def step(t, k, do_free, do_retire, prefetch):
            slot = k % NSLOT
            ibuf = (k // NSLOT) % 2
            if do_free:
                pltpu.make_async_copy(rows[slot], out_ref(t - NSLOT),
                                      so[slot]).wait()
            if k % NSLOT == 0:
                a, b, s = idx_desc(t // NSLOT, ibuf)
                pltpu.make_async_copy(a, b, s).wait()
            for a, b, s in gather_descs(slot, ibuf):
                pltpu.async_copy(a, b, s)
            if do_retire:
                k2 = (k - RETIRE_LAG) % (2 * NSLOT)
                slot2 = k2 % NSLOT
                ibuf2 = (k2 // NSLOT) % 2
                for a, b, s in gather_descs(slot2, ibuf2):
                    pltpu.make_async_copy(a, b, s).wait()
                pltpu.async_copy(rows[slot2], out_ref(t - RETIRE_LAG),
                                 so[slot2])
            if prefetch and k % NSLOT == 1:
                sc1 = t // NSLOT + 1
                other = 1 - ibuf

                def fire():
                    a, b, s = idx_desc(sc1, other)
                    pltpu.async_copy(a, b, s)

                if isinstance(t, int):
                    if sc1 < n_super:
                        fire()
                else:
                    pl.when(sc1 < n_super)(fire)

        a, b, s = idx_desc(0, 0)
        pltpu.async_copy(a, b, s)
        a, b, s = idx_desc(1, 1)
        pltpu.async_copy(a, b, s)
        for k in range(2 * NSLOT):
            step(k, k, do_free=(k >= NSLOT), do_retire=(k >= RETIRE_LAG),
                 prefetch=(k >= NSLOT))

        def body(p, carry):
            t0 = 2 * NSLOT + p * 2 * NSLOT
            for k in range(2 * NSLOT):
                step(t0 + k, k, do_free=True, do_retire=True, prefetch=True)
            return carry

        lax.fori_loop(0, (n_super - 2) // 2, body, 0)

        if (n_super - 2) % 2:
            t0 = (n_super - 1) * NSLOT
            for k in range(NSLOT):
                step(t0 + k, k, do_free=True, do_retire=True,
                     prefetch=False)
        t_end = n_super * NSLOT
        for t in range(t_end - RETIRE_LAG, t_end):
            k2 = t % (2 * NSLOT)
            slot2 = k2 % NSLOT
            ibuf2 = (k2 // NSLOT) % 2
            for a, b, s in gather_descs(slot2, ibuf2):
                pltpu.make_async_copy(a, b, s).wait()
            pltpu.async_copy(rows[slot2], out_ref(t), so[slot2])
        for t in range(t_end - NSLOT, t_end):
            pltpu.make_async_copy(rows[t % NSLOT], out_ref(t),
                                  so[t % NSLOT]).wait()

    return gather_kernel


def kernel(x, table):
    b, h = x.shape
    v, d = table.shape
    n = b * h
    idx2d = x.reshape(n // IDXW, IDXW).astype(jnp.int32)
    out = _make_gather(n, d)(table, idx2d)
    return out.reshape(b, h, d)

# --- scband reference (transcript-rebuilt; emitter-appended) ---
"""Pipeline reference for scband-token-embedding-2491081031974 (READ-ONLY COPY).

The authoritative reference and input builder live on the scoring server;
editing this copy changes nothing except your own understanding.
"""

import jax, jax.numpy as jnp
import numpy as np

VOCAB_SIZE = 1000000
EMBED_DIM = 64
BATCH = 16384
HIST_LEN = 50


def setup_inputs(seed: int = 0) -> dict:
    key = jax.random.key(seed)
    k_idx, k_tab = jax.random.split(key)
    x = jax.random.randint(k_idx, (BATCH, HIST_LEN), 0, VOCAB_SIZE, dtype=jnp.int64 if jax.config.jax_enable_x64 else jnp.int32)
    table = jax.random.normal(k_tab, (VOCAB_SIZE, EMBED_DIM), dtype=jnp.float32)
    return {"x": x, "table": table}


def reference(x, table):
    # nn.Embedding forward: row gather from the embedding table
    return jnp.take(table, x, axis=0)

if __name__ == "__main__":
    import jax
    _d = setup_inputs()
    print(jax.jit(kernel)(*tuple(_d.values())))

</pallas_src>

<mosaic_0001>
#map = affine_map<(d0, d1) -> (0, 0)>
module attributes {stable_mosaic.version = 14 : i64} {
  func.func @gather_kernel(%arg0: i32, %arg1: i32, %arg2: memref<1000000x64xf32, #tpu.memory_space<hbm>>, %arg3: memref<6400x128xi32, #tpu.memory_space<hbm>>, %arg4: memref<819200x64xf32, #tpu.memory_space<hbm>>, %arg5: memref<8x128xi32, #tpu.memory_space<vmem>>, %arg6: memref<8x128xi32, #tpu.memory_space<vmem>>, %arg7: memref<256x64xf32, #tpu.memory_space<vmem>>, %arg8: memref<256x64xf32, #tpu.memory_space<vmem>>, %arg9: memref<256x64xf32, #tpu.memory_space<vmem>>, %arg10: memref<256x64xf32, #tpu.memory_space<vmem>>, %arg11: memref<!tpu.dma_semaphore, #tpu.memory_space<semaphore_mem>>, %arg12: memref<!tpu.dma_semaphore, #tpu.memory_space<semaphore_mem>>, %arg13: memref<!tpu.dma_semaphore, #tpu.memory_space<semaphore_mem>>, %arg14: memref<!tpu.dma_semaphore, #tpu.memory_space<semaphore_mem>>, %arg15: memref<!tpu.dma_semaphore, #tpu.memory_space<semaphore_mem>>, %arg16: memref<!tpu.dma_semaphore, #tpu.memory_space<semaphore_mem>>, %arg17: memref<!tpu.dma_semaphore, #tpu.memory_space<semaphore_mem>>, %arg18: memref<!tpu.dma_semaphore, #tpu.memory_space<semaphore_mem>>, %arg19: memref<!tpu.dma_semaphore, #tpu.memory_space<semaphore_mem>>, %arg20: memref<!tpu.dma_semaphore, #tpu.memory_space<semaphore_mem>>) attributes {dimension_semantics = [#tpu.dimension_semantics<core_parallel>, #tpu.dimension_semantics<subcore_parallel>], iteration_bounds = array<i64: 2, 16>, scalar_prefetch = 0 : i64, scratch_operands = 16 : i64, tpu.core_type = #tpu.core_type<sc_vector_subcore>, window_params = [{transform_indices = #map}, {transform_indices = #map}, {transform_indices = #map}]} {
    %mul3A = arith.constant 2 : i32
    %mul3A_0 = arith.muli %arg1, %mul3A : i32
    %add3A = arith.addi %mul3A_0, %arg0 : i32
    %mul3A_1 = arith.constant 200 : i32
    %mul3A_2 = arith.muli %add3A, %mul3A_1 : i32
    %mul3A_3 = arith.constant 25600 : i32
    %mul3A_4 = arith.muli %add3A, %mul3A_3 : i32
    %add3A_5 = arith.constant 0 : i32
    %add3A_6 = arith.addi %mul3A_2, %add3A_5 : i32
    %dma_start3A = arith.constant 0 : i32
    %dma_start3A_7 = tpu.memref_slice %arg3[%add3A_6, %dma_start3A] : memref<6400x128xi32, #tpu.memory_space<hbm>> -> memref<8x128xi32, #tpu.memory_space<hbm>>
    %dma_start3A_8 = arith.constant 0 : i32
    %dma_start3A_9 = tpu.memref_slice %arg3[%add3A_6, %dma_start3A_8] : memref<6400x128xi32, #tpu.memory_space<hbm>> -> memref<8x128xi32, #tpu.memory_space<hbm>>
    tpu.enqueue_dma source(%dma_start3A_9 : memref<8x128xi32, #tpu.memory_space<hbm>>) target(%arg5 : memref<8x128xi32, #tpu.memory_space<vmem>>) target_semaphore(%arg19 : memref<!tpu.dma_semaphore, #tpu.memory_space<semaphore_mem>>)
    %add3A_10 = arith.constant 8 : i32
    %add3A_11 = arith.addi %mul3A_2, %add3A_10 : i32
    %dma_start3A_12 = arith.constant 0 : i32
    %dma_start3A_13 = tpu.memref_slice %arg3[%add3A_11, %dma_start3A_12] : memref<6400x128xi32, #tpu.memory_space<hbm>> -> memref<8x128xi32, #tpu.memory_space<hbm>>
    %dma_start3A_14 = arith.constant 0 : i32
    %dma_start3A_15 = tpu.memref_slice %arg3[%add3A_11, %dma_start3A_14] : memref<6400x128xi32, #tpu.memory_space<hbm>> -> memref<8x128xi32, #tpu.memory_space<hbm>>
    tpu.enqueue_dma source(%dma_start3A_15 : memref<8x128xi32, #tpu.memory_space<hbm>>) target(%arg6 : memref<8x128xi32, #tpu.memory_space<vmem>>) target_semaphore(%arg20 : memref<!tpu.dma_semaphore, #tpu.memory_space<semaphore_mem>>)
    %add3A_16 = arith.constant 0 : i32
    %add3A_17 = arith.addi %mul3A_2, %add3A_16 : i32
    %dma_wait3A = arith.constant 0 : i32
    %dma_wait3A_18 = tpu.memref_slice %arg3[%add3A_17, %dma_wait3A] : memref<6400x128xi32, #tpu.memory_space<hbm>> -> memref<8x128xi32, #tpu.memory_space<hbm>>
    %dma_wait3A_19 = arith.constant 0 : i32
    %dma_wait3A_20 = tpu.memref_slice %arg3[%add3A_17, %dma_wait3A_19] : memref<6400x128xi32, #tpu.memory_space<hbm>> -> memref<8x128xi32, #tpu.memory_space<hbm>>
    tpu.wait_dma2 semaphore(%arg19 : memref<!tpu.dma_semaphore, #tpu.memory_space<semaphore_mem>>) src(%dma_wait3A_20 : memref<8x128xi32, #tpu.memory_space<hbm>>) dst(%arg5 : memref<8x128xi32, #tpu.memory_space<vmem>>)
    %dma_start3A_21 = arith.constant 0 : i32
    %dma_start3A_22 = arith.constant 0 : i32
    %dma_start3A_23 = arith.constant 0 : i32
    %dma_start3A_24 = tpu.memref_slice %arg7[%dma_start3A_22, %dma_start3A_23] : memref<256x64xf32, #tpu.memory_space<vmem>> -> memref<128x64xf32, #tpu.memory_space<vmem>>
    %dma_start3A_25 = arith.constant 0 : i32
    %dma_start3A_26 = tpu.memref_slice %arg5[%dma_start3A_21, %dma_start3A_25] : memref<8x128xi32, #tpu.memory_space<vmem>> -> memref<1x128xi32, #tpu.memory_space<vmem>>
    %dma_start3A_27 = tpu.memref_squeeze %dma_start3A_26 : memref<1x128xi32, #tpu.memory_space<vmem>> -> memref<128xi32, #tpu.memory_space<vmem>>
    %dma_start3A_28 = arith.constant 0 : i32
    %dma_start3A_29 = arith.constant 0 : i32
    %dma_start3A_30 = tpu.memref_slice %arg2[%dma_start3A_28, %dma_start3A_29] : memref<1000000x64xf32, #tpu.memory_space<hbm>> -> memref<1000000x64xf32, #tpu.memory_space<hbm>>
    tpu.enqueue_indirect_dma source(%dma_start3A_30 : memref<1000000x64xf32, #tpu.memory_space<hbm>>) target(%dma_start3A_24 : memref<128x64xf32, #tpu.memory_space<vmem>>) offsets(%dma_start3A_27 : memref<128xi32, #tpu.memory_space<vmem>>) semaphore(%arg11 : memref<!tpu.dma_semaphore, #tpu.memory_space<semaphore_mem>>)
    %dma_start3A_31 = arith.constant 1 : i32
    %dma_start3A_32 = arith.constant 128 : i32
    %dma_start3A_33 = arith.constant 0 : i32
    %dma_start3A_34 = tpu.memref_slice %arg7[%dma_start3A_32, %dma_start3A_33] : memref<256x64xf32, #tpu.memory_space<vmem>> -> memref<128x64xf32, #tpu.memory_space<vmem>>
    %dma_start3A_35 = arith.constant 0 : i32
    %dma_start3A_36 = tpu.memref_slice %arg5[%dma_start3A_31, %dma_start3A_35] : memref<8x128xi32, #tpu.memory_space<vmem>> -> memref<1x128xi32, #tpu.memory_space<vmem>>
    %dma_start3A_37 = tpu.memref_squeeze %dma_start3A_36 : memref<1x128xi32, #tpu.memory_space<vmem>> -> memref<128xi32, #tpu.memory_space<vmem>>
    %dma_start3A_38 = arith.constant 0 : i32
    %dma_start3A_39 = arith.constant 0 : i32
    %dma_start3A_40 = tpu.memref_slice %arg2[%dma_start3A_38, %dma_start3A_39] : memref<1000000x64xf32, #tpu.memory_space<hbm>> -> memref<1000000x64xf32, #tpu.memory_space<hbm>>
    tpu.enqueue_indirect_dma source(%dma_start3A_40 : memref<1000000x64xf32, #tpu.memory_space<hbm>>) target(%dma_start3A_34 : memref<128x64xf32, #tpu.memory_space<vmem>>) offsets(%dma_start3A_37 : memref<128xi32, #tpu.memory_space<vmem>>) semaphore(%arg11 : memref<!tpu.dma_semaphore, #tpu.memory_space<semaphore_mem>>)
    %dma_start3A_41 = arith.constant 2 : i32
    %dma_start3A_42 = arith.constant 0 : i32
    %dma_start3A_43 = arith.constant 0 : i32
    %dma_start3A_44 = tpu.memref_slice %arg8[%dma_start3A_42, %dma_start3A_43] : memref<256x64xf32, #tpu.memory_space<vmem>> -> memref<128x64xf32, #tpu.memory_space<vmem>>
    %dma_start3A_45 = arith.constant 0 : i32
    %dma_start3A_46 = tpu.memref_slice %arg5[%dma_start3A_41, %dma_start3A_45] : memref<8x128xi32, #tpu.memory_space<vmem>> -> memref<1x128xi32, #tpu.memory_space<vmem>>
    %dma_start3A_47 = tpu.memref_squeeze %dma_start3A_46 : memref<1x128xi32, #tpu.memory_space<vmem>> -> memref<128xi32, #tpu.memory_space<vmem>>
    %dma_start3A_48 = arith.constant 0 : i32
    %dma_start3A_49 = arith.constant 0 : i32
    %dma_start3A_50 = tpu.memref_slice %arg2[%dma_start3A_48, %dma_start3A_49] : memref<1000000x64xf32, #tpu.memory_space<hbm>> -> memref<1000000x64xf32, #tpu.memory_space<hbm>>
    tpu.enqueue_indirect_dma source(%dma_start3A_50 : memref<1000000x64xf32, #tpu.memory_space<hbm>>) target(%dma_start3A_44 : memref<128x64xf32, #tpu.memory_space<vmem>>) offsets(%dma_start3A_47 : memref<128xi32, #tpu.memory_space<vmem>>) semaphore(%arg12 : memref<!tpu.dma_semaphore, #tpu.memory_space<semaphore_mem>>)
    %dma_start3A_51 = arith.constant 3 : i32
    %dma_start3A_52 = arith.constant 128 : i32
    %dma_start3A_53 = arith.constant 0 : i32
    %dma_start3A_54 = tpu.memref_slice %arg8[%dma_start3A_52, %dma_start3A_53] : memref<256x64xf32, #tpu.memory_space<vmem>> -> memref<128x64xf32, #tpu.memory_space<vmem>>
    %dma_start3A_55 = arith.constant 0 : i32
    %dma_start3A_56 = tpu.memref_slice %arg5[%dma_start3A_51, %dma_start3A_55] : memref<8x128xi32, #tpu.memory_space<vmem>> -> memref<1x128xi32, #tpu.memory_space<vmem>>
    %dma_start3A_57 = tpu.memref_squeeze %dma_start3A_56 : memref<1x128xi32, #tpu.memory_space<vmem>> -> memref<128xi32, #tpu.memory_space<vmem>>
    %dma_start3A_58 = arith.constant 0 : i32
    %dma_start3A_59 = arith.constant 0 : i32
    %dma_start3A_60 = tpu.memref_slice %arg2[%dma_start3A_58, %dma_start3A_59] : memref<1000000x64xf32, #tpu.memory_space<hbm>> -> memref<1000000x64xf32, #tpu.memory_space<hbm>>
    tpu.enqueue_indirect_dma source(%dma_start3A_60 : memref<1000000x64xf32, #tpu.memory_space<hbm>>) target(%dma_start3A_54 : memref<128x64xf32, #tpu.memory_space<vmem>>) offsets(%dma_start3A_57 : memref<128xi32, #tpu.memory_space<vmem>>) semaphore(%arg12 : memref<!tpu.dma_semaphore, #tpu.memory_space<semaphore_mem>>)
    %dma_start3A_61 = arith.constant 4 : i32
    %dma_start3A_62 = arith.constant 0 : i32
    %dma_start3A_63 = arith.constant 0 : i32
    %dma_start3A_64 = tpu.memref_slice %arg9[%dma_start3A_62, %dma_start3A_63] : memref<256x64xf32, #tpu.memory_space<vmem>> -> memref<128x64xf32, #tpu.memory_space<vmem>>
    %dma_start3A_65 = arith.constant 0 : i32
    %dma_start3A_66 = tpu.memref_slice %arg5[%dma_start3A_61, %dma_start3A_65] : memref<8x128xi32, #tpu.memory_space<vmem>> -> memref<1x128xi32, #tpu.memory_space<vmem>>
    %dma_start3A_67 = tpu.memref_squeeze %dma_start3A_66 : memref<1x128xi32, #tpu.memory_space<vmem>> -> memref<128xi32, #tpu.memory_space<vmem>>
    %dma_start3A_68 = arith.constant 0 : i32
    %dma_start3A_69 = arith.constant 0 : i32
    %dma_start3A_70 = tpu.memref_slice %arg2[%dma_start3A_68, %dma_start3A_69] : memref<1000000x64xf32, #tpu.memory_space<hbm>> -> memref<1000000x64xf32, #tpu.memory_space<hbm>>
    tpu.enqueue_indirect_dma source(%dma_start3A_70 : memref<1000000x64xf32, #tpu.memory_space<hbm>>) target(%dma_start3A_64 : memref<128x64xf32, #tpu.memory_space<vmem>>) offsets(%dma_start3A_67 : memref<128xi32, #tpu.memory_space<vmem>>) semaphore(%arg13 : memref<!tpu.dma_semaphore, #tpu.memory_space<semaphore_mem>>)
    %dma_start3A_71 = arith.constant 5 : i32
    %dma_start3A_72 = arith.constant 128 : i32
    %dma_start3A_73 = arith.constant 0 : i32
    %dma_start3A_74 = tpu.memref_slice %arg9[%dma_start3A_72, %dma_start3A_73] : memref<256x64xf32, #tpu.memory_space<vmem>> -> memref<128x64xf32, #tpu.memory_space<vmem>>
    %dma_start3A_75 = arith.constant 0 : i32
    %dma_start3A_76 = tpu.memref_slice %arg5[%dma_start3A_71, %dma_start3A_75] : memref<8x128xi32, #tpu.memory_space<vmem>> -> memref<1x128xi32, #tpu.memory_space<vmem>>
    %dma_start3A_77 = tpu.memref_squeeze %dma_start3A_76 : memref<1x128xi32, #tpu.memory_space<vmem>> -> memref<128xi32, #tpu.memory_space<vmem>>
    %dma_start3A_78 = arith.constant 0 : i32
    %dma_start3A_79 = arith.constant 0 : i32
    %dma_start3A_80 = tpu.memref_slice %arg2[%dma_start3A_78, %dma_start3A_79] : memref<1000000x64xf32, #tpu.memory_space<hbm>> -> memref<1000000x64xf32, #tpu.memory_space<hbm>>
    tpu.enqueue_indirect_dma source(%dma_start3A_80 : memref<1000000x64xf32, #tpu.memory_space<hbm>>) target(%dma_start3A_74 : memref<128x64xf32, #tpu.memory_space<vmem>>) offsets(%dma_start3A_77 : memref<128xi32, #tpu.memory_space<vmem>>) semaphore(%arg13 : memref<!tpu.dma_semaphore, #tpu.memory_space<semaphore_mem>>)
    %dma_start3A_81 = arith.constant 6 : i32
    %dma_start3A_82 = arith.constant 0 : i32
    %dma_start3A_83 = arith.constant 0 : i32
    %dma_start3A_84 = tpu.memref_slice %arg10[%dma_start3A_82, %dma_start3A_83] : memref<256x64xf32, #tpu.memory_space<vmem>> -> memref<128x64xf32, #tpu.memory_space<vmem>>
    %dma_start3A_85 = arith.constant 0 : i32
    %dma_start3A_86 = tpu.memref_slice %arg5[%dma_start3A_81, %dma_start3A_85] : memref<8x128xi32, #tpu.memory_space<vmem>> -> memref<1x128xi32, #tpu.memory_space<vmem>>
    %dma_start3A_87 = tpu.memref_squeeze %dma_start3A_86 : memref<1x128xi32, #tpu.memory_space<vmem>> -> memref<128xi32, #tpu.memory_space<vmem>>
    %dma_start3A_88 = arith.constant 0 : i32
    %dma_start3A_89 = arith.constant 0 : i32
    %dma_start3A_90 = tpu.memref_slice %arg2[%dma_start3A_88, %dma_start3A_89] : memref<1000000x64xf32, #tpu.memory_space<hbm>> -> memref<1000000x64xf32, #tpu.memory_space<hbm>>
    tpu.enqueue_indirect_dma source(%dma_start3A_90 : memref<1000000x64xf32, #tpu.memory_space<hbm>>) target(%dma_start3A_84 : memref<128x64xf32, #tpu.memory_space<vmem>>) offsets(%dma_start3A_87 : memref<128xi32, #tpu.memory_space<vmem>>) semaphore(%arg14 : memref<!tpu.dma_semaphore, #tpu.memory_space<semaphore_mem>>)
    %dma_start3A_91 = arith.constant 7 : i32
    %dma_start3A_92 = arith.constant 128 : i32
    %dma_start3A_93 = arith.constant 0 : i32
    %dma_start3A_94 = tpu.memref_slice %arg10[%dma_start3A_92, %dma_start3A_93] : memref<256x64xf32, #tpu.memory_space<vmem>> -> memref<128x64xf32, #tpu.memory_space<vmem>>
    %dma_start3A_95 = arith.constant 0 : i32
    %dma_start3A_96 = tpu.memref_slice %arg5[%dma_start3A_91, %dma_start3A_95] : memref<8x128xi32, #tpu.memory_space<vmem>> -> memref<1x128xi32, #tpu.memory_space<vmem>>
    %dma_start3A_97 = tpu.memref_squeeze %dma_start3A_96 : memref<1x128xi32, #tpu.memory_space<vmem>> -> memref<128xi32, #tpu.memory_space<vmem>>
    %dma_start3A_98 = arith.constant 0 : i32
    %dma_start3A_99 = arith.constant 0 : i32
    %dma_start3A_100 = tpu.memref_slice %arg2[%dma_start3A_98, %dma_start3A_99] : memref<1000000x64xf32, #tpu.memory_space<hbm>> -> memref<1000000x64xf32, #tpu.memory_space<hbm>>
    tpu.enqueue_indirect_dma source(%dma_start3A_100 : memref<1000000x64xf32, #tpu.memory_space<hbm>>) target(%dma_start3A_94 : memref<128x64xf32, #tpu.memory_space<vmem>>) offsets(%dma_start3A_97 : memref<128xi32, #tpu.memory_space<vmem>>) semaphore(%arg14 : memref<!tpu.dma_semaphore, #tpu.memory_space<semaphore_mem>>)
    %dma_wait3A_101 = arith.constant 0 : i32
    %dma_wait3A_102 = arith.constant 0 : i32
    %dma_wait3A_103 = arith.constant 0 : i32
    %dma_wait3A_104 = tpu.memref_slice %arg7[%dma_wait3A_102, %dma_wait3A_103] : memref<256x64xf32, #tpu.memory_space<vmem>> -> memref<128x64xf32, #tpu.memory_space<vmem>>
    %dma_wait3A_105 = arith.constant 0 : i32
    %dma_wait3A_106 = tpu.memref_slice %arg5[%dma_wait3A_101, %dma_wait3A_105] : memref<8x128xi32, #tpu.memory_space<vmem>> -> memref<1x128xi32, #tpu.memory_space<vmem>>
    %dma_wait3A_107 = tpu.memref_squeeze %dma_wait3A_106 : memref<1x128xi32, #tpu.memory_space<vmem>> -> memref<128xi32, #tpu.memory_space<vmem>>
    %dma_wait3A_108 = arith.constant 0 : i32
    %dma_wait3A_109 = arith.constant 0 : i32
    %dma_wait3A_110 = tpu.memref_slice %arg2[%dma_wait3A_108, %dma_wait3A_109] : memref<1000000x64xf32, #tpu.memory_space<hbm>> -> memref<1000000x64xf32, #tpu.memory_space<hbm>>
    tpu.wait_indirect_dma semaphore(%arg11 : memref<!tpu.dma_semaphore, #tpu.memory_space<semaphore_mem>>) src(%dma_wait3A_110 : memref<1000000x64xf32, #tpu.memory_space<hbm>>) dst(%dma_wait3A_104 : memref<128x64xf32, #tpu.memory_space<vmem>>)
    %dma_wait3A_111 = arith.constant 1 : i32
    %dma_wait3A_112 = arith.constant 128 : i32
    %dma_wait3A_113 = arith.constant 0 : i32
    %dma_wait3A_114 = tpu.memref_slice %arg7[%dma_wait3A_112, %dma_wait3A_113] : memref<256x64xf32, #tpu.memory_space<vmem>> -> memref<128x64xf32, #tpu.memory_space<vmem>>
    %dma_wait3A_115 = arith.constant 0 : i32
    %dma_wait3A_116 = tpu.memref_slice %arg5[%dma_wait3A_111, %dma_wait3A_115] : memref<8x128xi32, #tpu.memory_space<vmem>> -> memref<1x128xi32, #tpu.memory_space<vmem>>
    %dma_wait3A_117 = tpu.memref_squeeze %dma_wait3A_116 : memref<1x128xi32, #tpu.memory_space<vmem>> -> memref<128xi32, #tpu.memory_space<vmem>>
    %dma_wait3A_118 = arith.constant 0 : i32
    %dma_wait3A_119 = arith.constant 0 : i32
    %dma_wait3A_120 = tpu.memref_slice %arg2[%dma_wait3A_118, %dma_wait3A_119] : memref<1000000x64xf32, #tpu.memory_space<hbm>> -> memref<1000000x64xf32, #tpu.memory_space<hbm>>
    tpu.wait_indirect_dma semaphore(%arg11 : memref<!tpu.dma_semaphore, #tpu.memory_space<semaphore_mem>>) src(%dma_wait3A_120 : memref<1000000x64xf32, #tpu.memory_space<hbm>>) dst(%dma_wait3A_114 : memref<128x64xf32, #tpu.memory_space<vmem>>)
    %add3A_121 = arith.constant 0 : i32
    %add3A_122 = arith.addi %mul3A_4, %add3A_121 : i32
    %dma_start3A_123 = arith.constant 0 : i32
    %dma_start3A_124 = tpu.memref_slice %arg4[%add3A_122, %dma_start3A_123] : memref<819200x64xf32, #tpu.memory_space<hbm>> -> memref<256x64xf32, #tpu.memory_space<hbm>>
    %dma_start3A_125 = arith.constant 0 : i32
    %dma_start3A_126 = tpu.memref_slice %arg4[%add3A_122, %dma_start3A_125] : memref<819200x64xf32, #tpu.memory_space<hbm>> -> memref<256x64xf32, #tpu.memory_space<hbm>>
    tpu.enqueue_dma source(%arg7 : memref<256x64xf32, #tpu.memory_space<vmem>>) target(%dma_start3A_126 : memref<256x64xf32, #tpu.memory_space<hbm>>) target_semaphore(%arg15 : memref<!tpu.dma_semaphore, #tpu.memory_space<semaphore_mem>>)
    %add3A_127 = arith.constant 0 : i32
    %add3A_128 = arith.addi %mul3A_4, %add3A_127 : i32
    %dma_wait3A_129 = arith.constant 0 : i32
    %dma_wait3A_130 = tpu.memref_slice %arg4[%add3A_128, %dma_wait3A_129] : memref<819200x64xf32, #tpu.memory_space<hbm>> -> memref<256x64xf32, #tpu.memory_space<hbm>>
    %dma_wait3A_131 = arith.constant 0 : i32
    %dma_wait3A_132 = tpu.memref_slice %arg4[%add3A_128, %dma_wait3A_131] : memref<819200x64xf32, #tpu.memory_space<hbm>> -> memref<256x64xf32, #tpu.memory_space<hbm>>
    tpu.wait_dma2 semaphore(%arg15 : memref<!tpu.dma_semaphore, #tpu.memory_space<semaphore_mem>>) src(%arg7 : memref<256x64xf32, #tpu.memory_space<vmem>>) dst(%dma_wait3A_132 : memref<256x64xf32, #tpu.memory_space<hbm>>)
    %add3A_133 = arith.constant 8 : i32
    %add3A_134 = arith.addi %mul3A_2, %add3A_133 : i32
    %dma_wait3A_135 = arith.constant 0 : i32
    %dma_wait3A_136 = tpu.memref_slice %arg3[%add3A_134, %dma_wait3A_135] : memref<6400x128xi32, #tpu.memory_space<hbm>> -> memref<8x128xi32, #tpu.memory_space<hbm>>
    %dma_wait3A_137 = arith.constant 0 : i32
    %dma_wait3A_138 = tpu.memref_slice %arg3[%add3A_134, %dma_wait3A_137] : memref<6400x128xi32, #tpu.memory_space<hbm>> -> memref<8x128xi32, #tpu.memory_space<hbm>>
    tpu.wait_dma2 semaphore(%arg20 : memref<!tpu.dma_semaphore, #tpu.memory_space<semaphore_mem>>) src(%dma_wait3A_138 : memref<8x128xi32, #tpu.memory_space<hbm>>) dst(%arg6 : memref<8x128xi32, #tpu.memory_space<vmem>>)
    %dma_start3A_139 = arith.constant 0 : i32
    %dma_start3A_140 = arith.constant 0 : i32
    %dma_start3A_141 = arith.constant 0 : i32
    %dma_start3A_142 = tpu.memref_slice %arg7[%dma_start3A_140, %dma_start3A_141] : memref<256x64xf32, #tpu.memory_space<vmem>> -> memref<128x64xf32, #tpu.memory_space<vmem>>
    %dma_start3A_143 = arith.constant 0 : i32
    %dma_start3A_144 = tpu.memref_slice %arg6[%dma_start3A_139, %dma_start3A_143] : memref<8x128xi32, #tpu.memory_space<vmem>> -> memref<1x128xi32, #tpu.memory_space<vmem>>
    %dma_start3A_145 = tpu.memref_squeeze %dma_start3A_144 : memref<1x128xi32, #tpu.memory_space<vmem>> -> memref<128xi32, #tpu.memory_space<vmem>>
    %dma_start3A_146 = arith.constant 0 : i32
    %dma_start3A_147 = arith.constant 0 : i32
    %dma_start3A_148 = tpu.memref_slice %arg2[%dma_start3A_146, %dma_start3A_147] : memref<1000000x64xf32, #tpu.memory_space<hbm>> -> memref<1000000x64xf32, #tpu.memory_space<hbm>>
    tpu.enqueue_indirect_dma source(%dma_start3A_148 : memref<1000000x64xf32, #tpu.memory_space<hbm>>) target(%dma_start3A_142 : memref<128x64xf32, #tpu.memory_space<vmem>>) offsets(%dma_start3A_145 : memref<128xi32, #tpu.memory_space<vmem>>) semaphore(%arg11 : memref<!tpu.dma_semaphore, #tpu.memory_space<semaphore_mem>>)
    %dma_start3A_149 = arith.constant 1 : i32
    %dma_start3A_150 = arith.constant 128 : i32
    %dma_start3A_151 = arith.constant 0 : i32
    %dma_start3A_152 = tpu.memref_slice %arg7[%dma_start3A_150, %dma_start3A_151] : memref<256x64xf32, #tpu.memory_space<vmem>> -> memref<128x64xf32, #tpu.memory_space<vmem>>
    %dma_start3A_153 = arith.constant 0 : i32
    %dma_start3A_154 = tpu.memref_slice %arg6[%dma_start3A_149, %dma_start3A_153] : memref<8x128xi32, #tpu.memory_space<vmem>> -> memref<1x128xi32, #tpu.memory_space<vmem>>
    %dma_start3A_155 = tpu.memref_squeeze %dma_start3A_154 : memref<1x128xi32, #tpu.memory_space<vmem>> -> memref<128xi32, #tpu.memory_space<vmem>>
    %dma_start3A_156 = arith.constant 0 : i32
    %dma_start3A_157 = arith.constant 0 : i32
    %dma_start3A_158 = tpu.memref_slice %arg2[%dma_start3A_156, %dma_start3A_157] : memref<1000000x64xf32, #tpu.memory_space<hbm>> -> memref<1000000x64xf32, #tpu.memory_space<hbm>>
    tpu.enqueue_indirect_dma source(%dma_start3A_158 : memref<1000000x64xf32, #tpu.memory_space<hbm>>) target(%dma_start3A_152 : memref<128x64xf32, #tpu.memory_space<vmem>>) offsets(%dma_start3A_155 : memref<128xi32, #tpu.memory_space<vmem>>) semaphore(%arg11 : memref<!tpu.dma_semaphore, #tpu.memory_space<semaphore_mem>>)
    %dma_wait3A_159 = arith.constant 2 : i32
    %dma_wait3A_160 = arith.constant 0 : i32
    %dma_wait3A_161 = arith.constant 0 : i32
    %dma_wait3A_162 = tpu.memref_slice %arg8[%dma_wait3A_160, %dma_wait3A_161] : memref<256x64xf32, #tpu.memory_space<vmem>> -> memref<128x64xf32, #tpu.memory_space<vmem>>
    %dma_wait3A_163 = arith.constant 0 : i32
    %dma_wait3A_164 = tpu.memref_slice %arg5[%dma_wait3A_159, %dma_wait3A_163] : memref<8x128xi32, #tpu.memory_space<vmem>> -> memref<1x128xi32, #tpu.memory_space<vmem>>
    %dma_wait3A_165 = tpu.memref_squeeze %dma_wait3A_164 : memref<1x128xi32, #tpu.memory_space<vmem>> -> memref<128xi32, #tpu.memory_space<vmem>>
    %dma_wait3A_166 = arith.constant 0 : i32
    %dma_wait3A_167 = arith.constant 0 : i32
    %dma_wait3A_168 = tpu.memref_slice %arg2[%dma_wait3A_166, %dma_wait3A_167] : memref<1000000x64xf32, #tpu.memory_space<hbm>> -> memref<1000000x64xf32, #tpu.memory_space<hbm>>
    tpu.wait_indirect_dma semaphore(%arg12 : memref<!tpu.dma_semaphore, #tpu.memory_space<semaphore_mem>>) src(%dma_wait3A_168 : memref<1000000x64xf32, #tpu.memory_space<hbm>>) dst(%dma_wait3A_162 : memref<128x64xf32, #tpu.memory_space<vmem>>)
    %dma_wait3A_169 = arith.constant 3 : i32
    %dma_wait3A_170 = arith.constant 128 : i32
    %dma_wait3A_171 = arith.constant 0 : i32
    %dma_wait3A_172 = tpu.memref_slice %arg8[%dma_wait3A_170, %dma_wait3A_171] : memref<256x64xf32, #tpu.memory_space<vmem>> -> memref<128x64xf32, #tpu.memory_space<vmem>>
    %dma_wait3A_173 = arith.constant 0 : i32
    %dma_wait3A_174 = tpu.memref_slice %arg5[%dma_wait3A_169, %dma_wait3A_173] : memref<8x128xi32, #tpu.memory_space<vmem>> -> memref<1x128xi32, #tpu.memory_space<vmem>>
    %dma_wait3A_175 = tpu.memref_squeeze %dma_wait3A_174 : memref<1x128xi32, #tpu.memory_space<vmem>> -> memref<128xi32, #tpu.memory_space<vmem>>
    %dma_wait3A_176 = arith.constant 0 : i32
    %dma_wait3A_177 = arith.constant 0 : i32
    %dma_wait3A_178 = tpu.memref_slice %arg2[%dma_wait3A_176, %dma_wait3A_177] : memref<1000000x64xf32, #tpu.memory_space<hbm>> -> memref<1000000x64xf32, #tpu.memory_space<hbm>>
    tpu.wait_indirect_dma semaphore(%arg12 : memref<!tpu.dma_semaphore, #tpu.memory_space<semaphore_mem>>) src(%dma_wait3A_178 : memref<1000000x64xf32, #tpu.memory_space<hbm>>) dst(%dma_wait3A_172 : memref<128x64xf32, #tpu.memory_space<vmem>>)
    %add3A_179 = arith.constant 256 : i32
    %add3A_180 = arith.addi %mul3A_4, %add3A_179 : i32
    %dma_start3A_181 = arith.constant 0 : i32
    %dma_start3A_182 = tpu.memref_slice %arg4[%add3A_180, %dma_start3A_181] : memref<819200x64xf32, #tpu.memory_space<hbm>> -> memref<256x64xf32, #tpu.memory_space<hbm>>
    %dma_start3A_183 = arith.constant 0 : i32
    %dma_start3A_184 = tpu.memref_slice %arg4[%add3A_180, %dma_start3A_183] : memref<819200x64xf32, #tpu.memory_space<hbm>> -> memref<256x64xf32, #tpu.memory_space<hbm>>
    tpu.enqueue_dma source(%arg8 : memref<256x64xf32, #tpu.memory_space<vmem>>) target(%dma_start3A_184 : memref<256x64xf32, #tpu.memory_space<hbm>>) target_semaphore(%arg16 : memref<!tpu.dma_semaphore, #tpu.memory_space<semaphore_mem>>)
    %add3A_185 = arith.constant 256 : i32
    %add3A_186 = arith.addi %mul3A_4, %add3A_185 : i32
    %dma_wait3A_187 = arith.constant 0 : i32
    %dma_wait3A_188 = tpu.memref_slice %arg4[%add3A_186, %dma_wait3A_187] : memref<819200x64xf32, #tpu.memory_space<hbm>> -> memref<256x64xf32, #tpu.memory_space<hbm>>
    %dma_wait3A_189 = arith.constant 0 : i32
    %dma_wait3A_190 = tpu.memref_slice %arg4[%add3A_186, %dma_wait3A_189] : memref<819200x64xf32, #tpu.memory_space<hbm>> -> memref<256x64xf32, #tpu.memory_space<hbm>>
    tpu.wait_dma2 semaphore(%arg16 : memref<!tpu.dma_semaphore, #tpu.memory_space<semaphore_mem>>) src(%arg8 : memref<256x64xf32, #tpu.memory_space<vmem>>) dst(%dma_wait3A_190 : memref<256x64xf32, #tpu.memory_space<hbm>>)
    %dma_start3A_191 = arith.constant 2 : i32
    %dma_start3A_192 = arith.constant 0 : i32
    %dma_start3A_193 = arith.constant 0 : i32
    %dma_start3A_194 = tpu.memref_slice %arg8[%dma_start3A_192, %dma_start3A_193] : memref<256x64xf32, #tpu.memory_space<vmem>> -> memref<128x64xf32, #tpu.memory_space<vmem>>
    %dma_start3A_195 = arith.constant 0 : i32
    %dma_start3A_196 = tpu.memref_slice %arg6[%dma_start3A_191, %dma_start3A_195] : memref<8x128xi32, #tpu.memory_space<vmem>> -> memref<1x128xi32, #tpu.memory_space<vmem>>
    %dma_start3A_197 = tpu.memref_squeeze %dma_start3A_196 : memref<1x128xi32, #tpu.memory_space<vmem>> -> memref<128xi32, #tpu.memory_space<vmem>>
    %dma_start3A_198 = arith.constant 0 : i32
    %dma_start3A_199 = arith.constant 0 : i32
    %dma_start3A_200 = tpu.memref_slice %arg2[%dma_start3A_198, %dma_start3A_199] : memref<1000000x64xf32, #tpu.memory_space<hbm>> -> memref<1000000x64xf32, #tpu.memory_space<hbm>>
    tpu.enqueue_indirect_dma source(%dma_start3A_200 : memref<1000000x64xf32, #tpu.memory_space<hbm>>) target(%dma_start3A_194 : memref<128x64xf32, #tpu.memory_space<vmem>>) offsets(%dma_start3A_197 : memref<128xi32, #tpu.memory_space<vmem>>) semaphore(%arg12 : memref<!tpu.dma_semaphore, #tpu.memory_space<semaphore_mem>>)
    %dma_start3A_201 = arith.constant 3 : i32
    %dma_start3A_202 = arith.constant 128 : i32
    %dma_start3A_203 = arith.constant 0 : i32
    %dma_start3A_204 = tpu.memref_slice %arg8[%dma_start3A_202, %dma_start3A_203] : memref<256x64xf32, #tpu.memory_space<vmem>> -> memref<128x64xf32, #tpu.memory_space<vmem>>
    %dma_start3A_205 = arith.constant 0 : i32
    %dma_start3A_206 = tpu.memref_slice %arg6[%dma_start3A_201, %dma_start3A_205] : memref<8x128xi32, #tpu.memory_space<vmem>> -> memref<1x128xi32, #tpu.memory_space<vmem>>
    %dma_start3A_207 = tpu.memref_squeeze %dma_start3A_206 : memref<1x128xi32, #tpu.memory_space<vmem>> -> memref<128xi32, #tpu.memory_space<vmem>>
    %dma_start3A_208 = arith.constant 0 : i32
    %dma_start3A_209 = arith.constant 0 : i32
    %dma_start3A_210 = tpu.memref_slice %arg2[%dma_start3A_208, %dma_start3A_209] : memref<1000000x64xf32, #tpu.memory_space<hbm>> -> memref<1000000x64xf32, #tpu.memory_space<hbm>>
    tpu.enqueue_indirect_dma source(%dma_start3A_210 : memref<1000000x64xf32, #tpu.memory_space<hbm>>) target(%dma_start3A_204 : memref<128x64xf32, #tpu.memory_space<vmem>>) offsets(%dma_start3A_207 : memref<128xi32, #tpu.memory_space<vmem>>) semaphore(%arg12 : memref<!tpu.dma_semaphore, #tpu.memory_space<semaphore_mem>>)
    %dma_wait3A_211 = arith.constant 4 : i32
    %dma_wait3A_212 = arith.constant 0 : i32
    %dma_wait3A_213 = arith.constant 0 : i32
    %dma_wait3A_214 = tpu.memref_slice %arg9[%dma_wait3A_212, %dma_wait3A_213] : memref<256x64xf32, #tpu.memory_space<vmem>> -> memref<128x64xf32, #tpu.memory_space<vmem>>
    %dma_wait3A_215 = arith.constant 0 : i32
    %dma_wait3A_216 = tpu.memref_slice %arg5[%dma_wait3A_211, %dma_wait3A_215] : memref<8x128xi32, #tpu.memory_space<vmem>> -> memref<1x128xi32, #tpu.memory_space<vmem>>
    %dma_wait3A_217 = tpu.memref_squeeze %dma_wait3A_216 : memref<1x128xi32, #tpu.memory_space<vmem>> -> memref<128xi32, #tpu.memory_space<vmem>>
    %dma_wait3A_218 = arith.constant 0 : i32
    %dma_wait3A_219 = arith.constant 0 : i32
    %dma_wait3A_220 = tpu.memref_slice %arg2[%dma_wait3A_218, %dma_wait3A_219] : memref<1000000x64xf32, #tpu.memory_space<hbm>> -> memref<1000000x64xf32, #tpu.memory_space<hbm>>
    tpu.wait_indirect_dma semaphore(%arg13 : memref<!tpu.dma_semaphore, #tpu.memory_space<semaphore_mem>>) src(%dma_wait3A_220 : memref<1000000x64xf32, #tpu.memory_space<hbm>>) dst(%dma_wait3A_214 : memref<128x64xf32, #tpu.memory_space<vmem>>)
    %dma_wait3A_221 = arith.constant 5 : i32
    %dma_wait3A_222 = arith.constant 128 : i32
    %dma_wait3A_223 = arith.constant 0 : i32
    %dma_wait3A_224 = tpu.memref_slice %arg9[%dma_wait3A_222, %dma_wait3A_223] : memref<256x64xf32, #tpu.memory_space<vmem>> -> memref<128x64xf32, #tpu.memory_space<vmem>>
    %dma_wait3A_225 = arith.constant 0 : i32
    %dma_wait3A_226 = tpu.memref_slice %arg5[%dma_wait3A_221, %dma_wait3A_225] : memref<8x128xi32, #tpu.memory_space<vmem>> -> memref<1x128xi32, #tpu.memory_space<vmem>>
    %dma_wait3A_227 = tpu.memref_squeeze %dma_wait3A_226 : memref<1x128xi32, #tpu.memory_space<vmem>> -> memref<128xi32, #tpu.memory_space<vmem>>
    %dma_wait3A_228 = arith.constant 0 : i32
    %dma_wait3A_229 = arith.constant 0 : i32
    %dma_wait3A_230 = tpu.memref_slice %arg2[%dma_wait3A_228, %dma_wait3A_229] : memref<1000000x64xf32, #tpu.memory_space<hbm>> -> memref<1000000x64xf32, #tpu.memory_space<hbm>>
    tpu.wait_indirect_dma semaphore(%arg13 : memref<!tpu.dma_semaphore, #tpu.memory_space<semaphore_mem>>) src(%dma_wait3A_230 : memref<1000000x64xf32, #tpu.memory_space<hbm>>) dst(%dma_wait3A_224 : memref<128x64xf32, #tpu.memory_space<vmem>>)
    %add3A_231 = arith.constant 512 : i32
    %add3A_232 = arith.addi %mul3A_4, %add3A_231 : i32
    %dma_start3A_233 = arith.constant 0 : i32
    %dma_start3A_234 = tpu.memref_slice %arg4[%add3A_232, %dma_start3A_233] : memref<819200x64xf32, #tpu.memory_space<hbm>> -> memref<256x64xf32, #tpu.memory_space<hbm>>
    %dma_start3A_235 = arith.constant 0 : i32
    %dma_start3A_236 = tpu.memref_slice %arg4[%add3A_232, %dma_start3A_235] : memref<819200x64xf32, #tpu.memory_space<hbm>> -> memref<256x64xf32, #tpu.memory_space<hbm>>
    tpu.enqueue_dma source(%arg9 : memref<256x64xf32, #tpu.memory_space<vmem>>) target(%dma_start3A_236 : memref<256x64xf32, #tpu.memory_space<hbm>>) target_semaphore(%arg17 : memref<!tpu.dma_semaphore, #tpu.memory_space<semaphore_mem>>)
    %add3A_237 = arith.constant 16 : i32
    %add3A_238 = arith.addi %mul3A_2, %add3A_237 : i32
    %dma_start3A_239 = arith.constant 0 : i32
    %dma_start3A_240 = tpu.memref_slice %arg3[%add3A_238, %dma_start3A_239] : memref<6400x128xi32, #tpu.memory_space<hbm>> -> memref<8x128xi32, #tpu.memory_space<hbm>>
    %dma_start3A_241 = arith.constant 0 : i32
    %dma_start3A_242 = tpu.memref_slice %arg3[%add3A_238, %dma_start3A_241] : memref<6400x128xi32, #tpu.memory_space<hbm>> -> memref<8x128xi32, #tpu.memory_space<hbm>>
    tpu.enqueue_dma source(%dma_start3A_242 : memref<8x128xi32, #tpu.memory_space<hbm>>) target(%arg5 : memref<8x128xi32, #tpu.memory_space<vmem>>) target_semaphore(%arg19 : memref<!tpu.dma_semaphore, #tpu.memory_space<semaphore_mem>>)
    %add3A_243 = arith.constant 512 : i32
    %add3A_244 = arith.addi %mul3A_4, %add3A_243 : i32
    %dma_wait3A_245 = arith.constant 0 : i32
    %dma_wait3A_246 = tpu.memref_slice %arg4[%add3A_244, %dma_wait3A_245] : memref<819200x64xf32, #tpu.memory_space<hbm>> -> memref<256x64xf32, #tpu.memory_space<hbm>>
    %dma_wait3A_247 = arith.constant 0 : i32
    %dma_wait3A_248 = tpu.memref_slice %arg4[%add3A_244, %dma_wait3A_247] : memref<819200x64xf32, #tpu.memory_space<hbm>> -> memref<256x64xf32, #tpu.memory_space<hbm>>
    tpu.wait_dma2 semaphore(%arg17 : memref<!tpu.dma_semaphore, #tpu.memory_space<semaphore_mem>>) src(%arg9 : memref<256x64xf32, #tpu.memory_space<vmem>>) dst(%dma_wait3A_248 : memref<256x64xf32, #tpu.memory_space<hbm>>)
    %dma_start3A_249 = arith.constant 4 : i32
    %dma_start3A_250 = arith.constant 0 : i32
    %dma_start3A_251 = arith.constant 0 : i32
    %dma_start3A_252 = tpu.memref_slice %arg9[%dma_start3A_250, %dma_start3A_251] : memref<256x64xf32, #tpu.memory_space<vmem>> -> memref<128x64xf32, #tpu.memory_space<vmem>>
    %dma_start3A_253 = arith.constant 0 : i32
    %dma_start3A_254 = tpu.memref_slice %arg6[%dma_start3A_249, %dma_start3A_253] : memref<8x128xi32, #tpu.memory_space<vmem>> -> memref<1x128xi32, #tpu.memory_space<vmem>>
    %dma_start3A_255 = tpu.memref_squeeze %dma_start3A_254 : memref<1x128xi32, #tpu.memory_space<vmem>> -> memref<128xi32, #tpu.memory_space<vmem>>
    %dma_start3A_256 = arith.constant 0 : i32
    %dma_start3A_257 = arith.constant 0 : i32
    %dma_start3A_258 = tpu.memref_slice %arg2[%dma_start3A_256, %dma_start3A_257] : memref<1000000x64xf32, #tpu.memory_space<hbm>> -> memref<1000000x64xf32, #tpu.memory_space<hbm>>
    tpu.enqueue_indirect_dma source(%dma_start3A_258 : memref<1000000x64xf32, #tpu.memory_space<hbm>>) target(%dma_start3A_252 : memref<128x64xf32, #tpu.memory_space<vmem>>) offsets(%dma_start3A_255 : memref<128xi32, #tpu.memory_space<vmem>>) semaphore(%arg13 : memref<!tpu.dma_semaphore, #tpu.memory_space<semaphore_mem>>)
    %dma_start3A_259 = arith.constant 5 : i32
    %dma_start3A_260 = arith.constant 128 : i32
    %dma_start3A_261 = arith.constant 0 : i32
    %dma_start3A_262 = tpu.memref_slice %arg9[%dma_start3A_260, %dma_start3A_261] : memref<256x64xf32, #tpu.memory_space<vmem>> -> memref<128x64xf32, #tpu.memory_space<vmem>>
    %dma_start3A_263 = arith.constant 0 : i32
    %dma_start3A_264 = tpu.memref_slice %arg6[%dma_start3A_259, %dma_start3A_263] : memref<8x128xi32, #tpu.memory_space<vmem>> -> memref<1x128xi32, #tpu.memory_space<vmem>>
    %dma_start3A_265 = tpu.memref_squeeze %dma_start3A_264 : memref<1x128xi32, #tpu.memory_space<vmem>> -> memref<128xi32, #tpu.memory_space<vmem>>
    %dma_start3A_266 = arith.constant 0 : i32
    %dma_start3A_267 = arith.constant 0 : i32
    %dma_start3A_268 = tpu.memref_slice %arg2[%dma_start3A_266, %dma_start3A_267] : memref<1000000x64xf32, #tpu.memory_space<hbm>> -> memref<1000000x64xf32, #tpu.memory_space<hbm>>
    tpu.enqueue_indirect_dma source(%dma_start3A_268 : memref<1000000x64xf32, #tpu.memory_space<hbm>>) target(%dma_start3A_262 : memref<128x64xf32, #tpu.memory_space<vmem>>) offsets(%dma_start3A_265 : memref<128xi32, #tpu.memory_space<vmem>>) semaphore(%arg13 : memref<!tpu.dma_semaphore, #tpu.memory_space<semaphore_mem>>)
    %dma_wait3A_269 = arith.constant 6 : i32
    %dma_wait3A_270 = arith.constant 0 : i32
    %dma_wait3A_271 = arith.constant 0 : i32
    %dma_wait3A_272 = tpu.memref_slice %arg10[%dma_wait3A_270, %dma_wait3A_271] : memref<256x64xf32, #tpu.memory_space<vmem>> -> memref<128x64xf32, #tpu.memory_space<vmem>>
    %dma_wait3A_273 = arith.constant 0 : i32
    %dma_wait3A_274 = tpu.memref_slice %arg5[%dma_wait3A_269, %dma_wait3A_273] : memref<8x128xi32, #tpu.memory_space<vmem>> -> memref<1x128xi32, #tpu.memory_space<vmem>>
    %dma_wait3A_275 = tpu.memref_squeeze %dma_wait3A_274 : memref<1x128xi32, #tpu.memory_space<vmem>> -> memref<128xi32, #tpu.memory_space<vmem>>
    %dma_wait3A_276 = arith.constant 0 : i32
    %dma_wait3A_277 = arith.constant 0 : i32
    %dma_wait3A_278 = tpu.memref_slice %arg2[%dma_wait3A_276, %dma_wait3A_277] : memref<1000000x64xf32, #tpu.memory_space<hbm>> -> memref<1000000x64xf32, #tpu.memory_space<hbm>>
    tpu.wait_indirect_dma semaphore(%arg14 : memref<!tpu.dma_semaphore, #tpu.memory_space<semaphore_mem>>) src(%dma_wait3A_278 : memref<1000000x64xf32, #tpu.memory_space<hbm>>) dst(%dma_wait3A_272 : memref<128x64xf32, #tpu.memory_space<vmem>>)
    %dma_wait3A_279 = arith.constant 7 : i32
    %dma_wait3A_280 = arith.constant 128 : i32
    %dma_wait3A_281 = arith.constant 0 : i32
    %dma_wait3A_282 = tpu.memref_slice %arg10[%dma_wait3A_280, %dma_wait3A_281] : memref<256x64xf32, #tpu.memory_space<vmem>> -> memref<128x64xf32, #tpu.memory_space<vmem>>
    %dma_wait3A_283 = arith.constant 0 : i32
    %dma_wait3A_284 = tpu.memref_slice %arg5[%dma_wait3A_279, %dma_wait3A_283] : memref<8x128xi32, #tpu.memory_space<vmem>> -> memref<1x128xi32, #tpu.memory_space<vmem>>
    %dma_wait3A_285 = tpu.memref_squeeze %dma_wait3A_284 : memref<1x128xi32, #tpu.memory_space<vmem>> -> memref<128xi32, #tpu.memory_space<vmem>>
    %dma_wait3A_286 = arith.constant 0 : i32
    %dma_wait3A_287 = arith.constant 0 : i32
    %dma_wait3A_288 = tpu.memref_slice %arg2[%dma_wait3A_286, %dma_wait3A_287] : memref<1000000x64xf32, #tpu.memory_space<hbm>> -> memref<1000000x64xf32, #tpu.memory_space<hbm>>
    tpu.wait_indirect_dma semaphore(%arg14 : memref<!tpu.dma_semaphore, #tpu.memory_space<semaphore_mem>>) src(%dma_wait3A_288 : memref<1000000x64xf32, #tpu.memory_space<hbm>>) dst(%dma_wait3A_282 : memref<128x64xf32, #tpu.memory_space<vmem>>)
    %add3A_289 = arith.constant 768 : i32
    %add3A_290 = arith.addi %mul3A_4, %add3A_289 : i32
    %dma_start3A_291 = arith.constant 0 : i32
    %dma_start3A_292 = tpu.memref_slice %arg4[%add3A_290, %dma_start3A_291] : memref<819200x64xf32, #tpu.memory_space<hbm>> -> memref<256x64xf32, #tpu.memory_space<hbm>>
    %dma_start3A_293 = arith.constant 0 : i32
    %dma_start3A_294 = tpu.memref_slice %arg4[%add3A_290, %dma_start3A_293] : memref<819200x64xf32, #tpu.memory_space<hbm>> -> memref<256x64xf32, #tpu.memory_space<hbm>>
    tpu.enqueue_dma source(%arg10 : memref<256x64xf32, #tpu.memory_space<vmem>>) target(%dma_start3A_294 : memref<256x64xf32, #tpu.memory_space<hbm>>) target_semaphore(%arg18 : memref<!tpu.dma_semaphore, #tpu.memory_space<semaphore_mem>>)
    %add3A_295 = arith.constant 768 : i32
    %add3A_296 = arith.addi %mul3A_4, %add3A_295 : i32
    %dma_wait3A_297 = arith.constant 0 : i32
    %dma_wait3A_298 = tpu.memref_slice %arg4[%add3A_296, %dma_wait3A_297] : memref<819200x64xf32, #tpu.memory_space<hbm>> -> memref<256x64xf32, #tpu.memory_space<hbm>>
    %dma_wait3A_299 = arith.constant 0 : i32
    %dma_wait3A_300 = tpu.memref_slice %arg4[%add3A_296, %dma_wait3A_299] : memref<819200x64xf32, #tpu.memory_space<hbm>> -> memref<256x64xf32, #tpu.memory_space<hbm>>
    tpu.wait_dma2 semaphore(%arg18 : memref<!tpu.dma_semaphore, #tpu.memory_space<semaphore_mem>>) src(%arg10 : memref<256x64xf32, #tpu.memory_space<vmem>>) dst(%dma_wait3A_300 : memref<256x64xf32, #tpu.memory_space<hbm>>)
    %dma_start3A_301 = arith.constant 6 : i32
    %dma_start3A_302 = arith.constant 0 : i32
    %dma_start3A_303 = arith.constant 0 : i32
    %dma_start3A_304 = tpu.memref_slice %arg10[%dma_start3A_302, %dma_start3A_303] : memref<256x64xf32, #tpu.memory_space<vmem>> -> memref<128x64xf32, #tpu.memory_space<vmem>>
    %dma_start3A_305 = arith.constant 0 : i32
    %dma_start3A_306 = tpu.memref_slice %arg6[%dma_start3A_301, %dma_start3A_305] : memref<8x128xi32, #tpu.memory_space<vmem>> -> memref<1x128xi32, #tpu.memory_space<vmem>>
    %dma_start3A_307 = tpu.memref_squeeze %dma_start3A_306 : memref<1x128xi32, #tpu.memory_space<vmem>> -> memref<128xi32, #tpu.memory_space<vmem>>
    %dma_start3A_308 = arith.constant 0 : i32
    %dma_start3A_309 = arith.constant 0 : i32
    %dma_start3A_310 = tpu.memref_slice %arg2[%dma_start3A_308, %dma_start3A_309] : memref<1000000x64xf32, #tpu.memory_space<hbm>> -> memref<1000000x64xf32, #tpu.memory_space<hbm>>
    tpu.enqueue_indirect_dma source(%dma_start3A_310 : memref<1000000x64xf32, #tpu.memory_space<hbm>>) target(%dma_start3A_304 : memref<128x64xf32, #tpu.memory_space<vmem>>) offsets(%dma_start3A_307 : memref<128xi32, #tpu.memory_space<vmem>>) semaphore(%arg14 : memref<!tpu.dma_semaphore, #tpu.memory_space<semaphore_mem>>)
    %dma_start3A_311 = arith.constant 7 : i32
    %dma_start3A_312 = arith.constant 128 : i32
    %dma_start3A_313 = arith.constant 0 : i32
    %dma_start3A_314 = tpu.memref_slice %arg10[%dma_start3A_312, %dma_start3A_313] : memref<256x64xf32, #tpu.memory_space<vmem>> -> memref<128x64xf32, #tpu.memory_space<vmem>>
    %dma_start3A_315 = arith.constant 0 : i32
    %dma_start3A_316 = tpu.memref_slice %arg6[%dma_start3A_311, %dma_start3A_315] : memref<8x128xi32, #tpu.memory_space<vmem>> -> memref<1x128xi32, #tpu.memory_space<vmem>>
    %dma_start3A_317 = tpu.memref_squeeze %dma_start3A_316 : memref<1x128xi32, #tpu.memory_space<vmem>> -> memref<128xi32, #tpu.memory_space<vmem>>
    %dma_start3A_318 = arith.constant 0 : i32
    %dma_start3A_319 = arith.constant 0 : i32
    %dma_start3A_320 = tpu.memref_slice %arg2[%dma_start3A_318, %dma_start3A_319] : memref<1000000x64xf32, #tpu.memory_space<hbm>> -> memref<1000000x64xf32, #tpu.memory_space<hbm>>
    tpu.enqueue_indirect_dma source(%dma_start3A_320 : memref<1000000x64xf32, #tpu.memory_space<hbm>>) target(%dma_start3A_314 : memref<128x64xf32, #tpu.memory_space<vmem>>) offsets(%dma_start3A_317 : memref<128xi32, #tpu.memory_space<vmem>>) semaphore(%arg14 : memref<!tpu.dma_semaphore, #tpu.memory_space<semaphore_mem>>)
    %dma_wait3A_321 = arith.constant 0 : i32
    %dma_wait3A_322 = arith.constant 0 : i32
    %dma_wait3A_323 = arith.constant 0 : i32
    %dma_wait3A_324 = tpu.memref_slice %arg7[%dma_wait3A_322, %dma_wait3A_323] : memref<256x64xf32, #tpu.memory_space<vmem>> -> memref<128x64xf32, #tpu.memory_space<vmem>>
    %dma_wait3A_325 = arith.constant 0 : i32
    %dma_wait3A_326 = tpu.memref_slice %arg6[%dma_wait3A_321, %dma_wait3A_325] : memref<8x128xi32, #tpu.memory_space<vmem>> -> memref<1x128xi32, #tpu.memory_space<vmem>>
    %dma_wait3A_327 = tpu.memref_squeeze %dma_wait3A_326 : memref<1x128xi32, #tpu.memory_space<vmem>> -> memref<128xi32, #tpu.memory_space<vmem>>
    %dma_wait3A_328 = arith.constant 0 : i32
    %dma_wait3A_329 = arith.constant 0 : i32
    %dma_wait3A_330 = tpu.memref_slice %arg2[%dma_wait3A_328, %dma_wait3A_329] : memref<1000000x64xf32, #tpu.memory_space<hbm>> -> memref<1000000x64xf32, #tpu.memory_space<hbm>>
    tpu.wait_indirect_dma semaphore(%arg11 : memref<!tpu.dma_semaphore, #tpu.memory_space<semaphore_mem>>) src(%dma_wait3A_330 : memref<1000000x64xf32, #tpu.memory_space<hbm>>) dst(%dma_wait3A_324 : memref<128x64xf32, #tpu.memory_space<vmem>>)
    %dma_wait3A_331 = arith.constant 1 : i32
    %dma_wait3A_332 = arith.constant 128 : i32
    %dma_wait3A_333 = arith.constant 0 : i32
    %dma_wait3A_334 = tpu.memref_slice %arg7[%dma_wait3A_332, %dma_wait3A_333] : memref<256x64xf32, #tpu.memory_space<vmem>> -> memref<128x64xf32, #tpu.memory_space<vmem>>
    %dma_wait3A_335 = arith.constant 0 : i32
    %dma_wait3A_336 = tpu.memref_slice %arg6[%dma_wait3A_331, %dma_wait3A_335] : memref<8x128xi32, #tpu.memory_space<vmem>> -> memref<1x128xi32, #tpu.memory_space<vmem>>
    %dma_wait3A_337 = tpu.memref_squeeze %dma_wait3A_336 : memref<1x128xi32, #tpu.memory_space<vmem>> -> memref<128xi32, #tpu.memory_space<vmem>>
    %dma_wait3A_338 = arith.constant 0 : i32
    %dma_wait3A_339 = arith.constant 0 : i32
    %dma_wait3A_340 = tpu.memref_slice %arg2[%dma_wait3A_338, %dma_wait3A_339] : memref<1000000x64xf32, #tpu.memory_space<hbm>> -> memref<1000000x64xf32, #tpu.memory_space<hbm>>
    tpu.wait_indirect_dma semaphore(%arg11 : memref<!tpu.dma_semaphore, #tpu.memory_space<semaphore_mem>>) src(%dma_wait3A_340 : memref<1000000x64xf32, #tpu.memory_space<hbm>>) dst(%dma_wait3A_334 : memref<128x64xf32, #tpu.memory_space<vmem>>)
    %add3A_341 = arith.constant 1024 : i32
    %add3A_342 = arith.addi %mul3A_4, %add3A_341 : i32
    %dma_start3A_343 = arith.constant 0 : i32
    %dma_start3A_344 = tpu.memref_slice %arg4[%add3A_342, %dma_start3A_343] : memref<819200x64xf32, #tpu.memory_space<hbm>> -> memref<256x64xf32, #tpu.memory_space<hbm>>
    %dma_start3A_345 = arith.constant 0 : i32
    %dma_start3A_346 = tpu.memref_slice %arg4[%add3A_342, %dma_start3A_345] : memref<819200x64xf32, #tpu.memory_space<hbm>> -> memref<256x64xf32, #tpu.memory_space<hbm>>
    tpu.enqueue_dma source(%arg7 : memref<256x64xf32, #tpu.memory_space<vmem>>) target(%dma_start3A_346 : memref<256x64xf32, #tpu.memory_space<hbm>>) target_semaphore(%arg15 : memref<!tpu.dma_semaphore, #tpu.memory_space<semaphore_mem>>)
    %scan3A = arith.constant 0 : i32
    %scan3A_347 = arith.constant 0 : i32
    %scan3A_348 = arith.constant 11 : i32
    %scan3A_349 = arith.addi %scan3A_347, %scan3A_348 : i32
    %scan3A_350 = arith.constant 1 : i32
    scf.for %scan3A_668 = %scan3A_347 to %scan3A_349 step %scan3A_350  : i32 {
      %mul3A_669 = arith.constant 2 : i32
      %mul3A_670 = arith.muli %scan3A_668, %mul3A_669 : i32
      %mul3A_671 = arith.constant 4 : i32
      %mul3A_672 = arith.muli %mul3A_670, %mul3A_671 : i32
      %add3A_673 = arith.constant 8 : i32
      %add3A_674 = arith.addi %add3A_673, %mul3A_672 : i32
      %add3A_675 = arith.constant 0 : i32
      %add3A_676 = arith.addi %add3A_674, %add3A_675 : i32
      %sub3A = arith.constant 4 : i32
      %sub3A_677 = arith.subi %add3A_676, %sub3A : i32
      %mul3A_678 = arith.constant 256 : i32
      %mul3A_679 = arith.muli %sub3A_677, %mul3A_678 : i32
      %add3A_680 = arith.addi %mul3A_4, %mul3A_679 : i32
      %dma_wait3A_681 = arith.constant 0 : i32
      %dma_wait3A_682 = tpu.memref_slice %arg4[%add3A_680, %dma_wait3A_681] : memref<819200x64xf32, #tpu.memory_space<hbm>> -> memref<256x64xf32, #tpu.memory_space<hbm>>
      %dma_wait3A_683 = arith.constant 0 : i32
      %dma_wait3A_684 = tpu.memref_slice %arg4[%add3A_680, %dma_wait3A_683] : memref<819200x64xf32, #tpu.memory_space<hbm>> -> memref<256x64xf32, #tpu.memory_space<hbm>>
      tpu.wait_dma2 semaphore(%arg15 : memref<!tpu.dma_semaphore, #tpu.memory_space<semaphore_mem>>) src(%arg7 : memref<256x64xf32, #tpu.memory_space<vmem>>) dst(%dma_wait3A_684 : memref<256x64xf32, #tpu.memory_space<hbm>>)
      %jit3A = arith.constant 4 : i32
      %div3A = arith.divsi %add3A_676, %jit3A : i32
      %sign3A = arith.constant 0 : i32
      %sign3A_685 = arith.cmpi sgt, %add3A_676, %sign3A : i32
      %sign3A_686 = arith.extui %sign3A_685 : i1 to i32
      %sign3A_687 = arith.constant 0 : i32
      %sign3A_688 = arith.cmpi slt, %add3A_676, %sign3A_687 : i32
      %sign3A_689 = arith.extui %sign3A_688 : i1 to i32
      %sign3A_690 = arith.subi %sign3A_686, %sign3A_689 : i32
      %sign3A_691 = arith.constant 0 : i32
      %sign3A_692 = arith.cmpi sgt, %jit3A, %sign3A_691 : i32
      %sign3A_693 = arith.extui %sign3A_692 : i1 to i32
      %sign3A_694 = arith.constant 0 : i32
      %sign3A_695 = arith.cmpi slt, %jit3A, %sign3A_694 : i32
      %sign3A_696 = arith.extui %sign3A_695 : i1 to i32
      %sign3A_697 = arith.subi %sign3A_693, %sign3A_696 : i32
      %ne3A = arith.cmpi ne, %sign3A_690, %sign3A_697 : i32
      %rem3A = arith.remsi %add3A_676, %jit3A : i32
      %ne3A_698 = arith.constant 0 : i32
      %ne3A_699 = arith.cmpi ne, %rem3A, %ne3A_698 : i32
      %and3A = arith.andi %ne3A, %ne3A_699 : i1
      %sub3A_700 = arith.constant 1 : i32
      %sub3A_701 = arith.subi %div3A, %sub3A_700 : i32
      %select_n3A = arith.select %and3A, %sub3A_701, %div3A : i32
      %mul3A_702 = arith.constant 8 : i32
      %mul3A_703 = arith.muli %select_n3A, %mul3A_702 : i32
      %add3A_704 = arith.addi %mul3A_2, %mul3A_703 : i32
      %dma_wait3A_705 = arith.constant 0 : i32
      %dma_wait3A_706 = tpu.memref_slice %arg3[%add3A_704, %dma_wait3A_705] : memref<6400x128xi32, #tpu.memory_space<hbm>> -> memref<8x128xi32, #tpu.memory_space<hbm>>
      %dma_wait3A_707 = arith.constant 0 : i32
      %dma_wait3A_708 = tpu.memref_slice %arg3[%add3A_704, %dma_wait3A_707] : memref<6400x128xi32, #tpu.memory_space<hbm>> -> memref<8x128xi32, #tpu.memory_space<hbm>>
      tpu.wait_dma2 semaphore(%arg19 : memref<!tpu.dma_semaphore, #tpu.memory_space<semaphore_mem>>) src(%dma_wait3A_708 : memref<8x128xi32, #tpu.memory_space<hbm>>) dst(%arg5 : memref<8x128xi32, #tpu.memory_space<vmem>>)
      %dma_start3A_709 = arith.constant 0 : i32
      %dma_start3A_710 = arith.constant 0 : i32
      %dma_start3A_711 = arith.constant 0 : i32
      %dma_start3A_712 = tpu.memref_slice %arg7[%dma_start3A_710, %dma_start3A_711] : memref<256x64xf32, #tpu.memory_space<vmem>> -> memref<128x64xf32, #tpu.memory_space<vmem>>
      %dma_start3A_713 = arith.constant 0 : i32
      %dma_start3A_714 = tpu.memref_slice %arg5[%dma_start3A_709, %dma_start3A_713] : memref<8x128xi32, #tpu.memory_space<vmem>> -> memref<1x128xi32, #tpu.memory_space<vmem>>
      %dma_start3A_715 = tpu.memref_squeeze %dma_start3A_714 : memref<1x128xi32, #tpu.memory_space<vmem>> -> memref<128xi32, #tpu.memory_space<vmem>>
      %dma_start3A_716 = arith.constant 0 : i32
      %dma_start3A_717 = arith.constant 0 : i32
      %dma_start3A_718 = tpu.memref_slice %arg2[%dma_start3A_716, %dma_start3A_717] : memref<1000000x64xf32, #tpu.memory_space<hbm>> -> memref<1000000x64xf32, #tpu.memory_space<hbm>>
      tpu.enqueue_indirect_dma source(%dma_start3A_718 : memref<1000000x64xf32, #tpu.memory_space<hbm>>) target(%dma_start3A_712 : memref<128x64xf32, #tpu.memory_space<vmem>>) offsets(%dma_start3A_715 : memref<128xi32, #tpu.memory_space<vmem>>) semaphore(%arg11 : memref<!tpu.dma_semaphore, #tpu.memory_space<semaphore_mem>>)
      %dma_start3A_719 = arith.constant 1 : i32
      %dma_start3A_720 = arith.constant 128 : i32
      %dma_start3A_721 = arith.constant 0 : i32
      %dma_start3A_722 = tpu.memref_slice %arg7[%dma_start3A_720, %dma_start3A_721] : memref<256x64xf32, #tpu.memory_space<vmem>> -> memref<128x64xf32, #tpu.memory_space<vmem>>
      %dma_start3A_723 = arith.constant 0 : i32
      %dma_start3A_724 = tpu.memref_slice %arg5[%dma_start3A_719, %dma_start3A_723] : memref<8x128xi32, #tpu.memory_space<vmem>> -> memref<1x128xi32, #tpu.memory_space<vmem>>
      %dma_start3A_725 = tpu.memref_squeeze %dma_start3A_724 : memref<1x128xi32, #tpu.memory_space<vmem>> -> memref<128xi32, #tpu.memory_space<vmem>>
      %dma_start3A_726 = arith.constant 0 : i32
      %dma_start3A_727 = arith.constant 0 : i32
      %dma_start3A_728 = tpu.memref_slice %arg2[%dma_start3A_726, %dma_start3A_727] : memref<1000000x64xf32, #tpu.memory_space<hbm>> -> memref<1000000x64xf32, #tpu.memory_space<hbm>>
      tpu.enqueue_indirect_dma source(%dma_start3A_728 : memref<1000000x64xf32, #tpu.memory_space<hbm>>) target(%dma_start3A_722 : memref<128x64xf32, #tpu.memory_space<vmem>>) offsets(%dma_start3A_725 : memref<128xi32, #tpu.memory_space<vmem>>) semaphore(%arg11 : memref<!tpu.dma_semaphore, #tpu.memory_space<semaphore_mem>>)
      %dma_wait3A_729 = arith.constant 2 : i32
      %dma_wait3A_730 = arith.constant 0 : i32
      %dma_wait3A_731 = arith.constant 0 : i32
      %dma_wait3A_732 = tpu.memref_slice %arg8[%dma_wait3A_730, %dma_wait3A_731] : memref<256x64xf32, #tpu.memory_space<vmem>> -> memref<128x64xf32, #tpu.memory_space<vmem>>
      %dma_wait3A_733 = arith.constant 0 : i32
      %dma_wait3A_734 = tpu.memref_slice %arg6[%dma_wait3A_729, %dma_wait3A_733] : memref<8x128xi32, #tpu.memory_space<vmem>> -> memref<1x128xi32, #tpu.memory_space<vmem>>
      %dma_wait3A_735 = tpu.memref_squeeze %dma_wait3A_734 : memref<1x128xi32, #tpu.memory_space<vmem>> -> memref<128xi32, #tpu.memory_space<vmem>>
      %dma_wait3A_736 = arith.constant 0 : i32
      %dma_wait3A_737 = arith.constant 0 : i32
      %dma_wait3A_738 = tpu.memref_slice %arg2[%dma_wait3A_736, %dma_wait3A_737] : memref<1000000x64xf32, #tpu.memory_space<hbm>> -> memref<1000000x64xf32, #tpu.memory_space<hbm>>
      tpu.wait_indirect_dma semaphore(%arg12 : memref<!tpu.dma_semaphore, #tpu.memory_space<semaphore_mem>>) src(%dma_wait3A_738 : memref<1000000x64xf32, #tpu.memory_space<hbm>>) dst(%dma_wait3A_732 : memref<128x64xf32, #tpu.memory_space<vmem>>)
      %dma_wait3A_739 = arith.constant 3 : i32
      %dma_wait3A_740 = arith.constant 128 : i32
      %dma_wait3A_741 = arith.constant 0 : i32
      %dma_wait3A_742 = tpu.memref_slice %arg8[%dma_wait3A_740, %dma_wait3A_741] : memref<256x64xf32, #tpu.memory_space<vmem>> -> memref<128x64xf32, #tpu.memory_space<vmem>>
      %dma_wait3A_743 = arith.constant 0 : i32
      %dma_wait3A_744 = tpu.memref_slice %arg6[%dma_wait3A_739, %dma_wait3A_743] : memref<8x128xi32, #tpu.memory_space<vmem>> -> memref<1x128xi32, #tpu.memory_space<vmem>>
      %dma_wait3A_745 = tpu.memref_squeeze %dma_wait3A_744 : memref<1x128xi32, #tpu.memory_space<vmem>> -> memref<128xi32, #tpu.memory_space<vmem>>
      %dma_wait3A_746 = arith.constant 0 : i32
      %dma_wait3A_747 = arith.constant 0 : i32
      %dma_wait3A_748 = tpu.memref_slice %arg2[%dma_wait3A_746, %dma_wait3A_747] : memref<1000000x64xf32, #tpu.memory_space<hbm>> -> memref<1000000x64xf32, #tpu.memory_space<hbm>>
      tpu.wait_indirect_dma semaphore(%arg12 : memref<!tpu.dma_semaphore, #tpu.memory_space<semaphore_mem>>) src(%dma_wait3A_748 : memref<1000000x64xf32, #tpu.memory_space<hbm>>) dst(%dma_wait3A_742 : memref<128x64xf32, #tpu.memory_space<vmem>>)
      %sub3A_749 = arith.constant 3 : i32
      %sub3A_750 = arith.subi %add3A_676, %sub3A_749 : i32
      %mul3A_751 = arith.constant 256 : i32
      %mul3A_752 = arith.muli %sub3A_750, %mul3A_751 : i32
      %add3A_753 = arith.addi %mul3A_4, %mul3A_752 : i32
      %dma_start3A_754 = arith.constant 0 : i32
      %dma_start3A_755 = tpu.memref_slice %arg4[%add3A_753, %dma_start3A_754] : memref<819200x64xf32, #tpu.memory_space<hbm>> -> memref<256x64xf32, #tpu.memory_space<hbm>>
      %dma_start3A_756 = arith.constant 0 : i32
      %dma_start3A_757 = tpu.memref_slice %arg4[%add3A_753, %dma_start3A_756] : memref<819200x64xf32, #tpu.memory_space<hbm>> -> memref<256x64xf32, #tpu.memory_space<hbm>>
      tpu.enqueue_dma source(%arg8 : memref<256x64xf32, #tpu.memory_space<vmem>>) target(%dma_start3A_757 : memref<256x64xf32, #tpu.memory_space<hbm>>) target_semaphore(%arg16 : memref<!tpu.dma_semaphore, #tpu.memory_space<semaphore_mem>>)
      %add3A_758 = arith.constant 1 : i32
      %add3A_759 = arith.addi %add3A_674, %add3A_758 : i32
      %sub3A_760 = arith.constant 4 : i32
      %sub3A_761 = arith.subi %add3A_759, %sub3A_760 : i32
      %mul3A_762 = arith.constant 256 : i32
      %mul3A_763 = arith.muli %sub3A_761, %mul3A_762 : i32
      %add3A_764 = arith.addi %mul3A_4, %mul3A_763 : i32
      %dma_wait3A_765 = arith.constant 0 : i32
      %dma_wait3A_766 = tpu.memref_slice %arg4[%add3A_764, %dma_wait3A_765] : memref<819200x64xf32, #tpu.memory_space<hbm>> -> memref<256x64xf32, #tpu.memory_space<hbm>>
      %dma_wait3A_767 = arith.constant 0 : i32
      %dma_wait3A_768 = tpu.memref_slice %arg4[%add3A_764, %dma_wait3A_767] : memref<819200x64xf32, #tpu.memory_space<hbm>> -> memref<256x64xf32, #tpu.memory_space<hbm>>
      tpu.wait_dma2 semaphore(%arg16 : memref<!tpu.dma_semaphore, #tpu.memory_space<semaphore_mem>>) src(%arg8 : memref<256x64xf32, #tpu.memory_space<vmem>>) dst(%dma_wait3A_768 : memref<256x64xf32, #tpu.memory_space<hbm>>)
      %dma_start3A_769 = arith.constant 2 : i32
      %dma_start3A_770 = arith.constant 0 : i32
      %dma_start3A_771 = arith.constant 0 : i32
      %dma_start3A_772 = tpu.memref_slice %arg8[%dma_start3A_770, %dma_start3A_771] : memref<256x64xf32, #tpu.memory_space<vmem>> -> memref<128x64xf32, #tpu.memory_space<vmem>>
      %dma_start3A_773 = arith.constant 0 : i32
      %dma_start3A_774 = tpu.memref_slice %arg5[%dma_start3A_769, %dma_start3A_773] : memref<8x128xi32, #tpu.memory_space<vmem>> -> memref<1x128xi32, #tpu.memory_space<vmem>>
      %dma_start3A_775 = tpu.memref_squeeze %dma_start3A_774 : memref<1x128xi32, #tpu.memory_space<vmem>> -> memref<128xi32, #tpu.memory_space<vmem>>
      %dma_start3A_776 = arith.constant 0 : i32
      %dma_start3A_777 = arith.constant 0 : i32
      %dma_start3A_778 = tpu.memref_slice %arg2[%dma_start3A_776, %dma_start3A_777] : memref<1000000x64xf32, #tpu.memory_space<hbm>> -> memref<1000000x64xf32, #tpu.memory_space<hbm>>
      tpu.enqueue_indirect_dma source(%dma_start3A_778 : memref<1000000x64xf32, #tpu.memory_space<hbm>>) target(%dma_start3A_772 : memref<128x64xf32, #tpu.memory_space<vmem>>) offsets(%dma_start3A_775 : memref<128xi32, #tpu.memory_space<vmem>>) semaphore(%arg12 : memref<!tpu.dma_semaphore, #tpu.memory_space<semaphore_mem>>)
      %dma_start3A_779 = arith.constant 3 : i32
      %dma_start3A_780 = arith.constant 128 : i32
      %dma_start3A_781 = arith.constant 0 : i32
      %dma_start3A_782 = tpu.memref_slice %arg8[%dma_start3A_780, %dma_start3A_781] : memref<256x64xf32, #tpu.memory_space<vmem>> -> memref<128x64xf32, #tpu.memory_space<vmem>>
      %dma_start3A_783 = arith.constant 0 : i32
      %dma_start3A_784 = tpu.memref_slice %arg5[%dma_start3A_779, %dma_start3A_783] : memref<8x128xi32, #tpu.memory_space<vmem>> -> memref<1x128xi32, #tpu.memory_space<vmem>>
      %dma_start3A_785 = tpu.memref_squeeze %dma_start3A_784 : memref<1x128xi32, #tpu.memory_space<vmem>> -> memref<128xi32, #tpu.memory_space<vmem>>
      %dma_start3A_786 = arith.constant 0 : i32
      %dma_start3A_787 = arith.constant 0 : i32
      %dma_start3A_788 = tpu.memref_slice %arg2[%dma_start3A_786, %dma_start3A_787] : memref<1000000x64xf32, #tpu.memory_space<hbm>> -> memref<1000000x64xf32, #tpu.memory_space<hbm>>
      tpu.enqueue_indirect_dma source(%dma_start3A_788 : memref<1000000x64xf32, #tpu.memory_space<hbm>>) target(%dma_start3A_782 : memref<128x64xf32, #tpu.memory_space<vmem>>) offsets(%dma_start3A_785 : memref<128xi32, #tpu.memory_space<vmem>>) semaphore(%arg12 : memref<!tpu.dma_semaphore, #tpu.memory_space<semaphore_mem>>)
      %dma_wait3A_789 = arith.constant 4 : i32
      %dma_wait3A_790 = arith.constant 0 : i32
      %dma_wait3A_791 = arith.constant 0 : i32
      %dma_wait3A_792 = tpu.memref_slice %arg9[%dma_wait3A_790, %dma_wait3A_791] : memref<256x64xf32, #tpu.memory_space<vmem>> -> memref<128x64xf32, #tpu.memory_space<vmem>>
      %dma_wait3A_793 = arith.constant 0 : i32
      %dma_wait3A_794 = tpu.memref_slice %arg6[%dma_wait3A_789, %dma_wait3A_793] : memref<8x128xi32, #tpu.memory_space<vmem>> -> memref<1x128xi32, #tpu.memory_space<vmem>>
      %dma_wait3A_795 = tpu.memref_squeeze %dma_wait3A_794 : memref<1x128xi32, #tpu.memory_space<vmem>> -> memref<128xi32, #tpu.memory_space<vmem>>
      %dma_wait3A_796 = arith.constant 0 : i32
      %dma_wait3A_797 = arith.constant 0 : i32
      %dma_wait3A_798 = tpu.memref_slice %arg2[%dma_wait3A_796, %dma_wait3A_797] : memref<1000000x64xf32, #tpu.memory_space<hbm>> -> memref<1000000x64xf32, #tpu.memory_space<hbm>>
      tpu.wait_indirect_dma semaphore(%arg13 : memref<!tpu.dma_semaphore, #tpu.memory_space<semaphore_mem>>) src(%dma_wait3A_798 : memref<1000000x64xf32, #tpu.memory_space<hbm>>) dst(%dma_wait3A_792 : memref<128x64xf32, #tpu.memory_space<vmem>>)
      %dma_wait3A_799 = arith.constant 5 : i32
      %dma_wait3A_800 = arith.constant 128 : i32
      %dma_wait3A_801 = arith.constant 0 : i32
      %dma_wait3A_802 = tpu.memref_slice %arg9[%dma_wait3A_800, %dma_wait3A_801] : memref<256x64xf32, #tpu.memory_space<vmem>> -> memref<128x64xf32, #tpu.memory_space<vmem>>
      %dma_wait3A_803 = arith.constant 0 : i32
      %dma_wait3A_804 = tpu.memref_slice %arg6[%dma_wait3A_799, %dma_wait3A_803] : memref<8x128xi32, #tpu.memory_space<vmem>> -> memref<1x128xi32, #tpu.memory_space<vmem>>
      %dma_wait3A_805 = tpu.memref_squeeze %dma_wait3A_804 : memref<1x128xi32, #tpu.memory_space<vmem>> -> memref<128xi32, #tpu.memory_space<vmem>>
      %dma_wait3A_806 = arith.constant 0 : i32
      %dma_wait3A_807 = arith.constant 0 : i32
      %dma_wait3A_808 = tpu.memref_slice %arg2[%dma_wait3A_806, %dma_wait3A_807] : memref<1000000x64xf32, #tpu.memory_space<hbm>> -> memref<1000000x64xf32, #tpu.memory_space<hbm>>
      tpu.wait_indirect_dma semaphore(%arg13 : memref<!tpu.dma_semaphore, #tpu.memory_space<semaphore_mem>>) src(%dma_wait3A_808 : memref<1000000x64xf32, #tpu.memory_space<hbm>>) dst(%dma_wait3A_802 : memref<128x64xf32, #tpu.memory_space<vmem>>)
      %sub3A_809 = arith.constant 3 : i32
      %sub3A_810 = arith.subi %add3A_759, %sub3A_809 : i32
      %mul3A_811 = arith.constant 256 : i32
      %mul3A_812 = arith.muli %sub3A_810, %mul3A_811 : i32
      %add3A_813 = arith.addi %mul3A_4, %mul3A_812 : i32
      %dma_start3A_814 = arith.constant 0 : i32
      %dma_start3A_815 = tpu.memref_slice %arg4[%add3A_813, %dma_start3A_814] : memref<819200x64xf32, #tpu.memory_space<hbm>> -> memref<256x64xf32, #tpu.memory_space<hbm>>
      %dma_start3A_816 = arith.constant 0 : i32
      %dma_start3A_817 = tpu.memref_slice %arg4[%add3A_813, %dma_start3A_816] : memref<819200x64xf32, #tpu.memory_space<hbm>> -> memref<256x64xf32, #tpu.memory_space<hbm>>
      tpu.enqueue_dma source(%arg9 : memref<256x64xf32, #tpu.memory_space<vmem>>) target(%dma_start3A_817 : memref<256x64xf32, #tpu.memory_space<hbm>>) target_semaphore(%arg17 : memref<!tpu.dma_semaphore, #tpu.memory_space<semaphore_mem>>)
      %jit3A_818 = arith.constant 4 : i32
      %div3A_819 = arith.divsi %add3A_759, %jit3A_818 : i32
      %sign3A_820 = arith.constant 0 : i32
      %sign3A_821 = arith.cmpi sgt, %add3A_759, %sign3A_820 : i32
      %sign3A_822 = arith.extui %sign3A_821 : i1 to i32
      %sign3A_823 = arith.constant 0 : i32
      %sign3A_824 = arith.cmpi slt, %add3A_759, %sign3A_823 : i32
      %sign3A_825 = arith.extui %sign3A_824 : i1 to i32
      %sign3A_826 = arith.subi %sign3A_822, %sign3A_825 : i32
      %sign3A_827 = arith.constant 0 : i32
      %sign3A_828 = arith.cmpi sgt, %jit3A_818, %sign3A_827 : i32
      %sign3A_829 = arith.extui %sign3A_828 : i1 to i32
      %sign3A_830 = arith.constant 0 : i32
      %sign3A_831 = arith.cmpi slt, %jit3A_818, %sign3A_830 : i32
      %sign3A_832 = arith.extui %sign3A_831 : i1 to i32
      %sign3A_833 = arith.subi %sign3A_829, %sign3A_832 : i32
      %ne3A_834 = arith.cmpi ne, %sign3A_826, %sign3A_833 : i32
      %rem3A_835 = arith.remsi %add3A_759, %jit3A_818 : i32
      %ne3A_836 = arith.constant 0 : i32
      %ne3A_837 = arith.cmpi ne, %rem3A_835, %ne3A_836 : i32
      %and3A_838 = arith.andi %ne3A_834, %ne3A_837 : i1
      %sub3A_839 = arith.constant 1 : i32
      %sub3A_840 = arith.subi %div3A_819, %sub3A_839 : i32
      %select_n3A_841 = arith.select %and3A_838, %sub3A_840, %div3A_819 : i32
      %add3A_842 = arith.constant 1 : i32
      %add3A_843 = arith.addi %select_n3A_841, %add3A_842 : i32
      %lt3A = arith.constant 25 : i32
      %lt3A_844 = arith.cmpi slt, %add3A_843, %lt3A : i32
      %convert_element_type3A = arith.extui %lt3A_844 : i1 to i32
      %cond3A = arith.constant 0 : i32
      %cond3A_845 = arith.cmpi ne, %convert_element_type3A, %cond3A : i32
      scf.if %cond3A_845 {
        %mul3A_1268 = arith.constant 8 : i32
        %mul3A_1269 = arith.muli %add3A_843, %mul3A_1268 : i32
        %add3A_1270 = arith.addi %mul3A_2, %mul3A_1269 : i32
        %dma_start3A_1271 = arith.constant 0 : i32
        %dma_start3A_1272 = tpu.memref_slice %arg3[%add3A_1270, %dma_start3A_1271] : memref<6400x128xi32, #tpu.memory_space<hbm>> -> memref<8x128xi32, #tpu.memory_space<hbm>>
        %dma_start3A_1273 = arith.constant 0 : i32
        %dma_start3A_1274 = tpu.memref_slice %arg3[%add3A_1270, %dma_start3A_1273] : memref<6400x128xi32, #tpu.memory_space<hbm>> -> memref<8x128xi32, #tpu.memory_space<hbm>>
        tpu.enqueue_dma source(%dma_start3A_1274 : memref<8x128xi32, #tpu.memory_space<hbm>>) target(%arg6 : memref<8x128xi32, #tpu.memory_space<vmem>>) target_semaphore(%arg20 : memref<!tpu.dma_semaphore, #tpu.memory_space<semaphore_mem>>)
      } else {
      }
      %add3A_846 = arith.constant 2 : i32
      %add3A_847 = arith.addi %add3A_674, %add3A_846 : i32
      %sub3A_848 = arith.constant 4 : i32
      %sub3A_849 = arith.subi %add3A_847, %sub3A_848 : i32
      %mul3A_850 = arith.constant 256 : i32
      %mul3A_851 = arith.muli %sub3A_849, %mul3A_850 : i32
      %add3A_852 = arith.addi %mul3A_4, %mul3A_851 : i32
      %dma_wait3A_853 = arith.constant 0 : i32
      %dma_wait3A_854 = tpu.memref_slice %arg4[%add3A_852, %dma_wait3A_853] : memref<819200x64xf32, #tpu.memory_space<hbm>> -> memref<256x64xf32, #tpu.memory_space<hbm>>
      %dma_wait3A_855 = arith.constant 0 : i32
      %dma_wait3A_856 = tpu.memref_slice %arg4[%add3A_852, %dma_wait3A_855] : memref<819200x64xf32, #tpu.memory_space<hbm>> -> memref<256x64xf32, #tpu.memory_space<hbm>>
      tpu.wait_dma2 semaphore(%arg17 : memref<!tpu.dma_semaphore, #tpu.memory_space<semaphore_mem>>) src(%arg9 : memref<256x64xf32, #tpu.memory_space<vmem>>) dst(%dma_wait3A_856 : memref<256x64xf32, #tpu.memory_space<hbm>>)
      %dma_start3A_857 = arith.constant 4 : i32
      %dma_start3A_858 = arith.constant 0 : i32
      %dma_start3A_859 = arith.constant 0 : i32
      %dma_start3A_860 = tpu.memref_slice %arg9[%dma_start3A_858, %dma_start3A_859] : memref<256x64xf32, #tpu.memory_space<vmem>> -> memref<128x64xf32, #tpu.memory_space<vmem>>
      %dma_start3A_861 = arith.constant 0 : i32
      %dma_start3A_862 = tpu.memref_slice %arg5[%dma_start3A_857, %dma_start3A_861] : memref<8x128xi32, #tpu.memory_space<vmem>> -> memref<1x128xi32, #tpu.memory_space<vmem>>
      %dma_start3A_863 = tpu.memref_squeeze %dma_start3A_862 : memref<1x128xi32, #tpu.memory_space<vmem>> -> memref<128xi32, #tpu.memory_space<vmem>>
      %dma_start3A_864 = arith.constant 0 : i32
      %dma_start3A_865 = arith.constant 0 : i32
      %dma_start3A_866 = tpu.memref_slice %arg2[%dma_start3A_864, %dma_start3A_865] : memref<1000000x64xf32, #tpu.memory_space<hbm>> -> memref<1000000x64xf32, #tpu.memory_space<hbm>>
      tpu.enqueue_indirect_dma source(%dma_start3A_866 : memref<1000000x64xf32, #tpu.memory_space<hbm>>) target(%dma_start3A_860 : memref<128x64xf32, #tpu.memory_space<vmem>>) offsets(%dma_start3A_863 : memref<128xi32, #tpu.memory_space<vmem>>) semaphore(%arg13 : memref<!tpu.dma_semaphore, #tpu.memory_space<semaphore_mem>>)
      %dma_start3A_867 = arith.constant 5 : i32
      %dma_start3A_868 = arith.constant 128 : i32
      %dma_start3A_869 = arith.constant 0 : i32
      %dma_start3A_870 = tpu.memref_slice %arg9[%dma_start3A_868, %dma_start3A_869] : memref<256x64xf32, #tpu.memory_space<vmem>> -> memref<128x64xf32, #tpu.memory_space<vmem>>
      %dma_start3A_871 = arith.constant 0 : i32
      %dma_start3A_872 = tpu.memref_slice %arg5[%dma_start3A_867, %dma_start3A_871] : memref<8x128xi32, #tpu.memory_space<vmem>> -> memref<1x128xi32, #tpu.memory_space<vmem>>
      %dma_start3A_873 = tpu.memref_squeeze %dma_start3A_872 : memref<1x128xi32, #tpu.memory_space<vmem>> -> memref<128xi32, #tpu.memory_space<vmem>>
      %dma_start3A_874 = arith.constant 0 : i32
      %dma_start3A_875 = arith.constant 0 : i32
      %dma_start3A_876 = tpu.memref_slice %arg2[%dma_start3A_874, %dma_start3A_875] : memref<1000000x64xf32, #tpu.memory_space<hbm>> -> memref<1000000x64xf32, #tpu.memory_space<hbm>>
      tpu.enqueue_indirect_dma source(%dma_start3A_876 : memref<1000000x64xf32, #tpu.memory_space<hbm>>) target(%dma_start3A_870 : memref<128x64xf32, #tpu.memory_space<vmem>>) offsets(%dma_start3A_873 : memref<128xi32, #tpu.memory_space<vmem>>) semaphore(%arg13 : memref<!tpu.dma_semaphore, #tpu.memory_space<semaphore_mem>>)
      %dma_wait3A_877 = arith.constant 6 : i32
      %dma_wait3A_878 = arith.constant 0 : i32
      %dma_wait3A_879 = arith.constant 0 : i32
      %dma_wait3A_880 = tpu.memref_slice %arg10[%dma_wait3A_878, %dma_wait3A_879] : memref<256x64xf32, #tpu.memory_space<vmem>> -> memref<128x64xf32, #tpu.memory_space<vmem>>
      %dma_wait3A_881 = arith.constant 0 : i32
      %dma_wait3A_882 = tpu.memref_slice %arg6[%dma_wait3A_877, %dma_wait3A_881] : memref<8x128xi32, #tpu.memory_space<vmem>> -> memref<1x128xi32, #tpu.memory_space<vmem>>
      %dma_wait3A_883 = tpu.memref_squeeze %dma_wait3A_882 : memref<1x128xi32, #tpu.memory_space<vmem>> -> memref<128xi32, #tpu.memory_space<vmem>>
      %dma_wait3A_884 = arith.constant 0 : i32
      %dma_wait3A_885 = arith.constant 0 : i32
      %dma_wait3A_886 = tpu.memref_slice %arg2[%dma_wait3A_884, %dma_wait3A_885] : memref<1000000x64xf32, #tpu.memory_space<hbm>> -> memref<1000000x64xf32, #tpu.memory_space<hbm>>
      tpu.wait_indirect_dma semaphore(%arg14 : memref<!tpu.dma_semaphore, #tpu.memory_space<semaphore_mem>>) src(%dma_wait3A_886 : memref<1000000x64xf32, #tpu.memory_space<hbm>>) dst(%dma_wait3A_880 : memref<128x64xf32, #tpu.memory_space<vmem>>)
      %dma_wait3A_887 = arith.constant 7 : i32
      %dma_wait3A_888 = arith.constant 128 : i32
      %dma_wait3A_889 = arith.constant 0 : i32
      %dma_wait3A_890 = tpu.memref_slice %arg10[%dma_wait3A_888, %dma_wait3A_889] : memref<256x64xf32, #tpu.memory_space<vmem>> -> memref<128x64xf32, #tpu.memory_space<vmem>>
      %dma_wait3A_891 = arith.constant 0 : i32
      %dma_wait3A_892 = tpu.memref_slice %arg6[%dma_wait3A_887, %dma_wait3A_891] : memref<8x128xi32, #tpu.memory_space<vmem>> -> memref<1x128xi32, #tpu.memory_space<vmem>>
      %dma_wait3A_893 = tpu.memref_squeeze %dma_wait3A_892 : memref<1x128xi32, #tpu.memory_space<vmem>> -> memref<128xi32, #tpu.memory_space<vmem>>
      %dma_wait3A_894 = arith.constant 0 : i32
      %dma_wait3A_895 = arith.constant 0 : i32
      %dma_wait3A_896 = tpu.memref_slice %arg2[%dma_wait3A_894, %dma_wait3A_895] : memref<1000000x64xf32, #tpu.memory_space<hbm>> -> memref<1000000x64xf32, #tpu.memory_space<hbm>>
      tpu.wait_indirect_dma semaphore(%arg14 : memref<!tpu.dma_semaphore, #tpu.memory_space<semaphore_mem>>) src(%dma_wait3A_896 : memref<1000000x64xf32, #tpu.memory_space<hbm>>) dst(%dma_wait3A_890 : memref<128x64xf32, #tpu.memory_space<vmem>>)
      %sub3A_897 = arith.constant 3 : i32
      %sub3A_898 = arith.subi %add3A_847, %sub3A_897 : i32
      %mul3A_899 = arith.constant 256 : i32
      %mul3A_900 = arith.muli %sub3A_898, %mul3A_899 : i32
      %add3A_901 = arith.addi %mul3A_4, %mul3A_900 : i32
      %dma_start3A_902 = arith.constant 0 : i32
      %dma_start3A_903 = tpu.memref_slice %arg4[%add3A_901, %dma_start3A_902] : memref<819200x64xf32, #tpu.memory_space<hbm>> -> memref<256x64xf32, #tpu.memory_space<hbm>>
      %dma_start3A_904 = arith.constant 0 : i32
      %dma_start3A_905 = tpu.memref_slice %arg4[%add3A_901, %dma_start3A_904] : memref<819200x64xf32, #tpu.memory_space<hbm>> -> memref<256x64xf32, #tpu.memory_space<hbm>>
      tpu.enqueue_dma source(%arg10 : memref<256x64xf32, #tpu.memory_space<vmem>>) target(%dma_start3A_905 : memref<256x64xf32, #tpu.memory_space<hbm>>) target_semaphore(%arg18 : memref<!tpu.dma_semaphore, #tpu.memory_space<semaphore_mem>>)
      %add3A_906 = arith.constant 3 : i32
      %add3A_907 = arith.addi %add3A_674, %add3A_906 : i32
      %sub3A_908 = arith.constant 4 : i32
      %sub3A_909 = arith.subi %add3A_907, %sub3A_908 : i32
      %mul3A_910 = arith.constant 256 : i32
      %mul3A_911 = arith.muli %sub3A_909, %mul3A_910 : i32
      %add3A_912 = arith.addi %mul3A_4, %mul3A_911 : i32
      %dma_wait3A_913 = arith.constant 0 : i32
      %dma_wait3A_914 = tpu.memref_slice %arg4[%add3A_912, %dma_wait3A_913] : memref<819200x64xf32, #tpu.memory_space<hbm>> -> memref<256x64xf32, #tpu.memory_space<hbm>>
      %dma_wait3A_915 = arith.constant 0 : i32
      %dma_wait3A_916 = tpu.memref_slice %arg4[%add3A_912, %dma_wait3A_915] : memref<819200x64xf32, #tpu.memory_space<hbm>> -> memref<256x64xf32, #tpu.memory_space<hbm>>
      tpu.wait_dma2 semaphore(%arg18 : memref<!tpu.dma_semaphore, #tpu.memory_space<semaphore_mem>>) src(%arg10 : memref<256x64xf32, #tpu.memory_space<vmem>>) dst(%dma_wait3A_916 : memref<256x64xf32, #tpu.memory_space<hbm>>)
      %dma_start3A_917 = arith.constant 6 : i32
      %dma_start3A_918 = arith.constant 0 : i32
      %dma_start3A_919 = arith.constant 0 : i32
      %dma_start3A_920 = tpu.memref_slice %arg10[%dma_start3A_918, %dma_start3A_919] : memref<256x64xf32, #tpu.memory_space<vmem>> -> memref<128x64xf32, #tpu.memory_space<vmem>>
      %dma_start3A_921 = arith.constant 0 : i32
      %dma_start3A_922 = tpu.memref_slice %arg5[%dma_start3A_917, %dma_start3A_921] : memref<8x128xi32, #tpu.memory_space<vmem>> -> memref<1x128xi32, #tpu.memory_space<vmem>>
      %dma_start3A_923 = tpu.memref_squeeze %dma_start3A_922 : memref<1x128xi32, #tpu.memory_space<vmem>> -> memref<128xi32, #tpu.memory_space<vmem>>
      %dma_start3A_924 = arith.constant 0 : i32
      %dma_start3A_925 = arith.constant 0 : i32
      %dma_start3A_926 = tpu.memref_slice %arg2[%dma_start3A_924, %dma_start3A_925] : memref<1000000x64xf32, #tpu.memory_space<hbm>> -> memref<1000000x64xf32, #tpu.memory_space<hbm>>
      tpu.enqueue_indirect_dma source(%dma_start3A_926 : memref<1000000x64xf32, #tpu.memory_space<hbm>>) target(%dma_start3A_920 : memref<128x64xf32, #tpu.memory_space<vmem>>) offsets(%dma_start3A_923 : memref<128xi32, #tpu.memory_space<vmem>>) semaphore(%arg14 : memref<!tpu.dma_semaphore, #tpu.memory_space<semaphore_mem>>)
      %dma_start3A_927 = arith.constant 7 : i32
      %dma_start3A_928 = arith.constant 128 : i32
      %dma_start3A_929 = arith.constant 0 : i32
      %dma_start3A_930 = tpu.memref_slice %arg10[%dma_start3A_928, %dma_start3A_929] : memref<256x64xf32, #tpu.memory_space<vmem>> -> memref<128x64xf32, #tpu.memory_space<vmem>>
      %dma_start3A_931 = arith.constant 0 : i32
      %dma_start3A_932 = tpu.memref_slice %arg5[%dma_start3A_927, %dma_start3A_931] : memref<8x128xi32, #tpu.memory_space<vmem>> -> memref<1x128xi32, #tpu.memory_space<vmem>>
      %dma_start3A_933 = tpu.memref_squeeze %dma_start3A_932 : memref<1x128xi32, #tpu.memory_space<vmem>> -> memref<128xi32, #tpu.memory_space<vmem>>
      %dma_start3A_934 = arith.constant 0 : i32
      %dma_start3A_935 = arith.constant 0 : i32
      %dma_start3A_936 = tpu.memref_slice %arg2[%dma_start3A_934, %dma_start3A_935] : memref<1000000x64xf32, #tpu.memory_space<hbm>> -> memref<1000000x64xf32, #tpu.memory_space<hbm>>
      tpu.enqueue_indirect_dma source(%dma_start3A_936 : memref<1000000x64xf32, #tpu.memory_space<hbm>>) target(%dma_start3A_930 : memref<128x64xf32, #tpu.memory_space<vmem>>) offsets(%dma_start3A_933 : memref<128xi32, #tpu.memory_space<vmem>>) semaphore(%arg14 : memref<!tpu.dma_semaphore, #tpu.memory_space<semaphore_mem>>)
      %dma_wait3A_937 = arith.constant 0 : i32
      %dma_wait3A_938 = arith.constant 0 : i32
      %dma_wait3A_939 = arith.constant 0 : i32
      %dma_wait3A_940 = tpu.memref_slice %arg7[%dma_wait3A_938, %dma_wait3A_939] : memref<256x64xf32, #tpu.memory_space<vmem>> -> memref<128x64xf32, #tpu.memory_space<vmem>>
      %dma_wait3A_941 = arith.constant 0 : i32
      %dma_wait3A_942 = tpu.memref_slice %arg5[%dma_wait3A_937, %dma_wait3A_941] : memref<8x128xi32, #tpu.memory_space<vmem>> -> memref<1x128xi32, #tpu.memory_space<vmem>>
      %dma_wait3A_943 = tpu.memref_squeeze %dma_wait3A_942 : memref<1x128xi32, #tpu.memory_space<vmem>> -> memref<128xi32, #tpu.memory_space<vmem>>
      %dma_wait3A_944 = arith.constant 0 : i32
      %dma_wait3A_945 = arith.constant 0 : i32
      %dma_wait3A_946 = tpu.memref_slice %arg2[%dma_wait3A_944, %dma_wait3A_945] : memref<1000000x64xf32, #tpu.memory_space<hbm>> -> memref<1000000x64xf32, #tpu.memory_space<hbm>>
      tpu.wait_indirect_dma semaphore(%arg11 : memref<!tpu.dma_semaphore, #tpu.memory_space<semaphore_mem>>) src(%dma_wait3A_946 : memref<1000000x64xf32, #tpu.memory_space<hbm>>) dst(%dma_wait3A_940 : memref<128x64xf32, #tpu.memory_space<vmem>>)
      %dma_wait3A_947 = arith.constant 1 : i32
      %dma_wait3A_948 = arith.constant 128 : i32
      %dma_wait3A_949 = arith.constant 0 : i32
      %dma_wait3A_950 = tpu.memref_slice %arg7[%dma_wait3A_948, %dma_wait3A_949] : memref<256x64xf32, #tpu.memory_space<vmem>> -> memref<128x64xf32, #tpu.memory_space<vmem>>
      %dma_wait3A_951 = arith.constant 0 : i32
      %dma_wait3A_952 = tpu.memref_slice %arg5[%dma_wait3A_947, %dma_wait3A_951] : memref<8x128xi32, #tpu.memory_space<vmem>> -> memref<1x128xi32, #tpu.memory_space<vmem>>
      %dma_wait3A_953 = tpu.memref_squeeze %dma_wait3A_952 : memref<1x128xi32, #tpu.memory_space<vmem>> -> memref<128xi32, #tpu.memory_space<vmem>>
      %dma_wait3A_954 = arith.constant 0 : i32
      %dma_wait3A_955 = arith.constant 0 : i32
      %dma_wait3A_956 = tpu.memref_slice %arg2[%dma_wait3A_954, %dma_wait3A_955] : memref<1000000x64xf32, #tpu.memory_space<hbm>> -> memref<1000000x64xf32, #tpu.memory_space<hbm>>
      tpu.wait_indirect_dma semaphore(%arg11 : memref<!tpu.dma_semaphore, #tpu.memory_space<semaphore_mem>>) src(%dma_wait3A_956 : memref<1000000x64xf32, #tpu.memory_space<hbm>>) dst(%dma_wait3A_950 : memref<128x64xf32, #tpu.memory_space<vmem>>)
      %sub3A_957 = arith.constant 3 : i32
      %sub3A_958 = arith.subi %add3A_907, %sub3A_957 : i32
      %mul3A_959 = arith.constant 256 : i32
      %mul3A_960 = arith.muli %sub3A_958, %mul3A_959 : i32
      %add3A_961 = arith.addi %mul3A_4, %mul3A_960 : i32
      %dma_start3A_962 = arith.constant 0 : i32
      %dma_start3A_963 = tpu.memref_slice %arg4[%add3A_961, %dma_start3A_962] : memref<819200x64xf32, #tpu.memory_space<hbm>> -> memref<256x64xf32, #tpu.memory_space<hbm>>
      %dma_start3A_964 = arith.constant 0 : i32
      %dma_start3A_965 = tpu.memref_slice %arg4[%add3A_961, %dma_start3A_964] : memref<819200x64xf32, #tpu.memory_space<hbm>> -> memref<256x64xf32, #tpu.memory_space<hbm>>
      tpu.enqueue_dma source(%arg7 : memref<256x64xf32, #tpu.memory_space<vmem>>) target(%dma_start3A_965 : memref<256x64xf32, #tpu.memory_space<hbm>>) target_semaphore(%arg15 : memref<!tpu.dma_semaphore, #tpu.memory_space<semaphore_mem>>)
      %add3A_966 = arith.constant 4 : i32
      %add3A_967 = arith.addi %add3A_674, %add3A_966 : i32
      %sub3A_968 = arith.constant 4 : i32
      %sub3A_969 = arith.subi %add3A_967, %sub3A_968 : i32
      %mul3A_970 = arith.constant 256 : i32
      %mul3A_971 = arith.muli %sub3A_969, %mul3A_970 : i32
      %add3A_972 = arith.addi %mul3A_4, %mul3A_971 : i32
      %dma_wait3A_973 = arith.constant 0 : i32
      %dma_wait3A_974 = tpu.memref_slice %arg4[%add3A_972, %dma_wait3A_973] : memref<819200x64xf32, #tpu.memory_space<hbm>> -> memref<256x64xf32, #tpu.memory_space<hbm>>
      %dma_wait3A_975 = arith.constant 0 : i32
      %dma_wait3A_976 = tpu.memref_slice %arg4[%add3A_972, %dma_wait3A_975] : memref<819200x64xf32, #tpu.memory_space<hbm>> -> memref<256x64xf32, #tpu.memory_space<hbm>>
      tpu.wait_dma2 semaphore(%arg15 : memref<!tpu.dma_semaphore, #tpu.memory_space<semaphore_mem>>) src(%arg7 : memref<256x64xf32, #tpu.memory_space<vmem>>) dst(%dma_wait3A_976 : memref<256x64xf32, #tpu.memory_space<hbm>>)
      %jit3A_977 = arith.constant 4 : i32
      %div3A_978 = arith.divsi %add3A_967, %jit3A_977 : i32
      %sign3A_979 = arith.constant 0 : i32
      %sign3A_980 = arith.cmpi sgt, %add3A_967, %sign3A_979 : i32
      %sign3A_981 = arith.extui %sign3A_980 : i1 to i32
      %sign3A_982 = arith.constant 0 : i32
      %sign3A_983 = arith.cmpi slt, %add3A_967, %sign3A_982 : i32
      %sign3A_984 = arith.extui %sign3A_983 : i1 to i32
      %sign3A_985 = arith.subi %sign3A_981, %sign3A_984 : i32
      %sign3A_986 = arith.constant 0 : i32
      %sign3A_987 = arith.cmpi sgt, %jit3A_977, %sign3A_986 : i32
      %sign3A_988 = arith.extui %sign3A_987 : i1 to i32
      %sign3A_989 = arith.constant 0 : i32
      %sign3A_990 = arith.cmpi slt, %jit3A_977, %sign3A_989 : i32
      %sign3A_991 = arith.extui %sign3A_990 : i1 to i32
      %sign3A_992 = arith.subi %sign3A_988, %sign3A_991 : i32
      %ne3A_993 = arith.cmpi ne, %sign3A_985, %sign3A_992 : i32
      %rem3A_994 = arith.remsi %add3A_967, %jit3A_977 : i32
      %ne3A_995 = arith.constant 0 : i32
      %ne3A_996 = arith.cmpi ne, %rem3A_994, %ne3A_995 : i32
      %and3A_997 = arith.andi %ne3A_993, %ne3A_996 : i1
      %sub3A_998 = arith.constant 1 : i32
      %sub3A_999 = arith.subi %div3A_978, %sub3A_998 : i32
      %select_n3A_1000 = arith.select %and3A_997, %sub3A_999, %div3A_978 : i32
      %mul3A_1001 = arith.constant 8 : i32
      %mul3A_1002 = arith.muli %select_n3A_1000, %mul3A_1001 : i32
      %add3A_1003 = arith.addi %mul3A_2, %mul3A_1002 : i32
      %dma_wait3A_1004 = arith.constant 0 : i32
      %dma_wait3A_1005 = tpu.memref_slice %arg3[%add3A_1003, %dma_wait3A_1004] : memref<6400x128xi32, #tpu.memory_space<hbm>> -> memref<8x128xi32, #tpu.memory_space<hbm>>
      %dma_wait3A_1006 = arith.constant 0 : i32
      %dma_wait3A_1007 = tpu.memref_slice %arg3[%add3A_1003, %dma_wait3A_1006] : memref<6400x128xi32, #tpu.memory_space<hbm>> -> memref<8x128xi32, #tpu.memory_space<hbm>>
      tpu.wait_dma2 semaphore(%arg20 : memref<!tpu.dma_semaphore, #tpu.memory_space<semaphore_mem>>) src(%dma_wait3A_1007 : memref<8x128xi32, #tpu.memory_space<hbm>>) dst(%arg6 : memref<8x128xi32, #tpu.memory_space<vmem>>)
      %dma_start3A_1008 = arith.constant 0 : i32
      %dma_start3A_1009 = arith.constant 0 : i32
      %dma_start3A_1010 = arith.constant 0 : i32
      %dma_start3A_1011 = tpu.memref_slice %arg7[%dma_start3A_1009, %dma_start3A_1010] : memref<256x64xf32, #tpu.memory_space<vmem>> -> memref<128x64xf32, #tpu.memory_space<vmem>>
      %dma_start3A_1012 = arith.constant 0 : i32
      %dma_start3A_1013 = tpu.memref_slice %arg6[%dma_start3A_1008, %dma_start3A_1012] : memref<8x128xi32, #tpu.memory_space<vmem>> -> memref<1x128xi32, #tpu.memory_space<vmem>>
      %dma_start3A_1014 = tpu.memref_squeeze %dma_start3A_1013 : memref<1x128xi32, #tpu.memory_space<vmem>> -> memref<128xi32, #tpu.memory_space<vmem>>
      %dma_start3A_1015 = arith.constant 0 : i32
      %dma_start3A_1016 = arith.constant 0 : i32
      %dma_start3A_1017 = tpu.memref_slice %arg2[%dma_start3A_1015, %dma_start3A_1016] : memref<1000000x64xf32, #tpu.memory_space<hbm>> -> memref<1000000x64xf32, #tpu.memory_space<hbm>>
      tpu.enqueue_indirect_dma source(%dma_start3A_1017 : memref<1000000x64xf32, #tpu.memory_space<hbm>>) target(%dma_start3A_1011 : memref<128x64xf32, #tpu.memory_space<vmem>>) offsets(%dma_start3A_1014 : memref<128xi32, #tpu.memory_space<vmem>>) semaphore(%arg11 : memref<!tpu.dma_semaphore, #tpu.memory_space<semaphore_mem>>)
      %dma_start3A_1018 = arith.constant 1 : i32
      %dma_start3A_1019 = arith.constant 128 : i32
      %dma_start3A_1020 = arith.constant 0 : i32
      %dma_start3A_1021 = tpu.memref_slice %arg7[%dma_start3A_1019, %dma_start3A_1020] : memref<256x64xf32, #tpu.memory_space<vmem>> -> memref<128x64xf32, #tpu.memory_space<vmem>>
      %dma_start3A_1022 = arith.constant 0 : i32
      %dma_start3A_1023 = tpu.memref_slice %arg6[%dma_start3A_1018, %dma_start3A_1022] : memref<8x128xi32, #tpu.memory_space<vmem>> -> memref<1x128xi32, #tpu.memory_space<vmem>>
      %dma_start3A_1024 = tpu.memref_squeeze %dma_start3A_1023 : memref<1x128xi32, #tpu.memory_space<vmem>> -> memref<128xi32, #tpu.memory_space<vmem>>
      %dma_start3A_1025 = arith.constant 0 : i32
      %dma_start3A_1026 = arith.constant 0 : i32
      %dma_start3A_1027 = tpu.memref_slice %arg2[%dma_start3A_1025, %dma_start3A_1026] : memref<1000000x64xf32, #tpu.memory_space<hbm>> -> memref<1000000x64xf32, #tpu.memory_space<hbm>>
      tpu.enqueue_indirect_dma source(%dma_start3A_1027 : memref<1000000x64xf32, #tpu.memory_space<hbm>>) target(%dma_start3A_1021 : memref<128x64xf32, #tpu.memory_space<vmem>>) offsets(%dma_start3A_1024 : memref<128xi32, #tpu.memory_space<vmem>>) semaphore(%arg11 : memref<!tpu.dma_semaphore, #tpu.memory_space<semaphore_mem>>)
      %dma_wait3A_1028 = arith.constant 2 : i32
      %dma_wait3A_1029 = arith.constant 0 : i32
      %dma_wait3A_1030 = arith.constant 0 : i32
      %dma_wait3A_1031 = tpu.memref_slice %arg8[%dma_wait3A_1029, %dma_wait3A_1030] : memref<256x64xf32, #tpu.memory_space<vmem>> -> memref<128x64xf32, #tpu.memory_space<vmem>>
      %dma_wait3A_1032 = arith.constant 0 : i32
      %dma_wait3A_1033 = tpu.memref_slice %arg5[%dma_wait3A_1028, %dma_wait3A_1032] : memref<8x128xi32, #tpu.memory_space<vmem>> -> memref<1x128xi32, #tpu.memory_space<vmem>>
      %dma_wait3A_1034 = tpu.memref_squeeze %dma_wait3A_1033 : memref<1x128xi32, #tpu.memory_space<vmem>> -> memref<128xi32, #tpu.memory_space<vmem>>
      %dma_wait3A_1035 = arith.constant 0 : i32
      %dma_wait3A_1036 = arith.constant 0 : i32
      %dma_wait3A_1037 = tpu.memref_slice %arg2[%dma_wait3A_1035, %dma_wait3A_1036] : memref<1000000x64xf32, #tpu.memory_space<hbm>> -> memref<1000000x64xf32, #tpu.memory_space<hbm>>
      tpu.wait_indirect_dma semaphore(%arg12 : memref<!tpu.dma_semaphore, #tpu.memory_space<semaphore_mem>>) src(%dma_wait3A_1037 : memref<1000000x64xf32, #tpu.memory_space<hbm>>) dst(%dma_wait3A_1031 : memref<128x64xf32, #tpu.memory_space<vmem>>)
      %dma_wait3A_1038 = arith.constant 3 : i32
      %dma_wait3A_1039 = arith.constant 128 : i32
      %dma_wait3A_1040 = arith.constant 0 : i32
      %dma_wait3A_1041 = tpu.memref_slice %arg8[%dma_wait3A_1039, %dma_wait3A_1040] : memref<256x64xf32, #tpu.memory_space<vmem>> -> memref<128x64xf32, #tpu.memory_space<vmem>>
      %dma_wait3A_1042 = arith.constant 0 : i32
      %dma_wait3A_1043 = tpu.memref_slice %arg5[%dma_wait3A_1038, %dma_wait3A_1042] : memref<8x128xi32, #tpu.memory_space<vmem>> -> memref<1x128xi32, #tpu.memory_space<vmem>>
      %dma_wait3A_1044 = tpu.memref_squeeze %dma_wait3A_1043 : memref<1x128xi32, #tpu.memory_space<vmem>> -> memref<128xi32, #tpu.memory_space<vmem>>
      %dma_wait3A_1045 = arith.constant 0 : i32
      %dma_wait3A_1046 = arith.constant 0 : i32
      %dma_wait3A_1047 = tpu.memref_slice %arg2[%dma_wait3A_1045, %dma_wait3A_1046] : memref<1000000x64xf32, #tpu.memory_space<hbm>> -> memref<1000000x64xf32, #tpu.memory_space<hbm>>
      tpu.wait_indirect_dma semaphore(%arg12 : memref<!tpu.dma_semaphore, #tpu.memory_space<semaphore_mem>>) src(%dma_wait3A_1047 : memref<1000000x64xf32, #tpu.memory_space<hbm>>) dst(%dma_wait3A_1041 : memref<128x64xf32, #tpu.memory_space<vmem>>)
      %sub3A_1048 = arith.constant 3 : i32
      %sub3A_1049 = arith.subi %add3A_967, %sub3A_1048 : i32
      %mul3A_1050 = arith.constant 256 : i32
      %mul3A_1051 = arith.muli %sub3A_1049, %mul3A_1050 : i32
      %add3A_1052 = arith.addi %mul3A_4, %mul3A_1051 : i32
      %dma_start3A_1053 = arith.constant 0 : i32
      %dma_start3A_1054 = tpu.memref_slice %arg4[%add3A_1052, %dma_start3A_1053] : memref<819200x64xf32, #tpu.memory_space<hbm>> -> memref<256x64xf32, #tpu.memory_space<hbm>>
      %dma_start3A_1055 = arith.constant 0 : i32
      %dma_start3A_1056 = tpu.memref_slice %arg4[%add3A_1052, %dma_start3A_1055] : memref<819200x64xf32, #tpu.memory_space<hbm>> -> memref<256x64xf32, #tpu.memory_space<hbm>>
      tpu.enqueue_dma source(%arg8 : memref<256x64xf32, #tpu.memory_space<vmem>>) target(%dma_start3A_1056 : memref<256x64xf32, #tpu.memory_space<hbm>>) target_semaphore(%arg16 : memref<!tpu.dma_semaphore, #tpu.memory_space<semaphore_mem>>)
      %add3A_1057 = arith.constant 5 : i32
      %add3A_1058 = arith.addi %add3A_674, %add3A_1057 : i32
      %sub3A_1059 = arith.constant 4 : i32
      %sub3A_1060 = arith.subi %add3A_1058, %sub3A_1059 : i32
      %mul3A_1061 = arith.constant 256 : i32
      %mul3A_1062 = arith.muli %sub3A_1060, %mul3A_1061 : i32
      %add3A_1063 = arith.addi %mul3A_4, %mul3A_1062 : i32
      %dma_wait3A_1064 = arith.constant 0 : i32
      %dma_wait3A_1065 = tpu.memref_slice %arg4[%add3A_1063, %dma_wait3A_1064] : memref<819200x64xf32, #tpu.memory_space<hbm>> -> memref<256x64xf32, #tpu.memory_space<hbm>>
      %dma_wait3A_1066 = arith.constant 0 : i32
      %dma_wait3A_1067 = tpu.memref_slice %arg4[%add3A_1063, %dma_wait3A_1066] : memref<819200x64xf32, #tpu.memory_space<hbm>> -> memref<256x64xf32, #tpu.memory_space<hbm>>
      tpu.wait_dma2 semaphore(%arg16 : memref<!tpu.dma_semaphore, #tpu.memory_space<semaphore_mem>>) src(%arg8 : memref<256x64xf32, #tpu.memory_space<vmem>>) dst(%dma_wait3A_1067 : memref<256x64xf32, #tpu.memory_space<hbm>>)
      %dma_start3A_1068 = arith.constant 2 : i32
      %dma_start3A_1069 = arith.constant 0 : i32
      %dma_start3A_1070 = arith.constant 0 : i32
      %dma_start3A_1071 = tpu.memref_slice %arg8[%dma_start3A_1069, %dma_start3A_1070] : memref<256x64xf32, #tpu.memory_space<vmem>> -> memref<128x64xf32, #tpu.memory_space<vmem>>
      %dma_start3A_1072 = arith.constant 0 : i32
      %dma_start3A_1073 = tpu.memref_slice %arg6[%dma_start3A_1068, %dma_start3A_1072] : memref<8x128xi32, #tpu.memory_space<vmem>> -> memref<1x128xi32, #tpu.memory_space<vmem>>
      %dma_start3A_1074 = tpu.memref_squeeze %dma_start3A_1073 : memref<1x128xi32, #tpu.memory_space<vmem>> -> memref<128xi32, #tpu.memory_space<vmem>>
      %dma_start3A_1075 = arith.constant 0 : i32
      %dma_start3A_1076 = arith.constant 0 : i32
      %dma_start3A_1077 = tpu.memref_slice %arg2[%dma_start3A_1075, %dma_start3A_1076] : memref<1000000x64xf32, #tpu.memory_space<hbm>> -> memref<1000000x64xf32, #tpu.memory_space<hbm>>
      tpu.enqueue_indirect_dma source(%dma_start3A_1077 : memref<1000000x64xf32, #tpu.memory_space<hbm>>) target(%dma_start3A_1071 : memref<128x64xf32, #tpu.memory_space<vmem>>) offsets(%dma_start3A_1074 : memref<128xi32, #tpu.memory_space<vmem>>) semaphore(%arg12 : memref<!tpu.dma_semaphore, #tpu.memory_space<semaphore_mem>>)
      %dma_start3A_1078 = arith.constant 3 : i32
      %dma_start3A_1079 = arith.constant 128 : i32
      %dma_start3A_1080 = arith.constant 0 : i32
      %dma_start3A_1081 = tpu.memref_slice %arg8[%dma_start3A_1079, %dma_start3A_1080] : memref<256x64xf32, #tpu.memory_space<vmem>> -> memref<128x64xf32, #tpu.memory_space<vmem>>
      %dma_start3A_1082 = arith.constant 0 : i32
      %dma_start3A_1083 = tpu.memref_slice %arg6[%dma_start3A_1078, %dma_start3A_1082] : memref<8x128xi32, #tpu.memory_space<vmem>> -> memref<1x128xi32, #tpu.memory_space<vmem>>
      %dma_start3A_1084 = tpu.memref_squeeze %dma_start3A_1083 : memref<1x128xi32, #tpu.memory_space<vmem>> -> memref<128xi32, #tpu.memory_space<vmem>>
      %dma_start3A_1085 = arith.constant 0 : i32
      %dma_start3A_1086 = arith.constant 0 : i32
      %dma_start3A_1087 = tpu.memref_slice %arg2[%dma_start3A_1085, %dma_start3A_1086] : memref<1000000x64xf32, #tpu.memory_space<hbm>> -> memref<1000000x64xf32, #tpu.memory_space<hbm>>
      tpu.enqueue_indirect_dma source(%dma_start3A_1087 : memref<1000000x64xf32, #tpu.memory_space<hbm>>) target(%dma_start3A_1081 : memref<128x64xf32, #tpu.memory_space<vmem>>) offsets(%dma_start3A_1084 : memref<128xi32, #tpu.memory_space<vmem>>) semaphore(%arg12 : memref<!tpu.dma_semaphore, #tpu.memory_space<semaphore_mem>>)
      %dma_wait3A_1088 = arith.constant 4 : i32
      %dma_wait3A_1089 = arith.constant 0 : i32
      %dma_wait3A_1090 = arith.constant 0 : i32
      %dma_wait3A_1091 = tpu.memref_slice %arg9[%dma_wait3A_1089, %dma_wait3A_1090] : memref<256x64xf32, #tpu.memory_space<vmem>> -> memref<128x64xf32, #tpu.memory_space<vmem>>
      %dma_wait3A_1092 = arith.constant 0 : i32
      %dma_wait3A_1093 = tpu.memref_slice %arg5[%dma_wait3A_1088, %dma_wait3A_1092] : memref<8x128xi32, #tpu.memory_space<vmem>> -> memref<1x128xi32, #tpu.memory_space<vmem>>
      %dma_wait3A_1094 = tpu.memref_squeeze %dma_wait3A_1093 : memref<1x128xi32, #tpu.memory_space<vmem>> -> memref<128xi32, #tpu.memory_space<vmem>>
      %dma_wait3A_1095 = arith.constant 0 : i32
      %dma_wait3A_1096 = arith.constant 0 : i32
      %dma_wait3A_1097 = tpu.memref_slice %arg2[%dma_wait3A_1095, %dma_wait3A_1096] : memref<1000000x64xf32, #tpu.memory_space<hbm>> -> memref<1000000x64xf32, #tpu.memory_space<hbm>>
      tpu.wait_indirect_dma semaphore(%arg13 : memref<!tpu.dma_semaphore, #tpu.memory_space<semaphore_mem>>) src(%dma_wait3A_1097 : memref<1000000x64xf32, #tpu.memory_space<hbm>>) dst(%dma_wait3A_1091 : memref<128x64xf32, #tpu.memory_space<vmem>>)
      %dma_wait3A_1098 = arith.constant 5 : i32
      %dma_wait3A_1099 = arith.constant 128 : i32
      %dma_wait3A_1100 = arith.constant 0 : i32
      %dma_wait3A_1101 = tpu.memref_slice %arg9[%dma_wait3A_1099, %dma_wait3A_1100] : memref<256x64xf32, #tpu.memory_space<vmem>> -> memref<128x64xf32, #tpu.memory_space<vmem>>
      %dma_wait3A_1102 = arith.constant 0 : i32
      %dma_wait3A_1103 = tpu.memref_slice %arg5[%dma_wait3A_1098, %dma_wait3A_1102] : memref<8x128xi32, #tpu.memory_space<vmem>> -> memref<1x128xi32, #tpu.memory_space<vmem>>
      %dma_wait3A_1104 = tpu.memref_squeeze %dma_wait3A_1103 : memref<1x128xi32, #tpu.memory_space<vmem>> -> memref<128xi32, #tpu.memory_space<vmem>>
      %dma_wait3A_1105 = arith.constant 0 : i32
      %dma_wait3A_1106 = arith.constant 0 : i32
      %dma_wait3A_1107 = tpu.memref_slice %arg2[%dma_wait3A_1105, %dma_wait3A_1106] : memref<1000000x64xf32, #tpu.memory_space<hbm>> -> memref<1000000x64xf32, #tpu.memory_space<hbm>>
      tpu.wait_indirect_dma semaphore(%arg13 : memref<!tpu.dma_semaphore, #tpu.memory_space<semaphore_mem>>) src(%dma_wait3A_1107 : memref<1000000x64xf32, #tpu.memory_space<hbm>>) dst(%dma_wait3A_1101 : memref<128x64xf32, #tpu.memory_space<vmem>>)
      %sub3A_1108 = arith.constant 3 : i32
      %sub3A_1109 = arith.subi %add3A_1058, %sub3A_1108 : i32
      %mul3A_1110 = arith.constant 256 : i32
      %mul3A_1111 = arith.muli %sub3A_1109, %mul3A_1110 : i32
      %add3A_1112 = arith.addi %mul3A_4, %mul3A_1111 : i32
      %dma_start3A_1113 = arith.constant 0 : i32
      %dma_start3A_1114 = tpu.memref_slice %arg4[%add3A_1112, %dma_start3A_1113] : memref<819200x64xf32, #tpu.memory_space<hbm>> -> memref<256x64xf32, #tpu.memory_space<hbm>>
      %dma_start3A_1115 = arith.constant 0 : i32
      %dma_start3A_1116 = tpu.memref_slice %arg4[%add3A_1112, %dma_start3A_1115] : memref<819200x64xf32, #tpu.memory_space<hbm>> -> memref<256x64xf32, #tpu.memory_space<hbm>>
      tpu.enqueue_dma source(%arg9 : memref<256x64xf32, #tpu.memory_space<vmem>>) target(%dma_start3A_1116 : memref<256x64xf32, #tpu.memory_space<hbm>>) target_semaphore(%arg17 : memref<!tpu.dma_semaphore, #tpu.memory_space<semaphore_mem>>)
      %jit3A_1117 = arith.constant 4 : i32
      %div3A_1118 = arith.divsi %add3A_1058, %jit3A_1117 : i32
      %sign3A_1119 = arith.constant 0 : i32
      %sign3A_1120 = arith.cmpi sgt, %add3A_1058, %sign3A_1119 : i32
      %sign3A_1121 = arith.extui %sign3A_1120 : i1 to i32
      %sign3A_1122 = arith.constant 0 : i32
      %sign3A_1123 = arith.cmpi slt, %add3A_1058, %sign3A_1122 : i32
      %sign3A_1124 = arith.extui %sign3A_1123 : i1 to i32
      %sign3A_1125 = arith.subi %sign3A_1121, %sign3A_1124 : i32
      %sign3A_1126 = arith.constant 0 : i32
      %sign3A_1127 = arith.cmpi sgt, %jit3A_1117, %sign3A_1126 : i32
      %sign3A_1128 = arith.extui %sign3A_1127 : i1 to i32
      %sign3A_1129 = arith.constant 0 : i32
      %sign3A_1130 = arith.cmpi slt, %jit3A_1117, %sign3A_1129 : i32
      %sign3A_1131 = arith.extui %sign3A_1130 : i1 to i32
      %sign3A_1132 = arith.subi %sign3A_1128, %sign3A_1131 : i32
      %ne3A_1133 = arith.cmpi ne, %sign3A_1125, %sign3A_1132 : i32
      %rem3A_1134 = arith.remsi %add3A_1058, %jit3A_1117 : i32
      %ne3A_1135 = arith.constant 0 : i32
      %ne3A_1136 = arith.cmpi ne, %rem3A_1134, %ne3A_1135 : i32
      %and3A_1137 = arith.andi %ne3A_1133, %ne3A_1136 : i1
      %sub3A_1138 = arith.constant 1 : i32
      %sub3A_1139 = arith.subi %div3A_1118, %sub3A_1138 : i32
      %select_n3A_1140 = arith.select %and3A_1137, %sub3A_1139, %div3A_1118 : i32
      %add3A_1141 = arith.constant 1 : i32
      %add3A_1142 = arith.addi %select_n3A_1140, %add3A_1141 : i32
      %lt3A_1143 = arith.constant 25 : i32
      %lt3A_1144 = arith.cmpi slt, %add3A_1142, %lt3A_1143 : i32
      %convert_element_type3A_1145 = arith.extui %lt3A_1144 : i1 to i32
      %cond3A_1146 = arith.constant 0 : i32
      %cond3A_1147 = arith.cmpi ne, %convert_element_type3A_1145, %cond3A_1146 : i32
      scf.if %cond3A_1147 {
        %mul3A_1268 = arith.constant 8 : i32
        %mul3A_1269 = arith.muli %add3A_1142, %mul3A_1268 : i32
        %add3A_1270 = arith.addi %mul3A_2, %mul3A_1269 : i32
        %dma_start3A_1271 = arith.constant 0 : i32
        %dma_start3A_1272 = tpu.memref_slice %arg3[%add3A_1270, %dma_start3A_1271] : memref<6400x128xi32, #tpu.memory_space<hbm>> -> memref<8x128xi32, #tpu.memory_space<hbm>>
        %dma_start3A_1273 = arith.constant 0 : i32
        %dma_start3A_1274 = tpu.memref_slice %arg3[%add3A_1270, %dma_start3A_1273] : memref<6400x128xi32, #tpu.memory_space<hbm>> -> memref<8x128xi32, #tpu.memory_space<hbm>>
        tpu.enqueue_dma source(%dma_start3A_1274 : memref<8x128xi32, #tpu.memory_space<hbm>>) target(%arg5 : memref<8x128xi32, #tpu.memory_space<vmem>>) target_semaphore(%arg19 : memref<!tpu.dma_semaphore, #tpu.memory_space<semaphore_mem>>)
      } else {
      }
      %add3A_1148 = arith.constant 6 : i32
      %add3A_1149 = arith.addi %add3A_674, %add3A_1148 : i32
      %sub3A_1150 = arith.constant 4 : i32
      %sub3A_1151 = arith.subi %add3A_1149, %sub3A_1150 : i32
      %mul3A_1152 = arith.constant 256 : i32
      %mul3A_1153 = arith.muli %sub3A_1151, %mul3A_1152 : i32
      %add3A_1154 = arith.addi %mul3A_4, %mul3A_1153 : i32
      %dma_wait3A_1155 = arith.constant 0 : i32
      %dma_wait3A_1156 = tpu.memref_slice %arg4[%add3A_1154, %dma_wait3A_1155] : memref<819200x64xf32, #tpu.memory_space<hbm>> -> memref<256x64xf32, #tpu.memory_space<hbm>>
      %dma_wait3A_1157 = arith.constant 0 : i32
      %dma_wait3A_1158 = tpu.memref_slice %arg4[%add3A_1154, %dma_wait3A_1157] : memref<819200x64xf32, #tpu.memory_space<hbm>> -> memref<256x64xf32, #tpu.memory_space<hbm>>
      tpu.wait_dma2 semaphore(%arg17 : memref<!tpu.dma_semaphore, #tpu.memory_space<semaphore_mem>>) src(%arg9 : memref<256x64xf32, #tpu.memory_space<vmem>>) dst(%dma_wait3A_1158 : memref<256x64xf32, #tpu.memory_space<hbm>>)
      %dma_start3A_1159 = arith.constant 4 : i32
      %dma_start3A_1160 = arith.constant 0 : i32
      %dma_start3A_1161 = arith.constant 0 : i32
      %dma_start3A_1162 = tpu.memref_slice %arg9[%dma_start3A_1160, %dma_start3A_1161] : memref<256x64xf32, #tpu.memory_space<vmem>> -> memref<128x64xf32, #tpu.memory_space<vmem>>
      %dma_start3A_1163 = arith.constant 0 : i32
      %dma_start3A_1164 = tpu.memref_slice %arg6[%dma_start3A_1159, %dma_start3A_1163] : memref<8x128xi32, #tpu.memory_space<vmem>> -> memref<1x128xi32, #tpu.memory_space<vmem>>
      %dma_start3A_1165 = tpu.memref_squeeze %dma_start3A_1164 : memref<1x128xi32, #tpu.memory_space<vmem>> -> memref<128xi32, #tpu.memory_space<vmem>>
      %dma_start3A_1166 = arith.constant 0 : i32
      %dma_start3A_1167 = arith.constant 0 : i32
      %dma_start3A_1168 = tpu.memref_slice %arg2[%dma_start3A_1166, %dma_start3A_1167] : memref<1000000x64xf32, #tpu.memory_space<hbm>> -> memref<1000000x64xf32, #tpu.memory_space<hbm>>
      tpu.enqueue_indirect_dma source(%dma_start3A_1168 : memref<1000000x64xf32, #tpu.memory_space<hbm>>) target(%dma_start3A_1162 : memref<128x64xf32, #tpu.memory_space<vmem>>) offsets(%dma_start3A_1165 : memref<128xi32, #tpu.memory_space<vmem>>) semaphore(%arg13 : memref<!tpu.dma_semaphore, #tpu.memory_space<semaphore_mem>>)
      %dma_start3A_1169 = arith.constant 5 : i32
      %dma_start3A_1170 = arith.constant 128 : i32
      %dma_start3A_1171 = arith.constant 0 : i32
      %dma_start3A_1172 = tpu.memref_slice %arg9[%dma_start3A_1170, %dma_start3A_1171] : memref<256x64xf32, #tpu.memory_space<vmem>> -> memref<128x64xf32, #tpu.memory_space<vmem>>
      %dma_start3A_1173 = arith.constant 0 : i32
      %dma_start3A_1174 = tpu.memref_slice %arg6[%dma_start3A_1169, %dma_start3A_1173] : memref<8x128xi32, #tpu.memory_space<vmem>> -> memref<1x128xi32, #tpu.memory_space<vmem>>
      %dma_start3A_1175 = tpu.memref_squeeze %dma_start3A_1174 : memref<1x128xi32, #tpu.memory_space<vmem>> -> memref<128xi32, #tpu.memory_space<vmem>>
      %dma_start3A_1176 = arith.constant 0 : i32
      %dma_start3A_1177 = arith.constant 0 : i32
      %dma_start3A_1178 = tpu.memref_slice %arg2[%dma_start3A_1176, %dma_start3A_1177] : memref<1000000x64xf32, #tpu.memory_space<hbm>> -> memref<1000000x64xf32, #tpu.memory_space<hbm>>
      tpu.enqueue_indirect_dma source(%dma_start3A_1178 : memref<1000000x64xf32, #tpu.memory_space<hbm>>) target(%dma_start3A_1172 : memref<128x64xf32, #tpu.memory_space<vmem>>) offsets(%dma_start3A_1175 : memref<128xi32, #tpu.memory_space<vmem>>) semaphore(%arg13 : memref<!tpu.dma_semaphore, #tpu.memory_space<semaphore_mem>>)
      %dma_wait3A_1179 = arith.constant 6 : i32
      %dma_wait3A_1180 = arith.constant 0 : i32
      %dma_wait3A_1181 = arith.constant 0 : i32
      %dma_wait3A_1182 = tpu.memref_slice %arg10[%dma_wait3A_1180, %dma_wait3A_1181] : memref<256x64xf32, #tpu.memory_space<vmem>> -> memref<128x64xf32, #tpu.memory_space<vmem>>
      %dma_wait3A_1183 = arith.constant 0 : i32
      %dma_wait3A_1184 = tpu.memref_slice %arg5[%dma_wait3A_1179, %dma_wait3A_1183] : memref<8x128xi32, #tpu.memory_space<vmem>> -> memref<1x128xi32, #tpu.memory_space<vmem>>
      %dma_wait3A_1185 = tpu.memref_squeeze %dma_wait3A_1184 : memref<1x128xi32, #tpu.memory_space<vmem>> -> memref<128xi32, #tpu.memory_space<vmem>>
      %dma_wait3A_1186 = arith.constant 0 : i32
      %dma_wait3A_1187 = arith.constant 0 : i32
      %dma_wait3A_1188 = tpu.memref_slice %arg2[%dma_wait3A_1186, %dma_wait3A_1187] : memref<1000000x64xf32, #tpu.memory_space<hbm>> -> memref<1000000x64xf32, #tpu.memory_space<hbm>>
      tpu.wait_indirect_dma semaphore(%arg14 : memref<!tpu.dma_semaphore, #tpu.memory_space<semaphore_mem>>) src(%dma_wait3A_1188 : memref<1000000x64xf32, #tpu.memory_space<hbm>>) dst(%dma_wait3A_1182 : memref<128x64xf32, #tpu.memory_space<vmem>>)
      %dma_wait3A_1189 = arith.constant 7 : i32
      %dma_wait3A_1190 = arith.constant 128 : i32
      %dma_wait3A_1191 = arith.constant 0 : i32
      %dma_wait3A_1192 = tpu.memref_slice %arg10[%dma_wait3A_1190, %dma_wait3A_1191] : memref<256x64xf32, #tpu.memory_space<vmem>> -> memref<128x64xf32, #tpu.memory_space<vmem>>
      %dma_wait3A_1193 = arith.constant 0 : i32
      %dma_wait3A_1194 = tpu.memref_slice %arg5[%dma_wait3A_1189, %dma_wait3A_1193] : memref<8x128xi32, #tpu.memory_space<vmem>> -> memref<1x128xi32, #tpu.memory_space<vmem>>
      %dma_wait3A_1195 = tpu.memref_squeeze %dma_wait3A_1194 : memref<1x128xi32, #tpu.memory_space<vmem>> -> memref<128xi32, #tpu.memory_space<vmem>>
      %dma_wait3A_1196 = arith.constant 0 : i32
      %dma_wait3A_1197 = arith.constant 0 : i32
      %dma_wait3A_1198 = tpu.memref_slice %arg2[%dma_wait3A_1196, %dma_wait3A_1197] : memref<1000000x64xf32, #tpu.memory_space<hbm>> -> memref<1000000x64xf32, #tpu.memory_space<hbm>>
      tpu.wait_indirect_dma semaphore(%arg14 : memref<!tpu.dma_semaphore, #tpu.memory_space<semaphore_mem>>) src(%dma_wait3A_1198 : memref<1000000x64xf32, #tpu.memory_space<hbm>>) dst(%dma_wait3A_1192 : memref<128x64xf32, #tpu.memory_space<vmem>>)
      %sub3A_1199 = arith.constant 3 : i32
      %sub3A_1200 = arith.subi %add3A_1149, %sub3A_1199 : i32
      %mul3A_1201 = arith.constant 256 : i32
      %mul3A_1202 = arith.muli %sub3A_1200, %mul3A_1201 : i32
      %add3A_1203 = arith.addi %mul3A_4, %mul3A_1202 : i32
      %dma_start3A_1204 = arith.constant 0 : i32
      %dma_start3A_1205 = tpu.memref_slice %arg4[%add3A_1203, %dma_start3A_1204] : memref<819200x64xf32, #tpu.memory_space<hbm>> -> memref<256x64xf32, #tpu.memory_space<hbm>>
      %dma_start3A_1206 = arith.constant 0 : i32
      %dma_start3A_1207 = tpu.memref_slice %arg4[%add3A_1203, %dma_start3A_1206] : memref<819200x64xf32, #tpu.memory_space<hbm>> -> memref<256x64xf32, #tpu.memory_space<hbm>>
      tpu.enqueue_dma source(%arg10 : memref<256x64xf32, #tpu.memory_space<vmem>>) target(%dma_start3A_1207 : memref<256x64xf32, #tpu.memory_space<hbm>>) target_semaphore(%arg18 : memref<!tpu.dma_semaphore, #tpu.memory_space<semaphore_mem>>)
      %add3A_1208 = arith.constant 7 : i32
      %add3A_1209 = arith.addi %add3A_674, %add3A_1208 : i32
      %sub3A_1210 = arith.constant 4 : i32
      %sub3A_1211 = arith.subi %add3A_1209, %sub3A_1210 : i32
      %mul3A_1212 = arith.constant 256 : i32
      %mul3A_1213 = arith.muli %sub3A_1211, %mul3A_1212 : i32
      %add3A_1214 = arith.addi %mul3A_4, %mul3A_1213 : i32
      %dma_wait3A_1215 = arith.constant 0 : i32
      %dma_wait3A_1216 = tpu.memref_slice %arg4[%add3A_1214, %dma_wait3A_1215] : memref<819200x64xf32, #tpu.memory_space<hbm>> -> memref<256x64xf32, #tpu.memory_space<hbm>>
      %dma_wait3A_1217 = arith.constant 0 : i32
      %dma_wait3A_1218 = tpu.memref_slice %arg4[%add3A_1214, %dma_wait3A_1217] : memref<819200x64xf32, #tpu.memory_space<hbm>> -> memref<256x64xf32, #tpu.memory_space<hbm>>
      tpu.wait_dma2 semaphore(%arg18 : memref<!tpu.dma_semaphore, #tpu.memory_space<semaphore_mem>>) src(%arg10 : memref<256x64xf32, #tpu.memory_space<vmem>>) dst(%dma_wait3A_1218 : memref<256x64xf32, #tpu.memory_space<hbm>>)
      %dma_start3A_1219 = arith.constant 6 : i32
      %dma_start3A_1220 = arith.constant 0 : i32
      %dma_start3A_1221 = arith.constant 0 : i32
      %dma_start3A_1222 = tpu.memref_slice %arg10[%dma_start3A_1220, %dma_start3A_1221] : memref<256x64xf32, #tpu.memory_space<vmem>> -> memref<128x64xf32, #tpu.memory_space<vmem>>
      %dma_start3A_1223 = arith.constant 0 : i32
      %dma_start3A_1224 = tpu.memref_slice %arg6[%dma_start3A_1219, %dma_start3A_1223] : memref<8x128xi32, #tpu.memory_space<vmem>> -> memref<1x128xi32, #tpu.memory_space<vmem>>
      %dma_start3A_1225 = tpu.memref_squeeze %dma_start3A_1224 : memref<1x128xi32, #tpu.memory_space<vmem>> -> memref<128xi32, #tpu.memory_space<vmem>>
      %dma_start3A_1226 = arith.constant 0 : i32
      %dma_start3A_1227 = arith.constant 0 : i32
      %dma_start3A_1228 = tpu.memref_slice %arg2[%dma_start3A_1226, %dma_start3A_1227] : memref<1000000x64xf32, #tpu.memory_space<hbm>> -> memref<1000000x64xf32, #tpu.memory_space<hbm>>
      tpu.enqueue_indirect_dma source(%dma_start3A_1228 : memref<1000000x64xf32, #tpu.memory_space<hbm>>) target(%dma_start3A_1222 : memref<128x64xf32, #tpu.memory_space<vmem>>) offsets(%dma_start3A_1225 : memref<128xi32, #tpu.memory_space<vmem>>) semaphore(%arg14 : memref<!tpu.dma_semaphore, #tpu.memory_space<semaphore_mem>>)
      %dma_start3A_1229 = arith.constant 7 : i32
      %dma_start3A_1230 = arith.constant 128 : i32
      %dma_start3A_1231 = arith.constant 0 : i32
      %dma_start3A_1232 = tpu.memref_slice %arg10[%dma_start3A_1230, %dma_start3A_1231] : memref<256x64xf32, #tpu.memory_space<vmem>> -> memref<128x64xf32, #tpu.memory_space<vmem>>
      %dma_start3A_1233 = arith.constant 0 : i32
      %dma_start3A_1234 = tpu.memref_slice %arg6[%dma_start3A_1229, %dma_start3A_1233] : memref<8x128xi32, #tpu.memory_space<vmem>> -> memref<1x128xi32, #tpu.memory_space<vmem>>
      %dma_start3A_1235 = tpu.memref_squeeze %dma_start3A_1234 : memref<1x128xi32, #tpu.memory_space<vmem>> -> memref<128xi32, #tpu.memory_space<vmem>>
      %dma_start3A_1236 = arith.constant 0 : i32
      %dma_start3A_1237 = arith.constant 0 : i32
      %dma_start3A_1238 = tpu.memref_slice %arg2[%dma_start3A_1236, %dma_start3A_1237] : memref<1000000x64xf32, #tpu.memory_space<hbm>> -> memref<1000000x64xf32, #tpu.memory_space<hbm>>
      tpu.enqueue_indirect_dma source(%dma_start3A_1238 : memref<1000000x64xf32, #tpu.memory_space<hbm>>) target(%dma_start3A_1232 : memref<128x64xf32, #tpu.memory_space<vmem>>) offsets(%dma_start3A_1235 : memref<128xi32, #tpu.memory_space<vmem>>) semaphore(%arg14 : memref<!tpu.dma_semaphore, #tpu.memory_space<semaphore_mem>>)
      %dma_wait3A_1239 = arith.constant 0 : i32
      %dma_wait3A_1240 = arith.constant 0 : i32
      %dma_wait3A_1241 = arith.constant 0 : i32
      %dma_wait3A_1242 = tpu.memref_slice %arg7[%dma_wait3A_1240, %dma_wait3A_1241] : memref<256x64xf32, #tpu.memory_space<vmem>> -> memref<128x64xf32, #tpu.memory_space<vmem>>
      %dma_wait3A_1243 = arith.constant 0 : i32
      %dma_wait3A_1244 = tpu.memref_slice %arg6[%dma_wait3A_1239, %dma_wait3A_1243] : memref<8x128xi32, #tpu.memory_space<vmem>> -> memref<1x128xi32, #tpu.memory_space<vmem>>
      %dma_wait3A_1245 = tpu.memref_squeeze %dma_wait3A_1244 : memref<1x128xi32, #tpu.memory_space<vmem>> -> memref<128xi32, #tpu.memory_space<vmem>>
      %dma_wait3A_1246 = arith.constant 0 : i32
      %dma_wait3A_1247 = arith.constant 0 : i32
      %dma_wait3A_1248 = tpu.memref_slice %arg2[%dma_wait3A_1246, %dma_wait3A_1247] : memref<1000000x64xf32, #tpu.memory_space<hbm>> -> memref<1000000x64xf32, #tpu.memory_space<hbm>>
      tpu.wait_indirect_dma semaphore(%arg11 : memref<!tpu.dma_semaphore, #tpu.memory_space<semaphore_mem>>) src(%dma_wait3A_1248 : memref<1000000x64xf32, #tpu.memory_space<hbm>>) dst(%dma_wait3A_1242 : memref<128x64xf32, #tpu.memory_space<vmem>>)
      %dma_wait3A_1249 = arith.constant 1 : i32
      %dma_wait3A_1250 = arith.constant 128 : i32
      %dma_wait3A_1251 = arith.constant 0 : i32
      %dma_wait3A_1252 = tpu.memref_slice %arg7[%dma_wait3A_1250, %dma_wait3A_1251] : memref<256x64xf32, #tpu.memory_space<vmem>> -> memref<128x64xf32, #tpu.memory_space<vmem>>
      %dma_wait3A_1253 = arith.constant 0 : i32
      %dma_wait3A_1254 = tpu.memref_slice %arg6[%dma_wait3A_1249, %dma_wait3A_1253] : memref<8x128xi32, #tpu.memory_space<vmem>> -> memref<1x128xi32, #tpu.memory_space<vmem>>
      %dma_wait3A_1255 = tpu.memref_squeeze %dma_wait3A_1254 : memref<1x128xi32, #tpu.memory_space<vmem>> -> memref<128xi32, #tpu.memory_space<vmem>>
      %dma_wait3A_1256 = arith.constant 0 : i32
      %dma_wait3A_1257 = arith.constant 0 : i32
      %dma_wait3A_1258 = tpu.memref_slice %arg2[%dma_wait3A_1256, %dma_wait3A_1257] : memref<1000000x64xf32, #tpu.memory_space<hbm>> -> memref<1000000x64xf32, #tpu.memory_space<hbm>>
      tpu.wait_indirect_dma semaphore(%arg11 : memref<!tpu.dma_semaphore, #tpu.memory_space<semaphore_mem>>) src(%dma_wait3A_1258 : memref<1000000x64xf32, #tpu.memory_space<hbm>>) dst(%dma_wait3A_1252 : memref<128x64xf32, #tpu.memory_space<vmem>>)
      %sub3A_1259 = arith.constant 3 : i32
      %sub3A_1260 = arith.subi %add3A_1209, %sub3A_1259 : i32
      %mul3A_1261 = arith.constant 256 : i32
      %mul3A_1262 = arith.muli %sub3A_1260, %mul3A_1261 : i32
      %add3A_1263 = arith.addi %mul3A_4, %mul3A_1262 : i32
      %dma_start3A_1264 = arith.constant 0 : i32
      %dma_start3A_1265 = tpu.memref_slice %arg4[%add3A_1263, %dma_start3A_1264] : memref<819200x64xf32, #tpu.memory_space<hbm>> -> memref<256x64xf32, #tpu.memory_space<hbm>>
      %dma_start3A_1266 = arith.constant 0 : i32
      %dma_start3A_1267 = tpu.memref_slice %arg4[%add3A_1263, %dma_start3A_1266] : memref<819200x64xf32, #tpu.memory_space<hbm>> -> memref<256x64xf32, #tpu.memory_space<hbm>>
      tpu.enqueue_dma source(%arg7 : memref<256x64xf32, #tpu.memory_space<vmem>>) target(%dma_start3A_1267 : memref<256x64xf32, #tpu.memory_space<hbm>>) target_semaphore(%arg15 : memref<!tpu.dma_semaphore, #tpu.memory_space<semaphore_mem>>)
    }
    %scan3A_351 = arith.constant 11 : i32
    %add3A_352 = arith.constant 23552 : i32
    %add3A_353 = arith.addi %mul3A_4, %add3A_352 : i32
    %dma_wait3A_354 = arith.constant 0 : i32
    %dma_wait3A_355 = tpu.memref_slice %arg4[%add3A_353, %dma_wait3A_354] : memref<819200x64xf32, #tpu.memory_space<hbm>> -> memref<256x64xf32, #tpu.memory_space<hbm>>
    %dma_wait3A_356 = arith.constant 0 : i32
    %dma_wait3A_357 = tpu.memref_slice %arg4[%add3A_353, %dma_wait3A_356] : memref<819200x64xf32, #tpu.memory_space<hbm>> -> memref<256x64xf32, #tpu.memory_space<hbm>>
    tpu.wait_dma2 semaphore(%arg15 : memref<!tpu.dma_semaphore, #tpu.memory_space<semaphore_mem>>) src(%arg7 : memref<256x64xf32, #tpu.memory_space<vmem>>) dst(%dma_wait3A_357 : memref<256x64xf32, #tpu.memory_space<hbm>>)
    %add3A_358 = arith.constant 192 : i32
    %add3A_359 = arith.addi %mul3A_2, %add3A_358 : i32
    %dma_wait3A_360 = arith.constant 0 : i32
    %dma_wait3A_361 = tpu.memref_slice %arg3[%add3A_359, %dma_wait3A_360] : memref<6400x128xi32, #tpu.memory_space<hbm>> -> memref<8x128xi32, #tpu.memory_space<hbm>>
    %dma_wait3A_362 = arith.constant 0 : i32
    %dma_wait3A_363 = tpu.memref_slice %arg3[%add3A_359, %dma_wait3A_362] : memref<6400x128xi32, #tpu.memory_space<hbm>> -> memref<8x128xi32, #tpu.memory_space<hbm>>
    tpu.wait_dma2 semaphore(%arg19 : memref<!tpu.dma_semaphore, #tpu.memory_space<semaphore_mem>>) src(%dma_wait3A_363 : memref<8x128xi32, #tpu.memory_space<hbm>>) dst(%arg5 : memref<8x128xi32, #tpu.memory_space<vmem>>)
    %dma_start3A_364 = arith.constant 0 : i32
    %dma_start3A_365 = arith.constant 0 : i32
    %dma_start3A_366 = arith.constant 0 : i32
    %dma_start3A_367 = tpu.memref_slice %arg7[%dma_start3A_365, %dma_start3A_366] : memref<256x64xf32, #tpu.memory_space<vmem>> -> memref<128x64xf32, #tpu.memory_space<vmem>>
    %dma_start3A_368 = arith.constant 0 : i32
    %dma_start3A_369 = tpu.memref_slice %arg5[%dma_start3A_364, %dma_start3A_368] : memref<8x128xi32, #tpu.memory_space<vmem>> -> memref<1x128xi32, #tpu.memory_space<vmem>>
    %dma_start3A_370 = tpu.memref_squeeze %dma_start3A_369 : memref<1x128xi32, #tpu.memory_space<vmem>> -> memref<128xi32, #tpu.memory_space<vmem>>
    %dma_start3A_371 = arith.constant 0 : i32
    %dma_start3A_372 = arith.constant 0 : i32
    %dma_start3A_373 = tpu.memref_slice %arg2[%dma_start3A_371, %dma_start3A_372] : memref<1000000x64xf32, #tpu.memory_space<hbm>> -> memref<1000000x64xf32, #tpu.memory_space<hbm>>
    tpu.enqueue_indirect_dma source(%dma_start3A_373 : memref<1000000x64xf32, #tpu.memory_space<hbm>>) target(%dma_start3A_367 : memref<128x64xf32, #tpu.memory_space<vmem>>) offsets(%dma_start3A_370 : memref<128xi32, #tpu.memory_space<vmem>>) semaphore(%arg11 : memref<!tpu.dma_semaphore, #tpu.memory_space<semaphore_mem>>)
    %dma_start3A_374 = arith.constant 1 : i32
    %dma_start3A_375 = arith.constant 128 : i32
    %dma_start3A_376 = arith.constant 0 : i32
    %dma_start3A_377 = tpu.memref_slice %arg7[%dma_start3A_375, %dma_start3A_376] : memref<256x64xf32, #tpu.memory_space<vmem>> -> memref<128x64xf32, #tpu.memory_space<vmem>>
    %dma_start3A_378 = arith.constant 0 : i32
    %dma_start3A_379 = tpu.memref_slice %arg5[%dma_start3A_374, %dma_start3A_378] : memref<8x128xi32, #tpu.memory_space<vmem>> -> memref<1x128xi32, #tpu.memory_space<vmem>>
    %dma_start3A_380 = tpu.memref_squeeze %dma_start3A_379 : memref<1x128xi32, #tpu.memory_space<vmem>> -> memref<128xi32, #tpu.memory_space<vmem>>
    %dma_start3A_381 = arith.constant 0 : i32
    %dma_start3A_382 = arith.constant 0 : i32
    %dma_start3A_383 = tpu.memref_slice %arg2[%dma_start3A_381, %dma_start3A_382] : memref<1000000x64xf32, #tpu.memory_space<hbm>> -> memref<1000000x64xf32, #tpu.memory_space<hbm>>
    tpu.enqueue_indirect_dma source(%dma_start3A_383 : memref<1000000x64xf32, #tpu.memory_space<hbm>>) target(%dma_start3A_377 : memref<128x64xf32, #tpu.memory_space<vmem>>) offsets(%dma_start3A_380 : memref<128xi32, #tpu.memory_space<vmem>>) semaphore(%arg11 : memref<!tpu.dma_semaphore, #tpu.memory_space<semaphore_mem>>)
    %dma_wait3A_384 = arith.constant 2 : i32
    %dma_wait3A_385 = arith.constant 0 : i32
    %dma_wait3A_386 = arith.constant 0 : i32
    %dma_wait3A_387 = tpu.memref_slice %arg8[%dma_wait3A_385, %dma_wait3A_386] : memref<256x64xf32, #tpu.memory_space<vmem>> -> memref<128x64xf32, #tpu.memory_space<vmem>>
    %dma_wait3A_388 = arith.constant 0 : i32
    %dma_wait3A_389 = tpu.memref_slice %arg6[%dma_wait3A_384, %dma_wait3A_388] : memref<8x128xi32, #tpu.memory_space<vmem>> -> memref<1x128xi32, #tpu.memory_space<vmem>>
    %dma_wait3A_390 = tpu.memref_squeeze %dma_wait3A_389 : memref<1x128xi32, #tpu.memory_space<vmem>> -> memref<128xi32, #tpu.memory_space<vmem>>
    %dma_wait3A_391 = arith.constant 0 : i32
    %dma_wait3A_392 = arith.constant 0 : i32
    %dma_wait3A_393 = tpu.memref_slice %arg2[%dma_wait3A_391, %dma_wait3A_392] : memref<1000000x64xf32, #tpu.memory_space<hbm>> -> memref<1000000x64xf32, #tpu.memory_space<hbm>>
    tpu.wait_indirect_dma semaphore(%arg12 : memref<!tpu.dma_semaphore, #tpu.memory_space<semaphore_mem>>) src(%dma_wait3A_393 : memref<1000000x64xf32, #tpu.memory_space<hbm>>) dst(%dma_wait3A_387 : memref<128x64xf32, #tpu.memory_space<vmem>>)
    %dma_wait3A_394 = arith.constant 3 : i32
    %dma_wait3A_395 = arith.constant 128 : i32
    %dma_wait3A_396 = arith.constant 0 : i32
    %dma_wait3A_397 = tpu.memref_slice %arg8[%dma_wait3A_395, %dma_wait3A_396] : memref<256x64xf32, #tpu.memory_space<vmem>> -> memref<128x64xf32, #tpu.memory_space<vmem>>
    %dma_wait3A_398 = arith.constant 0 : i32
    %dma_wait3A_399 = tpu.memref_slice %arg6[%dma_wait3A_394, %dma_wait3A_398] : memref<8x128xi32, #tpu.memory_space<vmem>> -> memref<1x128xi32, #tpu.memory_space<vmem>>
    %dma_wait3A_400 = tpu.memref_squeeze %dma_wait3A_399 : memref<1x128xi32, #tpu.memory_space<vmem>> -> memref<128xi32, #tpu.memory_space<vmem>>
    %dma_wait3A_401 = arith.constant 0 : i32
    %dma_wait3A_402 = arith.constant 0 : i32
    %dma_wait3A_403 = tpu.memref_slice %arg2[%dma_wait3A_401, %dma_wait3A_402] : memref<1000000x64xf32, #tpu.memory_space<hbm>> -> memref<1000000x64xf32, #tpu.memory_space<hbm>>
    tpu.wait_indirect_dma semaphore(%arg12 : memref<!tpu.dma_semaphore, #tpu.memory_space<semaphore_mem>>) src(%dma_wait3A_403 : memref<1000000x64xf32, #tpu.memory_space<hbm>>) dst(%dma_wait3A_397 : memref<128x64xf32, #tpu.memory_space<vmem>>)
    %add3A_404 = arith.constant 23808 : i32
    %add3A_405 = arith.addi %mul3A_4, %add3A_404 : i32
    %dma_start3A_406 = arith.constant 0 : i32
    %dma_start3A_407 = tpu.memref_slice %arg4[%add3A_405, %dma_start3A_406] : memref<819200x64xf32, #tpu.memory_space<hbm>> -> memref<256x64xf32, #tpu.memory_space<hbm>>
    %dma_start3A_408 = arith.constant 0 : i32
    %dma_start3A_409 = tpu.memref_slice %arg4[%add3A_405, %dma_start3A_408] : memref<819200x64xf32, #tpu.memory_space<hbm>> -> memref<256x64xf32, #tpu.memory_space<hbm>>
    tpu.enqueue_dma source(%arg8 : memref<256x64xf32, #tpu.memory_space<vmem>>) target(%dma_start3A_409 : memref<256x64xf32, #tpu.memory_space<hbm>>) target_semaphore(%arg16 : memref<!tpu.dma_semaphore, #tpu.memory_space<semaphore_mem>>)
    %add3A_410 = arith.constant 23808 : i32
    %add3A_411 = arith.addi %mul3A_4, %add3A_410 : i32
    %dma_wait3A_412 = arith.constant 0 : i32
    %dma_wait3A_413 = tpu.memref_slice %arg4[%add3A_411, %dma_wait3A_412] : memref<819200x64xf32, #tpu.memory_space<hbm>> -> memref<256x64xf32, #tpu.memory_space<hbm>>
    %dma_wait3A_414 = arith.constant 0 : i32
    %dma_wait3A_415 = tpu.memref_slice %arg4[%add3A_411, %dma_wait3A_414] : memref<819200x64xf32, #tpu.memory_space<hbm>> -> memref<256x64xf32, #tpu.memory_space<hbm>>
    tpu.wait_dma2 semaphore(%arg16 : memref<!tpu.dma_semaphore, #tpu.memory_space<semaphore_mem>>) src(%arg8 : memref<256x64xf32, #tpu.memory_space<vmem>>) dst(%dma_wait3A_415 : memref<256x64xf32, #tpu.memory_space<hbm>>)
    %dma_start3A_416 = arith.constant 2 : i32
    %dma_start3A_417 = arith.constant 0 : i32
    %dma_start3A_418 = arith.constant 0 : i32
    %dma_start3A_419 = tpu.memref_slice %arg8[%dma_start3A_417, %dma_start3A_418] : memref<256x64xf32, #tpu.memory_space<vmem>> -> memref<128x64xf32, #tpu.memory_space<vmem>>
    %dma_start3A_420 = arith.constant 0 : i32
    %dma_start3A_421 = tpu.memref_slice %arg5[%dma_start3A_416, %dma_start3A_420] : memref<8x128xi32, #tpu.memory_space<vmem>> -> memref<1x128xi32, #tpu.memory_space<vmem>>
    %dma_start3A_422 = tpu.memref_squeeze %dma_start3A_421 : memref<1x128xi32, #tpu.memory_space<vmem>> -> memref<128xi32, #tpu.memory_space<vmem>>
    %dma_start3A_423 = arith.constant 0 : i32
    %dma_start3A_424 = arith.constant 0 : i32
    %dma_start3A_425 = tpu.memref_slice %arg2[%dma_start3A_423, %dma_start3A_424] : memref<1000000x64xf32, #tpu.memory_space<hbm>> -> memref<1000000x64xf32, #tpu.memory_space<hbm>>
    tpu.enqueue_indirect_dma source(%dma_start3A_425 : memref<1000000x64xf32, #tpu.memory_space<hbm>>) target(%dma_start3A_419 : memref<128x64xf32, #tpu.memory_space<vmem>>) offsets(%dma_start3A_422 : memref<128xi32, #tpu.memory_space<vmem>>) semaphore(%arg12 : memref<!tpu.dma_semaphore, #tpu.memory_space<semaphore_mem>>)
    %dma_start3A_426 = arith.constant 3 : i32
    %dma_start3A_427 = arith.constant 128 : i32
    %dma_start3A_428 = arith.constant 0 : i32
    %dma_start3A_429 = tpu.memref_slice %arg8[%dma_start3A_427, %dma_start3A_428] : memref<256x64xf32, #tpu.memory_space<vmem>> -> memref<128x64xf32, #tpu.memory_space<vmem>>
    %dma_start3A_430 = arith.constant 0 : i32
    %dma_start3A_431 = tpu.memref_slice %arg5[%dma_start3A_426, %dma_start3A_430] : memref<8x128xi32, #tpu.memory_space<vmem>> -> memref<1x128xi32, #tpu.memory_space<vmem>>
    %dma_start3A_432 = tpu.memref_squeeze %dma_start3A_431 : memref<1x128xi32, #tpu.memory_space<vmem>> -> memref<128xi32, #tpu.memory_space<vmem>>
    %dma_start3A_433 = arith.constant 0 : i32
    %dma_start3A_434 = arith.constant 0 : i32
    %dma_start3A_435 = tpu.memref_slice %arg2[%dma_start3A_433, %dma_start3A_434] : memref<1000000x64xf32, #tpu.memory_space<hbm>> -> memref<1000000x64xf32, #tpu.memory_space<hbm>>
    tpu.enqueue_indirect_dma source(%dma_start3A_435 : memref<1000000x64xf32, #tpu.memory_space<hbm>>) target(%dma_start3A_429 : memref<128x64xf32, #tpu.memory_space<vmem>>) offsets(%dma_start3A_432 : memref<128xi32, #tpu.memory_space<vmem>>) semaphore(%arg12 : memref<!tpu.dma_semaphore, #tpu.memory_space<semaphore_mem>>)
    %dma_wait3A_436 = arith.constant 4 : i32
    %dma_wait3A_437 = arith.constant 0 : i32
    %dma_wait3A_438 = arith.constant 0 : i32
    %dma_wait3A_439 = tpu.memref_slice %arg9[%dma_wait3A_437, %dma_wait3A_438] : memref<256x64xf32, #tpu.memory_space<vmem>> -> memref<128x64xf32, #tpu.memory_space<vmem>>
    %dma_wait3A_440 = arith.constant 0 : i32
    %dma_wait3A_441 = tpu.memref_slice %arg6[%dma_wait3A_436, %dma_wait3A_440] : memref<8x128xi32, #tpu.memory_space<vmem>> -> memref<1x128xi32, #tpu.memory_space<vmem>>
    %dma_wait3A_442 = tpu.memref_squeeze %dma_wait3A_441 : memref<1x128xi32, #tpu.memory_space<vmem>> -> memref<128xi32, #tpu.memory_space<vmem>>
    %dma_wait3A_443 = arith.constant 0 : i32
    %dma_wait3A_444 = arith.constant 0 : i32
    %dma_wait3A_445 = tpu.memref_slice %arg2[%dma_wait3A_443, %dma_wait3A_444] : memref<1000000x64xf32, #tpu.memory_space<hbm>> -> memref<1000000x64xf32, #tpu.memory_space<hbm>>
    tpu.wait_indirect_dma semaphore(%arg13 : memref<!tpu.dma_semaphore, #tpu.memory_space<semaphore_mem>>) src(%dma_wait3A_445 : memref<1000000x64xf32, #tpu.memory_space<hbm>>) dst(%dma_wait3A_439 : memref<128x64xf32, #tpu.memory_space<vmem>>)
    %dma_wait3A_446 = arith.constant 5 : i32
    %dma_wait3A_447 = arith.constant 128 : i32
    %dma_wait3A_448 = arith.constant 0 : i32
    %dma_wait3A_449 = tpu.memref_slice %arg9[%dma_wait3A_447, %dma_wait3A_448] : memref<256x64xf32, #tpu.memory_space<vmem>> -> memref<128x64xf32, #tpu.memory_space<vmem>>
    %dma_wait3A_450 = arith.constant 0 : i32
    %dma_wait3A_451 = tpu.memref_slice %arg6[%dma_wait3A_446, %dma_wait3A_450] : memref<8x128xi32, #tpu.memory_space<vmem>> -> memref<1x128xi32, #tpu.memory_space<vmem>>
    %dma_wait3A_452 = tpu.memref_squeeze %dma_wait3A_451 : memref<1x128xi32, #tpu.memory_space<vmem>> -> memref<128xi32, #tpu.memory_space<vmem>>
    %dma_wait3A_453 = arith.constant 0 : i32
    %dma_wait3A_454 = arith.constant 0 : i32
    %dma_wait3A_455 = tpu.memref_slice %arg2[%dma_wait3A_453, %dma_wait3A_454] : memref<1000000x64xf32, #tpu.memory_space<hbm>> -> memref<1000000x64xf32, #tpu.memory_space<hbm>>
    tpu.wait_indirect_dma semaphore(%arg13 : memref<!tpu.dma_semaphore, #tpu.memory_space<semaphore_mem>>) src(%dma_wait3A_455 : memref<1000000x64xf32, #tpu.memory_space<hbm>>) dst(%dma_wait3A_449 : memref<128x64xf32, #tpu.memory_space<vmem>>)
    %add3A_456 = arith.constant 24064 : i32
    %add3A_457 = arith.addi %mul3A_4, %add3A_456 : i32
    %dma_start3A_458 = arith.constant 0 : i32
    %dma_start3A_459 = tpu.memref_slice %arg4[%add3A_457, %dma_start3A_458] : memref<819200x64xf32, #tpu.memory_space<hbm>> -> memref<256x64xf32, #tpu.memory_space<hbm>>
    %dma_start3A_460 = arith.constant 0 : i32
    %dma_start3A_461 = tpu.memref_slice %arg4[%add3A_457, %dma_start3A_460] : memref<819200x64xf32, #tpu.memory_space<hbm>> -> memref<256x64xf32, #tpu.memory_space<hbm>>
    tpu.enqueue_dma source(%arg9 : memref<256x64xf32, #tpu.memory_space<vmem>>) target(%dma_start3A_461 : memref<256x64xf32, #tpu.memory_space<hbm>>) target_semaphore(%arg17 : memref<!tpu.dma_semaphore, #tpu.memory_space<semaphore_mem>>)
    %add3A_462 = arith.constant 24064 : i32
    %add3A_463 = arith.addi %mul3A_4, %add3A_462 : i32
    %dma_wait3A_464 = arith.constant 0 : i32
    %dma_wait3A_465 = tpu.memref_slice %arg4[%add3A_463, %dma_wait3A_464] : memref<819200x64xf32, #tpu.memory_space<hbm>> -> memref<256x64xf32, #tpu.memory_space<hbm>>
    %dma_wait3A_466 = arith.constant 0 : i32
    %dma_wait3A_467 = tpu.memref_slice %arg4[%add3A_463, %dma_wait3A_466] : memref<819200x64xf32, #tpu.memory_space<hbm>> -> memref<256x64xf32, #tpu.memory_space<hbm>>
    tpu.wait_dma2 semaphore(%arg17 : memref<!tpu.dma_semaphore, #tpu.memory_space<semaphore_mem>>) src(%arg9 : memref<256x64xf32, #tpu.memory_space<vmem>>) dst(%dma_wait3A_467 : memref<256x64xf32, #tpu.memory_space<hbm>>)
    %dma_start3A_468 = arith.constant 4 : i32
    %dma_start3A_469 = arith.constant 0 : i32
    %dma_start3A_470 = arith.constant 0 : i32
    %dma_start3A_471 = tpu.memref_slice %arg9[%dma_start3A_469, %dma_start3A_470] : memref<256x64xf32, #tpu.memory_space<vmem>> -> memref<128x64xf32, #tpu.memory_space<vmem>>
    %dma_start3A_472 = arith.constant 0 : i32
    %dma_start3A_473 = tpu.memref_slice %arg5[%dma_start3A_468, %dma_start3A_472] : memref<8x128xi32, #tpu.memory_space<vmem>> -> memref<1x128xi32, #tpu.memory_space<vmem>>
    %dma_start3A_474 = tpu.memref_squeeze %dma_start3A_473 : memref<1x128xi32, #tpu.memory_space<vmem>> -> memref<128xi32, #tpu.memory_space<vmem>>
    %dma_start3A_475 = arith.constant 0 : i32
    %dma_start3A_476 = arith.constant 0 : i32
    %dma_start3A_477 = tpu.memref_slice %arg2[%dma_start3A_475, %dma_start3A_476] : memref<1000000x64xf32, #tpu.memory_space<hbm>> -> memref<1000000x64xf32, #tpu.memory_space<hbm>>
    tpu.enqueue_indirect_dma source(%dma_start3A_477 : memref<1000000x64xf32, #tpu.memory_space<hbm>>) target(%dma_start3A_471 : memref<128x64xf32, #tpu.memory_space<vmem>>) offsets(%dma_start3A_474 : memref<128xi32, #tpu.memory_space<vmem>>) semaphore(%arg13 : memref<!tpu.dma_semaphore, #tpu.memory_space<semaphore_mem>>)
    %dma_start3A_478 = arith.constant 5 : i32
    %dma_start3A_479 = arith.constant 128 : i32
    %dma_start3A_480 = arith.constant 0 : i32
    %dma_start3A_481 = tpu.memref_slice %arg9[%dma_start3A_479, %dma_start3A_480] : memref<256x64xf32, #tpu.memory_space<vmem>> -> memref<128x64xf32, #tpu.memory_space<vmem>>
    %dma_start3A_482 = arith.constant 0 : i32
    %dma_start3A_483 = tpu.memref_slice %arg5[%dma_start3A_478, %dma_start3A_482] : memref<8x128xi32, #tpu.memory_space<vmem>> -> memref<1x128xi32, #tpu.memory_space<vmem>>
    %dma_start3A_484 = tpu.memref_squeeze %dma_start3A_483 : memref<1x128xi32, #tpu.memory_space<vmem>> -> memref<128xi32, #tpu.memory_space<vmem>>
    %dma_start3A_485 = arith.constant 0 : i32
    %dma_start3A_486 = arith.constant 0 : i32
    %dma_start3A_487 = tpu.memref_slice %arg2[%dma_start3A_485, %dma_start3A_486] : memref<1000000x64xf32, #tpu.memory_space<hbm>> -> memref<1000000x64xf32, #tpu.memory_space<hbm>>
    tpu.enqueue_indirect_dma source(%dma_start3A_487 : memref<1000000x64xf32, #tpu.memory_space<hbm>>) target(%dma_start3A_481 : memref<128x64xf32, #tpu.memory_space<vmem>>) offsets(%dma_start3A_484 : memref<128xi32, #tpu.memory_space<vmem>>) semaphore(%arg13 : memref<!tpu.dma_semaphore, #tpu.memory_space<semaphore_mem>>)
    %dma_wait3A_488 = arith.constant 6 : i32
    %dma_wait3A_489 = arith.constant 0 : i32
    %dma_wait3A_490 = arith.constant 0 : i32
    %dma_wait3A_491 = tpu.memref_slice %arg10[%dma_wait3A_489, %dma_wait3A_490] : memref<256x64xf32, #tpu.memory_space<vmem>> -> memref<128x64xf32, #tpu.memory_space<vmem>>
    %dma_wait3A_492 = arith.constant 0 : i32
    %dma_wait3A_493 = tpu.memref_slice %arg6[%dma_wait3A_488, %dma_wait3A_492] : memref<8x128xi32, #tpu.memory_space<vmem>> -> memref<1x128xi32, #tpu.memory_space<vmem>>
    %dma_wait3A_494 = tpu.memref_squeeze %dma_wait3A_493 : memref<1x128xi32, #tpu.memory_space<vmem>> -> memref<128xi32, #tpu.memory_space<vmem>>
    %dma_wait3A_495 = arith.constant 0 : i32
    %dma_wait3A_496 = arith.constant 0 : i32
    %dma_wait3A_497 = tpu.memref_slice %arg2[%dma_wait3A_495, %dma_wait3A_496] : memref<1000000x64xf32, #tpu.memory_space<hbm>> -> memref<1000000x64xf32, #tpu.memory_space<hbm>>
    tpu.wait_indirect_dma semaphore(%arg14 : memref<!tpu.dma_semaphore, #tpu.memory_space<semaphore_mem>>) src(%dma_wait3A_497 : memref<1000000x64xf32, #tpu.memory_space<hbm>>) dst(%dma_wait3A_491 : memref<128x64xf32, #tpu.memory_space<vmem>>)
    %dma_wait3A_498 = arith.constant 7 : i32
    %dma_wait3A_499 = arith.constant 128 : i32
    %dma_wait3A_500 = arith.constant 0 : i32
    %dma_wait3A_501 = tpu.memref_slice %arg10[%dma_wait3A_499, %dma_wait3A_500] : memref<256x64xf32, #tpu.memory_space<vmem>> -> memref<128x64xf32, #tpu.memory_space<vmem>>
    %dma_wait3A_502 = arith.constant 0 : i32
    %dma_wait3A_503 = tpu.memref_slice %arg6[%dma_wait3A_498, %dma_wait3A_502] : memref<8x128xi32, #tpu.memory_space<vmem>> -> memref<1x128xi32, #tpu.memory_space<vmem>>
    %dma_wait3A_504 = tpu.memref_squeeze %dma_wait3A_503 : memref<1x128xi32, #tpu.memory_space<vmem>> -> memref<128xi32, #tpu.memory_space<vmem>>
    %dma_wait3A_505 = arith.constant 0 : i32
    %dma_wait3A_506 = arith.constant 0 : i32
    %dma_wait3A_507 = tpu.memref_slice %arg2[%dma_wait3A_505, %dma_wait3A_506] : memref<1000000x64xf32, #tpu.memory_space<hbm>> -> memref<1000000x64xf32, #tpu.memory_space<hbm>>
    tpu.wait_indirect_dma semaphore(%arg14 : memref<!tpu.dma_semaphore, #tpu.memory_space<semaphore_mem>>) src(%dma_wait3A_507 : memref<1000000x64xf32, #tpu.memory_space<hbm>>) dst(%dma_wait3A_501 : memref<128x64xf32, #tpu.memory_space<vmem>>)
    %add3A_508 = arith.constant 24320 : i32
    %add3A_509 = arith.addi %mul3A_4, %add3A_508 : i32
    %dma_start3A_510 = arith.constant 0 : i32
    %dma_start3A_511 = tpu.memref_slice %arg4[%add3A_509, %dma_start3A_510] : memref<819200x64xf32, #tpu.memory_space<hbm>> -> memref<256x64xf32, #tpu.memory_space<hbm>>
    %dma_start3A_512 = arith.constant 0 : i32
    %dma_start3A_513 = tpu.memref_slice %arg4[%add3A_509, %dma_start3A_512] : memref<819200x64xf32, #tpu.memory_space<hbm>> -> memref<256x64xf32, #tpu.memory_space<hbm>>
    tpu.enqueue_dma source(%arg10 : memref<256x64xf32, #tpu.memory_space<vmem>>) target(%dma_start3A_513 : memref<256x64xf32, #tpu.memory_space<hbm>>) target_semaphore(%arg18 : memref<!tpu.dma_semaphore, #tpu.memory_space<semaphore_mem>>)
    %add3A_514 = arith.constant 24320 : i32
    %add3A_515 = arith.addi %mul3A_4, %add3A_514 : i32
    %dma_wait3A_516 = arith.constant 0 : i32
    %dma_wait3A_517 = tpu.memref_slice %arg4[%add3A_515, %dma_wait3A_516] : memref<819200x64xf32, #tpu.memory_space<hbm>> -> memref<256x64xf32, #tpu.memory_space<hbm>>
    %dma_wait3A_518 = arith.constant 0 : i32
    %dma_wait3A_519 = tpu.memref_slice %arg4[%add3A_515, %dma_wait3A_518] : memref<819200x64xf32, #tpu.memory_space<hbm>> -> memref<256x64xf32, #tpu.memory_space<hbm>>
    tpu.wait_dma2 semaphore(%arg18 : memref<!tpu.dma_semaphore, #tpu.memory_space<semaphore_mem>>) src(%arg10 : memref<256x64xf32, #tpu.memory_space<vmem>>) dst(%dma_wait3A_519 : memref<256x64xf32, #tpu.memory_space<hbm>>)
    %dma_start3A_520 = arith.constant 6 : i32
    %dma_start3A_521 = arith.constant 0 : i32
    %dma_start3A_522 = arith.constant 0 : i32
    %dma_start3A_523 = tpu.memref_slice %arg10[%dma_start3A_521, %dma_start3A_522] : memref<256x64xf32, #tpu.memory_space<vmem>> -> memref<128x64xf32, #tpu.memory_space<vmem>>
    %dma_start3A_524 = arith.constant 0 : i32
    %dma_start3A_525 = tpu.memref_slice %arg5[%dma_start3A_520, %dma_start3A_524] : memref<8x128xi32, #tpu.memory_space<vmem>> -> memref<1x128xi32, #tpu.memory_space<vmem>>
    %dma_start3A_526 = tpu.memref_squeeze %dma_start3A_525 : memref<1x128xi32, #tpu.memory_space<vmem>> -> memref<128xi32, #tpu.memory_space<vmem>>
    %dma_start3A_527 = arith.constant 0 : i32
    %dma_start3A_528 = arith.constant 0 : i32
    %dma_start3A_529 = tpu.memref_slice %arg2[%dma_start3A_527, %dma_start3A_528] : memref<1000000x64xf32, #tpu.memory_space<hbm>> -> memref<1000000x64xf32, #tpu.memory_space<hbm>>
    tpu.enqueue_indirect_dma source(%dma_start3A_529 : memref<1000000x64xf32, #tpu.memory_space<hbm>>) target(%dma_start3A_523 : memref<128x64xf32, #tpu.memory_space<vmem>>) offsets(%dma_start3A_526 : memref<128xi32, #tpu.memory_space<vmem>>) semaphore(%arg14 : memref<!tpu.dma_semaphore, #tpu.memory_space<semaphore_mem>>)
    %dma_start3A_530 = arith.constant 7 : i32
    %dma_start3A_531 = arith.constant 128 : i32
    %dma_start3A_532 = arith.constant 0 : i32
    %dma_start3A_533 = tpu.memref_slice %arg10[%dma_start3A_531, %dma_start3A_532] : memref<256x64xf32, #tpu.memory_space<vmem>> -> memref<128x64xf32, #tpu.memory_space<vmem>>
    %dma_start3A_534 = arith.constant 0 : i32
    %dma_start3A_535 = tpu.memref_slice %arg5[%dma_start3A_530, %dma_start3A_534] : memref<8x128xi32, #tpu.memory_space<vmem>> -> memref<1x128xi32, #tpu.memory_space<vmem>>
    %dma_start3A_536 = tpu.memref_squeeze %dma_start3A_535 : memref<1x128xi32, #tpu.memory_space<vmem>> -> memref<128xi32, #tpu.memory_space<vmem>>
    %dma_start3A_537 = arith.constant 0 : i32
    %dma_start3A_538 = arith.constant 0 : i32
    %dma_start3A_539 = tpu.memref_slice %arg2[%dma_start3A_537, %dma_start3A_538] : memref<1000000x64xf32, #tpu.memory_space<hbm>> -> memref<1000000x64xf32, #tpu.memory_space<hbm>>
    tpu.enqueue_indirect_dma source(%dma_start3A_539 : memref<1000000x64xf32, #tpu.memory_space<hbm>>) target(%dma_start3A_533 : memref<128x64xf32, #tpu.memory_space<vmem>>) offsets(%dma_start3A_536 : memref<128xi32, #tpu.memory_space<vmem>>) semaphore(%arg14 : memref<!tpu.dma_semaphore, #tpu.memory_space<semaphore_mem>>)
    %dma_wait3A_540 = arith.constant 0 : i32
    %dma_wait3A_541 = arith.constant 0 : i32
    %dma_wait3A_542 = arith.constant 0 : i32
    %dma_wait3A_543 = tpu.memref_slice %arg7[%dma_wait3A_541, %dma_wait3A_542] : memref<256x64xf32, #tpu.memory_space<vmem>> -> memref<128x64xf32, #tpu.memory_space<vmem>>
    %dma_wait3A_544 = arith.constant 0 : i32
    %dma_wait3A_545 = tpu.memref_slice %arg5[%dma_wait3A_540, %dma_wait3A_544] : memref<8x128xi32, #tpu.memory_space<vmem>> -> memref<1x128xi32, #tpu.memory_space<vmem>>
    %dma_wait3A_546 = tpu.memref_squeeze %dma_wait3A_545 : memref<1x128xi32, #tpu.memory_space<vmem>> -> memref<128xi32, #tpu.memory_space<vmem>>
    %dma_wait3A_547 = arith.constant 0 : i32
    %dma_wait3A_548 = arith.constant 0 : i32
    %dma_wait3A_549 = tpu.memref_slice %arg2[%dma_wait3A_547, %dma_wait3A_548] : memref<1000000x64xf32, #tpu.memory_space<hbm>> -> memref<1000000x64xf32, #tpu.memory_space<hbm>>
    tpu.wait_indirect_dma semaphore(%arg11 : memref<!tpu.dma_semaphore, #tpu.memory_space<semaphore_mem>>) src(%dma_wait3A_549 : memref<1000000x64xf32, #tpu.memory_space<hbm>>) dst(%dma_wait3A_543 : memref<128x64xf32, #tpu.memory_space<vmem>>)
    %dma_wait3A_550 = arith.constant 1 : i32
    %dma_wait3A_551 = arith.constant 128 : i32
    %dma_wait3A_552 = arith.constant 0 : i32
    %dma_wait3A_553 = tpu.memref_slice %arg7[%dma_wait3A_551, %dma_wait3A_552] : memref<256x64xf32, #tpu.memory_space<vmem>> -> memref<128x64xf32, #tpu.memory_space<vmem>>
    %dma_wait3A_554 = arith.constant 0 : i32
    %dma_wait3A_555 = tpu.memref_slice %arg5[%dma_wait3A_550, %dma_wait3A_554] : memref<8x128xi32, #tpu.memory_space<vmem>> -> memref<1x128xi32, #tpu.memory_space<vmem>>
    %dma_wait3A_556 = tpu.memref_squeeze %dma_wait3A_555 : memref<1x128xi32, #tpu.memory_space<vmem>> -> memref<128xi32, #tpu.memory_space<vmem>>
    %dma_wait3A_557 = arith.constant 0 : i32
    %dma_wait3A_558 = arith.constant 0 : i32
    %dma_wait3A_559 = tpu.memref_slice %arg2[%dma_wait3A_557, %dma_wait3A_558] : memref<1000000x64xf32, #tpu.memory_space<hbm>> -> memref<1000000x64xf32, #tpu.memory_space<hbm>>
    tpu.wait_indirect_dma semaphore(%arg11 : memref<!tpu.dma_semaphore, #tpu.memory_space<semaphore_mem>>) src(%dma_wait3A_559 : memref<1000000x64xf32, #tpu.memory_space<hbm>>) dst(%dma_wait3A_553 : memref<128x64xf32, #tpu.memory_space<vmem>>)
    %add3A_560 = arith.constant 24576 : i32
    %add3A_561 = arith.addi %mul3A_4, %add3A_560 : i32
    %dma_start3A_562 = arith.constant 0 : i32
    %dma_start3A_563 = tpu.memref_slice %arg4[%add3A_561, %dma_start3A_562] : memref<819200x64xf32, #tpu.memory_space<hbm>> -> memref<256x64xf32, #tpu.memory_space<hbm>>
    %dma_start3A_564 = arith.constant 0 : i32
    %dma_start3A_565 = tpu.memref_slice %arg4[%add3A_561, %dma_start3A_564] : memref<819200x64xf32, #tpu.memory_space<hbm>> -> memref<256x64xf32, #tpu.memory_space<hbm>>
    tpu.enqueue_dma source(%arg7 : memref<256x64xf32, #tpu.memory_space<vmem>>) target(%dma_start3A_565 : memref<256x64xf32, #tpu.memory_space<hbm>>) target_semaphore(%arg15 : memref<!tpu.dma_semaphore, #tpu.memory_space<semaphore_mem>>)
    %dma_wait3A_566 = arith.constant 2 : i32
    %dma_wait3A_567 = arith.constant 0 : i32
    %dma_wait3A_568 = arith.constant 0 : i32
    %dma_wait3A_569 = tpu.memref_slice %arg8[%dma_wait3A_567, %dma_wait3A_568] : memref<256x64xf32, #tpu.memory_space<vmem>> -> memref<128x64xf32, #tpu.memory_space<vmem>>
    %dma_wait3A_570 = arith.constant 0 : i32
    %dma_wait3A_571 = tpu.memref_slice %arg5[%dma_wait3A_566, %dma_wait3A_570] : memref<8x128xi32, #tpu.memory_space<vmem>> -> memref<1x128xi32, #tpu.memory_space<vmem>>
    %dma_wait3A_572 = tpu.memref_squeeze %dma_wait3A_571 : memref<1x128xi32, #tpu.memory_space<vmem>> -> memref<128xi32, #tpu.memory_space<vmem>>
    %dma_wait3A_573 = arith.constant 0 : i32
    %dma_wait3A_574 = arith.constant 0 : i32
    %dma_wait3A_575 = tpu.memref_slice %arg2[%dma_wait3A_573, %dma_wait3A_574] : memref<1000000x64xf32, #tpu.memory_space<hbm>> -> memref<1000000x64xf32, #tpu.memory_space<hbm>>
    tpu.wait_indirect_dma semaphore(%arg12 : memref<!tpu.dma_semaphore, #tpu.memory_space<semaphore_mem>>) src(%dma_wait3A_575 : memref<1000000x64xf32, #tpu.memory_space<hbm>>) dst(%dma_wait3A_569 : memref<128x64xf32, #tpu.memory_space<vmem>>)
    %dma_wait3A_576 = arith.constant 3 : i32
    %dma_wait3A_577 = arith.constant 128 : i32
    %dma_wait3A_578 = arith.constant 0 : i32
    %dma_wait3A_579 = tpu.memref_slice %arg8[%dma_wait3A_577, %dma_wait3A_578] : memref<256x64xf32, #tpu.memory_space<vmem>> -> memref<128x64xf32, #tpu.memory_space<vmem>>
    %dma_wait3A_580 = arith.constant 0 : i32
    %dma_wait3A_581 = tpu.memref_slice %arg5[%dma_wait3A_576, %dma_wait3A_580] : memref<8x128xi32, #tpu.memory_space<vmem>> -> memref<1x128xi32, #tpu.memory_space<vmem>>
    %dma_wait3A_582 = tpu.memref_squeeze %dma_wait3A_581 : memref<1x128xi32, #tpu.memory_space<vmem>> -> memref<128xi32, #tpu.memory_space<vmem>>
    %dma_wait3A_583 = arith.constant 0 : i32
    %dma_wait3A_584 = arith.constant 0 : i32
    %dma_wait3A_585 = tpu.memref_slice %arg2[%dma_wait3A_583, %dma_wait3A_584] : memref<1000000x64xf32, #tpu.memory_space<hbm>> -> memref<1000000x64xf32, #tpu.memory_space<hbm>>
    tpu.wait_indirect_dma semaphore(%arg12 : memref<!tpu.dma_semaphore, #tpu.memory_space<semaphore_mem>>) src(%dma_wait3A_585 : memref<1000000x64xf32, #tpu.memory_space<hbm>>) dst(%dma_wait3A_579 : memref<128x64xf32, #tpu.memory_space<vmem>>)
    %add3A_586 = arith.constant 24832 : i32
    %add3A_587 = arith.addi %mul3A_4, %add3A_586 : i32
    %dma_start3A_588 = arith.constant 0 : i32
    %dma_start3A_589 = tpu.memref_slice %arg4[%add3A_587, %dma_start3A_588] : memref<819200x64xf32, #tpu.memory_space<hbm>> -> memref<256x64xf32, #tpu.memory_space<hbm>>
    %dma_start3A_590 = arith.constant 0 : i32
    %dma_start3A_591 = tpu.memref_slice %arg4[%add3A_587, %dma_start3A_590] : memref<819200x64xf32, #tpu.memory_space<hbm>> -> memref<256x64xf32, #tpu.memory_space<hbm>>
    tpu.enqueue_dma source(%arg8 : memref<256x64xf32, #tpu.memory_space<vmem>>) target(%dma_start3A_591 : memref<256x64xf32, #tpu.memory_space<hbm>>) target_semaphore(%arg16 : memref<!tpu.dma_semaphore, #tpu.memory_space<semaphore_mem>>)
    %dma_wait3A_592 = arith.constant 4 : i32
    %dma_wait3A_593 = arith.constant 0 : i32
    %dma_wait3A_594 = arith.constant 0 : i32
    %dma_wait3A_595 = tpu.memref_slice %arg9[%dma_wait3A_593, %dma_wait3A_594] : memref<256x64xf32, #tpu.memory_space<vmem>> -> memref<128x64xf32, #tpu.memory_space<vmem>>
    %dma_wait3A_596 = arith.constant 0 : i32
    %dma_wait3A_597 = tpu.memref_slice %arg5[%dma_wait3A_592, %dma_wait3A_596] : memref<8x128xi32, #tpu.memory_space<vmem>> -> memref<1x128xi32, #tpu.memory_space<vmem>>
    %dma_wait3A_598 = tpu.memref_squeeze %dma_wait3A_597 : memref<1x128xi32, #tpu.memory_space<vmem>> -> memref<128xi32, #tpu.memory_space<vmem>>
    %dma_wait3A_599 = arith.constant 0 : i32
    %dma_wait3A_600 = arith.constant 0 : i32
    %dma_wait3A_601 = tpu.memref_slice %arg2[%dma_wait3A_599, %dma_wait3A_600] : memref<1000000x64xf32, #tpu.memory_space<hbm>> -> memref<1000000x64xf32, #tpu.memory_space<hbm>>
    tpu.wait_indirect_dma semaphore(%arg13 : memref<!tpu.dma_semaphore, #tpu.memory_space<semaphore_mem>>) src(%dma_wait3A_601 : memref<1000000x64xf32, #tpu.memory_space<hbm>>) dst(%dma_wait3A_595 : memref<128x64xf32, #tpu.memory_space<vmem>>)
    %dma_wait3A_602 = arith.constant 5 : i32
    %dma_wait3A_603 = arith.constant 128 : i32
    %dma_wait3A_604 = arith.constant 0 : i32
    %dma_wait3A_605 = tpu.memref_slice %arg9[%dma_wait3A_603, %dma_wait3A_604] : memref<256x64xf32, #tpu.memory_space<vmem>> -> memref<128x64xf32, #tpu.memory_space<vmem>>
    %dma_wait3A_606 = arith.constant 0 : i32
    %dma_wait3A_607 = tpu.memref_slice %arg5[%dma_wait3A_602, %dma_wait3A_606] : memref<8x128xi32, #tpu.memory_space<vmem>> -> memref<1x128xi32, #tpu.memory_space<vmem>>
    %dma_wait3A_608 = tpu.memref_squeeze %dma_wait3A_607 : memref<1x128xi32, #tpu.memory_space<vmem>> -> memref<128xi32, #tpu.memory_space<vmem>>
    %dma_wait3A_609 = arith.constant 0 : i32
    %dma_wait3A_610 = arith.constant 0 : i32
    %dma_wait3A_611 = tpu.memref_slice %arg2[%dma_wait3A_609, %dma_wait3A_610] : memref<1000000x64xf32, #tpu.memory_space<hbm>> -> memref<1000000x64xf32, #tpu.memory_space<hbm>>
    tpu.wait_indirect_dma semaphore(%arg13 : memref<!tpu.dma_semaphore, #tpu.memory_space<semaphore_mem>>) src(%dma_wait3A_611 : memref<1000000x64xf32, #tpu.memory_space<hbm>>) dst(%dma_wait3A_605 : memref<128x64xf32, #tpu.memory_space<vmem>>)
    %add3A_612 = arith.constant 25088 : i32
    %add3A_613 = arith.addi %mul3A_4, %add3A_612 : i32
    %dma_start3A_614 = arith.constant 0 : i32
    %dma_start3A_615 = tpu.memref_slice %arg4[%add3A_613, %dma_start3A_614] : memref<819200x64xf32, #tpu.memory_space<hbm>> -> memref<256x64xf32, #tpu.memory_space<hbm>>
    %dma_start3A_616 = arith.constant 0 : i32
    %dma_start3A_617 = tpu.memref_slice %arg4[%add3A_613, %dma_start3A_616] : memref<819200x64xf32, #tpu.memory_space<hbm>> -> memref<256x64xf32, #tpu.memory_space<hbm>>
    tpu.enqueue_dma source(%arg9 : memref<256x64xf32, #tpu.memory_space<vmem>>) target(%dma_start3A_617 : memref<256x64xf32, #tpu.memory_space<hbm>>) target_semaphore(%arg17 : memref<!tpu.dma_semaphore, #tpu.memory_space<semaphore_mem>>)
    %dma_wait3A_618 = arith.constant 6 : i32
    %dma_wait3A_619 = arith.constant 0 : i32
    %dma_wait3A_620 = arith.constant 0 : i32
    %dma_wait3A_621 = tpu.memref_slice %arg10[%dma_wait3A_619, %dma_wait3A_620] : memref<256x64xf32, #tpu.memory_space<vmem>> -> memref<128x64xf32, #tpu.memory_space<vmem>>
    %dma_wait3A_622 = arith.constant 0 : i32
    %dma_wait3A_623 = tpu.memref_slice %arg5[%dma_wait3A_618, %dma_wait3A_622] : memref<8x128xi32, #tpu.memory_space<vmem>> -> memref<1x128xi32, #tpu.memory_space<vmem>>
    %dma_wait3A_624 = tpu.memref_squeeze %dma_wait3A_623 : memref<1x128xi32, #tpu.memory_space<vmem>> -> memref<128xi32, #tpu.memory_space<vmem>>
    %dma_wait3A_625 = arith.constant 0 : i32
    %dma_wait3A_626 = arith.constant 0 : i32
    %dma_wait3A_627 = tpu.memref_slice %arg2[%dma_wait3A_625, %dma_wait3A_626] : memref<1000000x64xf32, #tpu.memory_space<hbm>> -> memref<1000000x64xf32, #tpu.memory_space<hbm>>
    tpu.wait_indirect_dma semaphore(%arg14 : memref<!tpu.dma_semaphore, #tpu.memory_space<semaphore_mem>>) src(%dma_wait3A_627 : memref<1000000x64xf32, #tpu.memory_space<hbm>>) dst(%dma_wait3A_621 : memref<128x64xf32, #tpu.memory_space<vmem>>)
    %dma_wait3A_628 = arith.constant 7 : i32
    %dma_wait3A_629 = arith.constant 128 : i32
    %dma_wait3A_630 = arith.constant 0 : i32
    %dma_wait3A_631 = tpu.memref_slice %arg10[%dma_wait3A_629, %dma_wait3A_630] : memref<256x64xf32, #tpu.memory_space<vmem>> -> memref<128x64xf32, #tpu.memory_space<vmem>>
    %dma_wait3A_632 = arith.constant 0 : i32
    %dma_wait3A_633 = tpu.memref_slice %arg5[%dma_wait3A_628, %dma_wait3A_632] : memref<8x128xi32, #tpu.memory_space<vmem>> -> memref<1x128xi32, #tpu.memory_space<vmem>>
    %dma_wait3A_634 = tpu.memref_squeeze %dma_wait3A_633 : memref<1x128xi32, #tpu.memory_space<vmem>> -> memref<128xi32, #tpu.memory_space<vmem>>
    %dma_wait3A_635 = arith.constant 0 : i32
    %dma_wait3A_636 = arith.constant 0 : i32
    %dma_wait3A_637 = tpu.memref_slice %arg2[%dma_wait3A_635, %dma_wait3A_636] : memref<1000000x64xf32, #tpu.memory_space<hbm>> -> memref<1000000x64xf32, #tpu.memory_space<hbm>>
    tpu.wait_indirect_dma semaphore(%arg14 : memref<!tpu.dma_semaphore, #tpu.memory_space<semaphore_mem>>) src(%dma_wait3A_637 : memref<1000000x64xf32, #tpu.memory_space<hbm>>) dst(%dma_wait3A_631 : memref<128x64xf32, #tpu.memory_space<vmem>>)
    %add3A_638 = arith.constant 25344 : i32
    %add3A_639 = arith.addi %mul3A_4, %add3A_638 : i32
    %dma_start3A_640 = arith.constant 0 : i32
    %dma_start3A_641 = tpu.memref_slice %arg4[%add3A_639, %dma_start3A_640] : memref<819200x64xf32, #tpu.memory_space<hbm>> -> memref<256x64xf32, #tpu.memory_space<hbm>>
    %dma_start3A_642 = arith.constant 0 : i32
    %dma_start3A_643 = tpu.memref_slice %arg4[%add3A_639, %dma_start3A_642] : memref<819200x64xf32, #tpu.memory_space<hbm>> -> memref<256x64xf32, #tpu.memory_space<hbm>>
    tpu.enqueue_dma source(%arg10 : memref<256x64xf32, #tpu.memory_space<vmem>>) target(%dma_start3A_643 : memref<256x64xf32, #tpu.memory_space<hbm>>) target_semaphore(%arg18 : memref<!tpu.dma_semaphore, #tpu.memory_space<semaphore_mem>>)
    %add3A_644 = arith.constant 24576 : i32
    %add3A_645 = arith.addi %mul3A_4, %add3A_644 : i32
    %dma_wait3A_646 = arith.constant 0 : i32
    %dma_wait3A_647 = tpu.memref_slice %arg4[%add3A_645, %dma_wait3A_646] : memref<819200x64xf32, #tpu.memory_space<hbm>> -> memref<256x64xf32, #tpu.memory_space<hbm>>
    %dma_wait3A_648 = arith.constant 0 : i32
    %dma_wait3A_649 = tpu.memref_slice %arg4[%add3A_645, %dma_wait3A_648] : memref<819200x64xf32, #tpu.memory_space<hbm>> -> memref<256x64xf32, #tpu.memory_space<hbm>>
    tpu.wait_dma2 semaphore(%arg15 : memref<!tpu.dma_semaphore, #tpu.memory_space<semaphore_mem>>) src(%arg7 : memref<256x64xf32, #tpu.memory_space<vmem>>) dst(%dma_wait3A_649 : memref<256x64xf32, #tpu.memory_space<hbm>>)
    %add3A_650 = arith.constant 24832 : i32
    %add3A_651 = arith.addi %mul3A_4, %add3A_650 : i32
    %dma_wait3A_652 = arith.constant 0 : i32
    %dma_wait3A_653 = tpu.memref_slice %arg4[%add3A_651, %dma_wait3A_652] : memref<819200x64xf32, #tpu.memory_space<hbm>> -> memref<256x64xf32, #tpu.memory_space<hbm>>
    %dma_wait3A_654 = arith.constant 0 : i32
    %dma_wait3A_655 = tpu.memref_slice %arg4[%add3A_651, %dma_wait3A_654] : memref<819200x64xf32, #tpu.memory_space<hbm>> -> memref<256x64xf32, #tpu.memory_space<hbm>>
    tpu.wait_dma2 semaphore(%arg16 : memref<!tpu.dma_semaphore, #tpu.memory_space<semaphore_mem>>) src(%arg8 : memref<256x64xf32, #tpu.memory_space<vmem>>) dst(%dma_wait3A_655 : memref<256x64xf32, #tpu.memory_space<hbm>>)
    %add3A_656 = arith.constant 25088 : i32
    %add3A_657 = arith.addi %mul3A_4, %add3A_656 : i32
    %dma_wait3A_658 = arith.constant 0 : i32
    %dma_wait3A_659 = tpu.memref_slice %arg4[%add3A_657, %dma_wait3A_658] : memref<819200x64xf32, #tpu.memory_space<hbm>> -> memref<256x64xf32, #tpu.memory_space<hbm>>
    %dma_wait3A_660 = arith.constant 0 : i32
    %dma_wait3A_661 = tpu.memref_slice %arg4[%add3A_657, %dma_wait3A_660] : memref<819200x64xf32, #tpu.memory_space<hbm>> -> memref<256x64xf32, #tpu.memory_space<hbm>>
    tpu.wait_dma2 semaphore(%arg17 : memref<!tpu.dma_semaphore, #tpu.memory_space<semaphore_mem>>) src(%arg9 : memref<256x64xf32, #tpu.memory_space<vmem>>) dst(%dma_wait3A_661 : memref<256x64xf32, #tpu.memory_space<hbm>>)
    %add3A_662 = arith.constant 25344 : i32
    %add3A_663 = arith.addi %mul3A_4, %add3A_662 : i32
    %dma_wait3A_664 = arith.constant 0 : i32
    %dma_wait3A_665 = tpu.memref_slice %arg4[%add3A_663, %dma_wait3A_664] : memref<819200x64xf32, #tpu.memory_space<hbm>> -> memref<256x64xf32, #tpu.memory_space<hbm>>
    %dma_wait3A_666 = arith.constant 0 : i32
    %dma_wait3A_667 = tpu.memref_slice %arg4[%add3A_663, %dma_wait3A_666] : memref<819200x64xf32, #tpu.memory_space<hbm>> -> memref<256x64xf32, #tpu.memory_space<hbm>>
    tpu.wait_dma2 semaphore(%arg18 : memref<!tpu.dma_semaphore, #tpu.memory_space<semaphore_mem>>) src(%arg10 : memref<256x64xf32, #tpu.memory_space<vmem>>) dst(%dma_wait3A_667 : memref<256x64xf32, #tpu.memory_space<hbm>>)
    return
  }
}

</mosaic_0001>

<sc_bundles>
// kernel: kernel.3.cloned.1.call-start
scs
__scs_entry_jumppad:
0x0: {  	(pc) =	sbr.rel $0x88, $3  }
0x1: {  	(tag) =	ssettag $0x0;
	lr =	simm.s32 $0x1  }
0x2: {  	[smem:$0x3F9F] =	sst lr;
	_ =	strace $0xD0000000  }
0x3: {  	_ = 	snop  }
0x4: {  	_ = 	snop  }
0x5: {  	_ = 	snop  }
0x6: {  	_ = 	snop  }
0x7: {  	_ = 	snop  }
__scs_overlays_trampoline_lowered:
0x8: {  	[smem:$0x3FAE] =	sst s0  }
0x9: {  	[smem:$0x3FAF] =	sst s1  }
0xa: {  	[smem:$0x3FB0] =	sst s2  }
0xb: {  	[smem:$0x3FB1] =	sst s3  }
0xc: {  	[smem:$0x3FB2] =	sst s4  }
0xd: {  	[smem:$0x3FB3] =	sst s5  }
0xe: {  	[smem:$0x3FB4] =	sst s6  }
0xf: {  	[smem:$0x3FB5] =	sst s7  }
0x10: {  	[smem:$0x3FB6] =	sst s8  }
0x11: {  	[smem:$0x3FB7] =	sst s9;
	s0 =	simm.s32 @!p0 $0x0  }
0x12: {  	s1 =	sld [smem:$0x3F9D];
	s0 =	simm.s32 @p0 $0x1  }
0x13: {  	[smem:$0x3FB8] =	sst s0;
	s0 =	simm.s32 @!p1 $0x0  }
0x14: {  	s2 =	sld [smem:$0x3F9C];
	s0 =	simm.s32 @p1 $0x1  }
0x15: {  	[smem:$0x3FB9] =	sst s0;
	s0 =	simm.s32 @!p2 $0x0  }
0x16: {  	s3 =	sld [smem:$0x3FDB];
	s0 =	simm.s32 @p2 $0x1  }
0x17: {  	s4 =	simm.s32 $0x1BF5;
	[smem:$0x3FBB] =	sst s0  }
0x18: {  	s0 =	sld [smem:$0x3F9E];
	_ =	swait.ge [sflag:s4], $0x0  }
0x19: {  	s7 =	sld [smem:$0x3F9F]  }
0x1a: {  	s8 =	sadd.s32 $0xFFFFE003, lr  }
0x1b: {  	s9 =	sadd.s32 $0xFFFFFEF7, lr;
	s5 =	simm.s32 $0xFFFFFFFF;
	p2 =	slt.u32 s8, $0xFFFFF086  }
0x1c: {  	p1 =	slt.u32 s9, $0xF7A;
	s5 =	simm.s32 @!p2 $0x0  }
0x1d: {  	s5 =	simm.s32 @p1 $0x1;
	p0 =	seq.s32 s7, s2  }
0x1e: {  	s7 =	smul.u32 @!p0 $0xF7A, s2;
	p2 =	seq.s32 @!p0 s5, $0x0  }
0x1f: {  	s9 =	smul.u32 $0xF7A, s1;
	s8 =	simm.s32 @!p0 $0x1BF5;
	p2 =	por !p2, p0  }
0x20: {  	[sflag:s8] =	ssyncset.s32 @!p0 $0xFFFFF086;
	s6 =	sadd.s32 @!p0 s3, s7;
	s7 =	simm.s32 @!p0 $0x108  }
0x21: {  	s3 =	sadd.s32 s3, s9;
	s6 =	sadd.s32 @!p0 $0x88, s6;
	s7 =	simm.s32 @p2 $0x1082  }
0x22: {  	[simem:s7], [sflag:s8] =	dma.local @!p0 [hbm:s6], $0xF7A  }
0x23: {  	s9 =	sor.u32 $0xD0000000, s2;
	s6 =	simm.s32 $0x108;
	_ =	swait.ge @!p0 [sflag:s8], $0x0  }
0x24: {  	s3 =	sadd.s32 $0x88, s3;
	s6 =	simm.s32 @!p1 $0x1082;
	[sflag:s4] =	ssyncset.s32 $0xFFFFF086  }
0x25: {  	[simem:s6], [sflag:s4] =	dma.local [hbm:s3], $0xF7A  }
0x26: {  	[smem:$0x3F9F] =	sst s1;
	(tag) =	ssettag s2;
	_ =	strace s9  }
0x27: {  	s1 =	sld [smem:$0x3FAF]  }
0x28: {  	s2 =	sld [smem:$0x3FB0]  }
0x29: {  	s4 =	sld [smem:$0x3FB2]  }
0x2a: {  	p0 =	seq.s32 s5, $0x0;
	s5 =	sld [smem:$0x3FB3]  }
0x2b: {  	s6 =	sld [smem:$0x3FB4]  }
0x2c: {  	s7 =	sld [smem:$0x3FB5]  }
0x2d: {  	s3 =	simm.s32 $0x108;
	s8 =	sld [smem:$0x3FB6]  }
0x2e: {  	s3 =	simm.s32 @!p0 $0x1082;
	s9 =	sld [smem:$0x3FB7]  }
0x2f: {  	lr =	sadd.s32 s0, s3;
	s0 =	sld [smem:$0x3FAE]  }
0x30: {  	s3 =	sld [smem:$0x3FB1]  }
0x31: {  	[smem:$0x3FBA] =	sst s10  }
0x32: {  	s10 =	sld [smem:$0x3FB8];
	_ =	sdelay $0x3  }
0x33: {  	p0 =	seq.s32 s10, $0x1;
	s10 =	sld [smem:$0x3FBA];
	_ =	sdelay $0x3  }
0x34: {  	[smem:$0x3FBA] =	sst s10  }
0x35: {  	s10 =	sld [smem:$0x3FB9];
	_ =	sdelay $0x3  }
0x36: {  	p1 =	seq.s32 s10, $0x1;
	s10 =	sld [smem:$0x3FBA];
	_ =	sdelay $0x3  }
0x37: {  	[smem:$0x3FBA] =	sst s10  }
0x38: {  	s10 =	sld [smem:$0x3FBB]  }
0x39: {  	_ = 	snop;
	(pc) =	sbr.ind lr, $3  }
0x3a: {  	_ = 	snop  }
0x3b: {  	_ = 	snop  }
0x3c: {  	p2 =	seq.s32 s10, $0x1;
	s10 =	sld [smem:$0x3FBA]  }
0x3d: {  	_ =	shalt  }
0x3e: {  	_ =	shalt  }
0x3f: {  	_ =	shalt  }
0x40: {  	_ =	shalt  }
0x41: {  	_ =	shalt  }
0x42: {  	_ =	shalt  }
0x43: {  	_ =	shalt  }
0x44: {  	_ =	shalt  }
0x45: {  	_ =	shalt  }
0x46: {  	_ =	shalt  }
0x47: {  	_ =	shalt  }
0x48: {  	_ =	shalt  }
0x49: {  	_ =	shalt  }
0x4a: {  	_ =	shalt  }
0x4b: {  	_ =	shalt  }
0x4c: {  	_ =	shalt  }
0x4d: {  	_ =	shalt  }
0x4e: {  	_ =	shalt  }
0x4f: {  	_ =	shalt  }
0x50: {  	_ =	shalt  }
0x51: {  	_ =	shalt  }
0x52: {  	_ =	shalt  }
0x53: {  	_ =	shalt  }
0x54: {  	_ =	shalt  }
0x55: {  	_ =	shalt  }
0x56: {  	_ =	shalt  }
0x57: {  	_ =	shalt  }
0x58: {  	_ =	shalt  }
0x59: {  	_ =	shalt  }
0x5a: {  	_ =	shalt  }
0x5b: {  	_ =	shalt  }
0x5c: {  	_ =	shalt  }
0x5d: {  	_ =	shalt  }
0x5e: {  	_ =	shalt  }
0x5f: {  	_ =	shalt  }
0x60: {  	_ =	shalt  }
0x61: {  	_ =	shalt  }
0x62: {  	_ =	shalt  }
0x63: {  	_ =	shalt  }
0x64: {  	_ =	shalt  }
0x65: {  	_ =	shalt  }
0x66: {  	_ =	shalt  }
0x67: {  	_ =	shalt  }
0x68: {  	_ =	shalt  }
0x69: {  	_ =	shalt  }
0x6a: {  	_ =	shalt  }
0x6b: {  	_ =	shalt  }
0x6c: {  	_ =	shalt  }
0x6d: {  	_ =	shalt  }
0x6e: {  	_ =	shalt  }
0x6f: {  	_ =	shalt  }
0x70: {  	_ =	shalt  }
0x71: {  	_ =	shalt  }
0x72: {  	_ =	shalt  }
0x73: {  	_ =	shalt  }
0x74: {  	_ =	shalt  }
0x75: {  	_ =	shalt  }
0x76: {  	_ =	shalt  }
0x77: {  	_ =	shalt  }
0x78: {  	_ =	shalt  }
0x79: {  	_ =	shalt  }
0x7a: {  	_ =	shalt  }
0x7b: {  	_ =	shalt  }
0x7c: {  	_ =	shalt  }
0x7d: {  	_ =	shalt  }
0x7e: {  	_ =	shalt  }
0x7f: {  	_ =	shalt  }
0x80: {  	_ =	shalt  }
0x81: {  	_ =	shalt  }
0x82: {  	_ =	shalt  }
0x83: {  	_ =	shalt  }
0x84: {  	_ =	shalt  }
0x85: {  	_ =	shalt  }
0x86: {  	_ =	shalt  }
0x87: {  	_ =	shalt  }
.Lfunc_end0:
.L_simem_size_0:
called_computation.1_lowered:
.L_overlay_start_0:
0x88: {  	s2 =	sld [smem:$0x3FD9]  }
0x89: {  	s3 =	sld [smem:$0x3FFE];
	_ =	sdelay $0x1  }
0x8a: {  	s1 =	srdreg.scid  }
0x8b: {  	s0 =	sand.u32 $0x1, s1  }
0x8c: {  	s17 =	sshll.u32 s0, $0xA;
	s2 =	sadd.s32 s3, s2  }
0x8d: {  	s2 =	sadd.s32 s2, s17  }
0x8e: {  	[smem:$0x3FC6] =	sst s2  }
0x8f: {  	_ = 	snop  }
0x90: {  	s2 =	sld [smem:$0x3FD0];
	(tm) =	ssettm $0x1  }
0x91: {  	s18 =	sld [smem:$0x3FFB];
	_ =	sdelay $0x3  }
0x92: {  	_ =	strace s18  }
0x93: {  	s3 =	sld [smem:$0x3FFC];
	_ =	sdelay $0x3  }
0x94: {  	_ =	strace s3  }
0x95: {  	s3 =	sld [smem:$0x3FFD];
	_ =	sdelay $0x3  }
0x96: {  	_ =	strace s3  }
0x97: {  	_ =	strace $0x8FFFFFFF  }
0x98: {  	s19 =	sld [smem:$0x3FDB];
	_ =	sdelay $0x1  }
0x99: {  	s4 =	simm.s32 $_scs_section_size  }
0x9a: {  	s5 =	simm.s32 $_size__tile_overlayer_lowered;
	s6 =	simm.s32 $_tile_overlayer_lowered  }
0x9b: {  	s22 =	simm.s32 $0x1BFF;
	s21 =	sshll.u32 s6, $0x1;
	s3 =	sadd.s32 s4, s19  }
0x9c: {  	s7 =	simm.s32 $0x0;
	s20 =	sshll.u32 s5, $0x1;
	s5 =	sadd.s32 s21, s3  }
0x9d: {  	[timem:s7], [sflag:s22] =	dma.local [hbm:s5], s20  }
0x9e: {  	_ =	swait.ge [sflag:s22], s20  }
0x9f: {  	s4 =	ssub.s32 $0x0, s20;
	[sflag:s22] =	ssyncset.done $0x0  }
0xa0: {  	[sflag:s22] =	ssyncadd.s32 s4;
	_ =	sdelay $0x1  }
0xa1: {  	s23 =	simm.s32 $0x1B8B  }
0xa2: {  	_ =	swait.ge [sflag:s23], $0x1  }
0xa3: {  	[sflag:s23] =	ssyncset.done $0x0  }
0xa4: {  	s25 =	simm.s32 $0x1B8E;
	s24 =	sld [smem:$0x3FFE];
	[sflag:s23] =	ssyncadd.s32 $0xFFFFFFFF  }
0xa5: {  	s26 =	simm.s32 $execute0_lowered;
	[smem:$0x3FD2] =	sst s25  }
0xa6: {  	s5 =	sshll.u32 s26, $0x1;
	_ =	strace $0x80000046;
	[dreg:$0x1] =	wrdreg $0xFFFFFFFF  }
0xa7: {  	s28 =	simm.s32 $_size_execute0_lowered;
	s3 =	sadd.s32 s3, s5;
	[dreg:$0x0] =	wrdreg $0x0  }
0xa8: {  	s5 =	sshll.u32 s28, $0x1;
	[dreg:$0x2] =	wrdreg s3  }
0xa9: {  	[dreg:$0x3] =	wrdreg s5  }
0xaa: {  	[dreg:$0x4] =	wrdreg $0xC0  }
0xab: {  	_ =	task [dreg:s7], $0x5FFFF  }
0xac: {  	[dreg:$0x1] =	wrdreg $0xFFFFFFFF  }
0xad: {  	[dreg:$0x0] =	wrdreg $0x60  }
0xae: {  	[dreg:$0x2] =	wrdreg s24  }
0xaf: {  	[dreg:$0x3] =	wrdreg s2  }
0xb0: {  	[dreg:$0x4] =	wrdreg $0x9  }
0xb1: {  	_ =	task.clear_ibuf [dreg:s7], $0x5FFFF;
	_ =	strace $0x90000046  }
0xb2: {  	s29 =	simm.s32 $0x9;
	_ =	strace $0x80000048  }
0xb3: {  	_ =	swait.ge [sflag:s29], $0x1  }
0xb4: {  	[sflag:s29] =	ssyncadd.s32 $0xFFFFFFFF  }
0xb5: {  	_ =	strace $0x90000048  }
0xb6: {  	_ =	sfence  }
0xb7: {  	s30 =	sld [smem:$0x0];
	_ =	sdelay $0x2  }
0xb8: {  	s31 =	sshll.u32 s1, $0xD;
	s1 =	sshrl.u32 s1, $0x2  }
0xb9: {  	s3 =	sand.u32 $0x4000, s31;
	s1 =	sadd.s32 s1, s30  }
0xba: {  	s0 =	sor.u32 s3, s0;
	s1 =	sshll.u32 s1, $0x11  }
0xbb: {  	s0 =	sor.u32 s1, s0  }
0xbc: {  	s0 =	sadd.s32 $0x8F2B, s0  }
0xbd: {  	[sflag:s0] =	ssyncadd.remote.s32 $0x1  }
0xbe: {  	_ =	sfence.sel $0xFFFF  }
0xbf: {  	[dreg:$0x0] =	wrdreg $0xFFFFFFFF;
	(pc) =	sbr.abs _section_cstart, $3  }
0xc0: {  	[dreg:$0x1] =	wrdreg $0xFFFFFFFF  }
0xc1: {  	_ =	task.clear_ibuf [dreg:s7], $0x2FFFF;
	_ =	strace $0x9FFFFFFF  }
0xc2: {  	(tm) =	ssettm $0x7FFFFFFF  }
0xc3: {  	_ =	shalt  }
tec
execute0_lowered:
.L_overlay_start_1:
0x0: {  	(tag) =	ssettag $0x1  }
0x1: {  	s12 =	stileid.u32  }
0x2: {  	s3 =	srdreg.scid;
	s15 =	smul.u32 $0xC800, s12  }
0x3: {  	s4 =	sand.u32 $0x1, s3;
	s23 =	smul.u32 $0x1900, s12  }
0x4: {  	s14 =	sshll.u32 s12, $0x1;
	s17 =	smul.u32 $0x6400, s4  }
0x5: {  	s1 =	rddreg [dreg:$0x0];
	s5 =	sor.u32 s4, s14;
	s25 =	smul.u32 $0xC80, s4  }
0x6: {  	s0 =	rddreg [dreg:$0x1];
	s6 =	smul.u32 $0x6400, s5  }
0x7: {  	s2 =	simm.s32 $0x0;
	s29 =	simm.s32 $0x4800;
	s8 =	smul.u32 $0xC80, s5  }
0x8: {  	s31 =	simm.s32 $0x6800;
	s28 =	simm.s32 $0x4;
	s10 =	smul.u32 $0x32000, s5  }
0x9: {  	s30 =	simm.s32 $0x8;
	[smem:$0x7FF] =	sst s2;
	s5 =	smul.u32 $0x190000, s5  }
0xa: {  	s3 =	sadd.s32 $0xF42E00, s1;
	s19 =	sadd.s32 s17, s15;
	s15 =	smul.u32 $0x320000, s12  }
0xb: {  	s1 =	sadd.s32 $0xA00, s1;
	s7 =	ssub.s32 $0x2, s4;
	s17 =	smul.u32 $0x190000, s4  }
0xc: {  	_ =	strace $0x80000047;
	s9 =	sshrl.u32 s7, $0x1;
	s12 =	smul.u32 $0x190, s12  }
0xd: {  	s7 =	ssub.s32 s7, s9;
	s4 =	smul.u32 $0xC8, s4;
	s9 =	simm.s32 $0x0  }
0xe: {  	s6 =	sshrl.u32 s6, $0x3;
	s8 =	sadd.s32 s1, s8;
	s10 =	sadd.s32 s0, s10  }
0xf: {  	s5 =	sshrl.u32 s5, $0x3;
	[dreg:$0xb] =	wrdreg s8;
	s6 =	sadd.s32 s1, s6  }
0x10: {  	s11 =	sadd.s32 $0x800, s10;
	s18 =	sadd.s32 $0x1000, s10;
	[dreg:$0xd] =	wrdreg s10  }
0x11: {  	s5 =	sadd.s32 s0, s5;
	s20 =	sadd.s32 $0x1800, s10;
	[dreg:$0xe] =	wrdreg s11  }
0x12: {  	s8 =	sadd.s32 s23, s1;
	s4 =	sadd.s32 s4, s12;
	[dreg:$0xf] =	wrdreg s18  }
0x13: {  	s23 =	smax.u32 s7, $0x1;
	s10 =	simm.s32 $0xE800;
	[dreg:$0x11] =	wrdreg s20  }
0x14: {  	s12 =	simm.s32 $0x5;
	s16 =	sadd.s32 $0x80, s6;
	[dreg:$0x1a] =	wrdreg s23  }
0x15: {  	s6 =	sadd.s32 $0x100, s6;
	s21 =	sadd.s32 $0x2000, s5;
	[dreg:$0xc] =	wrdreg s16  }
0x16: {  	s22 =	sadd.s32 $0x2E800, s5;
	s24 =	sadd.s32 $0x2F000, s5;
	[dreg:$0x10] =	wrdreg s6  }
0x17: {  	s8 =	sadd.s32 s25, s8;
	s20 =	sadd.s32 s17, s15;
	[dreg:$0x12] =	wrdreg s21  }
0x18: {  	s4 =	sshll.u32 s4, $0x4;
	s23 =	simm.s32 $0x9;
	[dreg:$0x13] =	wrdreg s22  }
0x19: {  	s15 =	simm.s32 $0x2;
	s6 =	sshll.u32 s19, $0x3;
	[dreg:$0x14] =	wrdreg s24  }
0x1a: {  	s19 =	sadd.s32 $0x30000, s5;
	s21 =	sadd.s32 $0x30800, s5;
	s22 =	sadd.s32 $0x31000, s5  }
0x1b: {  	s24 =	sadd.s32 $0x200, s8;
	s25 =	sadd.s32 $0x24000, s20;
	[dreg:$0x16] =	wrdreg s19  }
0x1c: {  	s1 =	sadd.s32 s1, s4;
	s8 =	simm.s32 $0xC800;
	[dreg:$0x17] =	wrdreg s21  }
0x1d: {  	s4 =	simm.s32 $0x500;
	s6 =	sadd.s32 s0, s6;
	[dreg:$0x18] =	wrdreg s22  }
0x1e: {  	s20 =	simm.s32 $0x600;
	[dreg:$0x1b] =	wrdreg s24;
	s26 =	sadd.s32 $0x6000, s6  }
0x1f: {  	s22 =	simm.s32 $0x400;
	s11 =	sadd.s32 $0x5800, s6;
	[dreg:$0x3] =	wrdreg s26  }
0x20: {  	s24 =	simm.s32 $0x80;
	s13 =	sadd.s32 $0x5000, s6;
	[dreg:$0x4] =	wrdreg s11  }
0x21: {  	s19 =	simm.s32 $0x3;
	s14 =	sadd.s32 $0x4000, s6;
	[dreg:$0x5] =	wrdreg s13  }
0x22: {  	s21 =	simm.s32 $0x680;
	s16 =	sadd.s32 $0x3800, s6;
	[dreg:$0x6] =	wrdreg s14  }
0x23: {  	s18 =	sadd.s32 $0x3000, s6;
	s6 =	sadd.s32 $0x2800, s6;
	[dreg:$0x7] =	wrdreg s16  }
0x24: {  	s13 =	sadd.s32 $0x2F800, s5;
	[dreg:$0x8] =	wrdreg s18;
	s5 =	sadd.s32 $0x31800, s5  }
0x25: {  	[dreg:$0x9] =	wrdreg s6;
	s26 =	sadd.s32 $0x180, s1;
	s1 =	simm.s32 $0x8800  }
0x26: {  	s11 =	simm.s32 $0x1;
	s16 =	simm.s32 $0x6;
	[dreg:$0x15] =	wrdreg s13  }
0x27: {  	s18 =	simm.s32 $0x580;
	s6 =	simm.s32 $0x7;
	[dreg:$0x19] =	wrdreg s5  }
0x28: {  	s5 =	sshrl.u32 s25, $0x3;
	[dreg:$0x1c] =	wrdreg s26;
	s25 =	simm.s32 $0x800  }
0x29: {  	s26 =	simm.s32 $0x2800;
	s13 =	simm.s32 $0xA;
	s0 =	sadd.s32 s5, s0  }
0x2a: {  	s5 =	simm.s32 $0xA800;
	[dreg:$0xa] =	wrdreg s0;
	s0 =	simm.s32 $0x480  }
.LBB2_1:
0x2b: {  	[dreg:$0x1d] =	wrdreg s9  }
0x2c: {  	s7 =	rddreg [dreg:$0xb]  }
0x2d: {  	[tilespmem:s2], [sflag:$0x9] =	stream.linear.gather [hbm4b:s7+s2], $0x400, $0x38;
	[tilespmem:$0x10800] =	vst v63  }
0x2e: {  	s17 =	rddreg [dreg:$0xc]  }
0x2f: {  	[tilespmem:s22], [sflag:$0xA] =	stream.linear.gather [hbm4b:s17+s2], $0x400, $0x38;
	[tilespmem:$0x10800] =	vst v63  }
0x30: {  	_ =	swait.ge [sflag:s23], $0x400  }
0x31: {  	[sflag:s23] =	ssyncset.done $0x0  }
0x32: {  	[sflag:s23] =	ssyncadd.s32 $0xFFFFFC00  }
0x33: {  	[tilespmem:s25], [sflag:$0x1] =	stream.indirect.gather [hbm4b:s3+s24], $0x40, s2, s24, $0xb8;
	[tilespmem:$0x10800] =	vst v63  }
0x34: {  	_ = 	snop  }
0x35: {  	[tilespmem:s26], [sflag:$0x1] =	stream.indirect.gather [hbm4b:s3+s24], $0x40, s24, s24, $0xb8;
	[tilespmem:$0x10800] =	vst v63  }
0x36: {  	s9 =	simm.s32 $0x100  }
0x37: {  	[tilespmem:s29], [sflag:$0x2] =	stream.indirect.gather [hbm4b:s3+s24], $0x40, s9, s24, $0xb8;
	[tilespmem:$0x10800] =	vst v63  }
0x38: {  	s14 =	simm.s32 $0x180  }
0x39: {  	[tilespmem:s31], [sflag:$0x2] =	stream.indirect.gather [hbm4b:s3+s24], $0x40, s14, s24, $0xb8;
	[tilespmem:$0x10800] =	vst v63  }
0x3a: {  	s17 =	simm.s32 $0x200  }
0x3b: {  	[tilespmem:s1], [sflag:$0x3] =	stream.indirect.gather [hbm4b:s3+s24], $0x40, s17, s24, $0xb8;
	[tilespmem:$0x10800] =	vst v63  }
0x3c: {  	s7 =	simm.s32 $0x280  }
0x3d: {  	[tilespmem:s5], [sflag:$0x3] =	stream.indirect.gather [hbm4b:s3+s24], $0x40, s7, s24, $0xb8;
	[tilespmem:$0x10800] =	vst v63  }
0x3e: {  	s7 =	simm.s32 $0x300  }
0x3f: {  	[tilespmem:s8], [sflag:$0x4] =	stream.indirect.gather [hbm4b:s3+s24], $0x40, s7, s24, $0xb8;
	[tilespmem:$0x10800] =	vst v63  }
0x40: {  	s7 =	simm.s32 $0x380  }
0x41: {  	[tilespmem:s10], [sflag:$0x4] =	stream.indirect.gather [hbm4b:s3+s24], $0x40, s7, s24, $0xb8;
	[tilespmem:$0x10800] =	vst v63  }
0x42: {  	_ =	swait.ge [sflag:s11], $0x2000  }
0x43: {  	[sflag:s11] =	ssyncset.done $0x0  }
0x44: {  	[sflag:s11] =	ssyncadd.s32 $0xFFFFE000  }
0x45: {  	_ =	swait.ge [sflag:s11], $0x2000  }
0x46: {  	[sflag:s11] =	ssyncset.done $0x0  }
0x47: {  	s7 =	rddreg [dreg:$0xd];
	[sflag:s11] =	ssyncadd.s32 $0xFFFFE000  }
0x48: {  	[hbm4b:s7+s2] =	stream.linear.scatter [tilespmem:s25], [sflag:$0x5], $0x4000, $0x38;
	[tilespmem:$0x10800] =	vst v63  }
0x49: {  	_ =	swait.ge [sflag:s12], $0x4000  }
0x4a: {  	[sflag:s12] =	ssyncset.done $0x0  }
0x4b: {  	[sflag:s12] =	ssyncadd.s32 $0xFFFFC000  }
0x4c: {  	_ =	swait.ge [sflag:s13], $0x400  }
0x4d: {  	[sflag:s13] =	ssyncset.done $0x0  }
0x4e: {  	[sflag:s13] =	ssyncadd.s32 $0xFFFFFC00  }
0x4f: {  	[tilespmem:s25], [sflag:$0x1] =	stream.indirect.gather [hbm4b:s3+s24], $0x40, s22, s24, $0xb8;
	[tilespmem:$0x10800] =	vst v63  }
0x50: {  	_ = 	snop  }
0x51: {  	[tilespmem:s26], [sflag:$0x1] =	stream.indirect.gather [hbm4b:s3+s24], $0x40, s0, s24, $0xb8;
	[tilespmem:$0x10800] =	vst v63  }
0x52: {  	_ =	swait.ge [sflag:s15], $0x2000  }
0x53: {  	[sflag:s15] =	ssyncset.done $0x0  }
0x54: {  	[sflag:s15] =	ssyncadd.s32 $0xFFFFE000  }
0x55: {  	_ =	swait.ge [sflag:s15], $0x2000  }
0x56: {  	[sflag:s15] =	ssyncset.done $0x0  }
0x57: {  	s0 =	rddreg [dreg:$0xe];
	[sflag:s15] =	ssyncadd.s32 $0xFFFFE000  }
0x58: {  	[hbm4b:s0+s2] =	stream.linear.scatter [tilespmem:s29], [sflag:$0x6], $0x4000, $0x38;
	[tilespmem:$0x10800] =	vst v63  }
0x59: {  	_ =	swait.ge [sflag:s16], $0x4000  }
0x5a: {  	[sflag:s16] =	ssyncset.done $0x0  }
0x5b: {  	[sflag:s16] =	ssyncadd.s32 $0xFFFFC000  }
0x5c: {  	[tilespmem:s29], [sflag:$0x2] =	stream.indirect.gather [hbm4b:s3+s24], $0x40, s4, s24, $0xb8;
	[tilespmem:$0x10800] =	vst v63  }
0x5d: {  	_ = 	snop  }
0x5e: {  	[tilespmem:s31], [sflag:$0x2] =	stream.indirect.gather [hbm4b:s3+s24], $0x40, s18, s24, $0xb8;
	[tilespmem:$0x10800] =	vst v63  }
0x5f: {  	_ =	swait.ge [sflag:s19], $0x2000  }
0x60: {  	[sflag:s19] =	ssyncset.done $0x0  }
0x61: {  	[sflag:s19] =	ssyncadd.s32 $0xFFFFE000  }
0x62: {  	_ =	swait.ge [sflag:s19], $0x2000  }
0x63: {  	[sflag:s19] =	ssyncset.done $0x0  }
0x64: {  	s0 =	rddreg [dreg:$0xf];
	[sflag:s19] =	ssyncadd.s32 $0xFFFFE000  }
0x65: {  	[hbm4b:s0+s2] =	stream.linear.scatter [tilespmem:s1], [sflag:$0x7], $0x4000, $0x38;
	[tilespmem:$0x10800] =	vst v63  }
0x66: {  	s4 =	rddreg [dreg:$0x10]  }
0x67: {  	[tilespmem:s2], [sflag:$0x9] =	stream.linear.gather [hbm4b:s4+s2], $0x400, $0x38;
	[tilespmem:$0x10800] =	vst v63  }
0x68: {  	_ =	swait.ge [sflag:s6], $0x4000  }
0x69: {  	[sflag:s6] =	ssyncset.done $0x0  }
0x6a: {  	[sflag:s6] =	ssyncadd.s32 $0xFFFFC000  }
0x6b: {  	[tilespmem:s1], [sflag:$0x3] =	stream.indirect.gather [hbm4b:s3+s24], $0x40, s20, s24, $0xb8;
	[tilespmem:$0x10800] =	vst v63  }
0x6c: {  	_ = 	snop  }
0x6d: {  	[tilespmem:s5], [sflag:$0x3] =	stream.indirect.gather [hbm4b:s3+s24], $0x40, s21, s24, $0xb8;
	[tilespmem:$0x10800] =	vst v63  }
0x6e: {  	_ =	swait.ge [sflag:s28], $0x2000  }
0x6f: {  	[sflag:s28] =	ssyncset.done $0x0  }
0x70: {  	[sflag:s28] =	ssyncadd.s32 $0xFFFFE000  }
0x71: {  	_ =	swait.ge [sflag:s28], $0x2000  }
0x72: {  	[sflag:s28] =	ssyncset.done $0x0  }
0x73: {  	s18 =	rddreg [dreg:$0x11];
	[sflag:s28] =	ssyncadd.s32 $0xFFFFE000  }
0x74: {  	[hbm4b:s18+s2] =	stream.linear.scatter [tilespmem:s8], [sflag:$0x8], $0x4000, $0x38;
	[tilespmem:$0x10800] =	vst v63  }
0x75: {  	_ =	swait.ge [sflag:s30], $0x4000  }
0x76: {  	[sflag:s30] =	ssyncset.done $0x0  }
0x77: {  	s21 =	simm.s32 $0x700;
	[sflag:s30] =	ssyncadd.s32 $0xFFFFC000  }
0x78: {  	[tilespmem:s8], [sflag:$0x4] =	stream.indirect.gather [hbm4b:s3+s24], $0x40, s21, s24, $0xb8;
	[tilespmem:$0x10800] =	vst v63  }
0x79: {  	s20 =	simm.s32 $0x780  }
0x7a: {  	[tilespmem:s10], [sflag:$0x4] =	stream.indirect.gather [hbm4b:s3+s24], $0x40, s20, s24, $0xb8;
	[tilespmem:$0x10800] =	vst v63  }
0x7b: {  	_ =	swait.ge [sflag:s11], $0x2000  }
0x7c: {  	[sflag:s11] =	ssyncset.done $0x0  }
0x7d: {  	[sflag:s11] =	ssyncadd.s32 $0xFFFFE000  }
0x7e: {  	_ =	swait.ge [sflag:s11], $0x2000  }
0x7f: {  	[sflag:s11] =	ssyncset.done $0x0  }
0x80: {  	s0 =	rddreg [dreg:$0x12];
	[sflag:s11] =	ssyncadd.s32 $0xFFFFE000  }
0x81: {  	[hbm4b:s0+s2] =	stream.linear.scatter [tilespmem:s25], [sflag:$0x5], $0x4000, $0x38;
	[tilespmem:$0x10800] =	vst v63  }
0x82: {  	_ =	swait.ge [sflag:s12], $0x4000  }
0x83: {  	[sflag:s12] =	ssyncset.done $0x0  }
0x84: {  	[sflag:s12] =	ssyncadd.s32 $0xFFFFC000  }
0x85: {  	_ =	swait.ge [sflag:s23], $0x400  }
0x86: {  	[sflag:s23] =	ssyncset.done $0x0  }
0x87: {  	[sflag:s23] =	ssyncadd.s32 $0xFFFFFC00  }
0x88: {  	[tilespmem:s25], [sflag:$0x1] =	stream.indirect.gather [hbm4b:s3+s24], $0x40, s2, s24, $0xb8;
	[tilespmem:$0x10800] =	vst v63  }
0x89: {  	_ = 	snop  }
0x8a: {  	[tilespmem:s26], [sflag:$0x1] =	stream.indirect.gather [hbm4b:s3+s24], $0x40, s24, s24, $0xb8;
	[tilespmem:$0x10800] =	vst v63  }
0x8b: {  	_ =	swait.ge [sflag:s15], $0x2000  }
0x8c: {  	[sflag:s15] =	ssyncset.done $0x0  }
0x8d: {  	[sflag:s15] =	ssyncadd.s32 $0xFFFFE000  }
0x8e: {  	_ =	swait.ge [sflag:s15], $0x2000  }
0x8f: {  	s4 =	rddreg [dreg:$0x9];
	[sflag:s15] =	ssyncset.done $0x0  }
0x90: {  	[sflag:s15] =	ssyncadd.s32 $0xFFFFE000;
	s7 =	sadd.s32 $0x0, s4  }
0x91: {  	[hbm4b:s7+s2] =	stream.linear.scatter [tilespmem:s29], [sflag:$0x6], $0x4000, $0x38;
	[tilespmem:$0x10800] =	vst v63  }
0x92: {  	_ =	swait.ge [sflag:s16], $0x4000  }
0x93: {  	[sflag:s16] =	ssyncset.done $0x0  }
0x94: {  	[sflag:s16] =	ssyncadd.s32 $0xFFFFC000  }
0x95: {  	[tilespmem:s29], [sflag:$0x2] =	stream.indirect.gather [hbm4b:s3+s24], $0x40, s9, s24, $0xb8;
	[tilespmem:$0x10800] =	vst v63  }
0x96: {  	_ = 	snop  }
0x97: {  	[tilespmem:s31], [sflag:$0x2] =	stream.indirect.gather [hbm4b:s3+s24], $0x40, s14, s24, $0xb8;
	[tilespmem:$0x10800] =	vst v63  }
0x98: {  	_ =	swait.ge [sflag:s19], $0x2000  }
0x99: {  	[sflag:s19] =	ssyncset.done $0x0  }
0x9a: {  	[sflag:s19] =	ssyncadd.s32 $0xFFFFE000  }
0x9b: {  	_ =	swait.ge [sflag:s19], $0x2000  }
0x9c: {  	s18 =	rddreg [dreg:$0x8];
	[sflag:s19] =	ssyncset.done $0x0  }
0x9d: {  	[sflag:s19] =	ssyncadd.s32 $0xFFFFE000;
	s7 =	sadd.s32 $0x0, s18  }
0x9e: {  	[hbm4b:s7+s2] =	stream.linear.scatter [tilespmem:s1], [sflag:$0x7], $0x4000, $0x38;
	[tilespmem:$0x10800] =	vst v63  }
0x9f: {  	s18 =	rddreg [dreg:$0x1c]  }
0xa0: {  	[tilespmem:s22], [sflag:$0xA] =	stream.linear.gather [hbm4b:s18+s2], $0x400, $0x38;
	[tilespmem:$0x10800] =	vst v63  }
0xa1: {  	_ =	swait.ge [sflag:s6], $0x4000  }
0xa2: {  	[sflag:s6] =	ssyncset.done $0x0  }
0xa3: {  	[sflag:s6] =	ssyncadd.s32 $0xFFFFC000  }
0xa4: {  	[tilespmem:s1], [sflag:$0x3] =	stream.indirect.gather [hbm4b:s3+s24], $0x40, s17, s24, $0xb8;
	[tilespmem:$0x10800] =	vst v63  }
0xa5: {  	s20 =	simm.s32 $0x280  }
0xa6: {  	[tilespmem:s5], [sflag:$0x3] =	stream.indirect.gather [hbm4b:s3+s24], $0x40, s20, s24, $0xb8;
	[tilespmem:$0x10800] =	vst v63  }
0xa7: {  	_ =	swait.ge [sflag:s28], $0x2000  }
0xa8: {  	[sflag:s28] =	ssyncset.done $0x0  }
0xa9: {  	[sflag:s28] =	ssyncadd.s32 $0xFFFFE000  }
0xaa: {  	_ =	swait.ge [sflag:s28], $0x2000  }
0xab: {  	s20 =	rddreg [dreg:$0x7];
	[sflag:s28] =	ssyncset.done $0x0  }
0xac: {  	[sflag:s28] =	ssyncadd.s32 $0xFFFFE000;
	s7 =	sadd.s32 $0x0, s20  }
0xad: {  	[hbm4b:s7+s2] =	stream.linear.scatter [tilespmem:s8], [sflag:$0x8], $0x4000, $0x38;
	[tilespmem:$0x10800] =	vst v63  }
0xae: {  	_ =	swait.ge [sflag:s30], $0x4000  }
0xaf: {  	[sflag:s30] =	ssyncset.done $0x0  }
0xb0: {  	s20 =	simm.s32 $0x300;
	[sflag:s30] =	ssyncadd.s32 $0xFFFFC000  }
0xb1: {  	[tilespmem:s8], [sflag:$0x4] =	stream.indirect.gather [hbm4b:s3+s24], $0x40, s20, s24, $0xb8;
	[tilespmem:$0x10800] =	vst v63  }
0xb2: {  	s20 =	simm.s32 $0x380  }
0xb3: {  	[tilespmem:s10], [sflag:$0x4] =	stream.indirect.gather [hbm4b:s3+s24], $0x40, s20, s24, $0xb8;
	[tilespmem:$0x10800] =	vst v63  }
0xb4: {  	_ =	swait.ge [sflag:s11], $0x2000  }
0xb5: {  	[sflag:s11] =	ssyncset.done $0x0  }
0xb6: {  	[sflag:s11] =	ssyncadd.s32 $0xFFFFE000  }
0xb7: {  	_ =	swait.ge [sflag:s11], $0x2000  }
0xb8: {  	s20 =	rddreg [dreg:$0x6];
	[sflag:s11] =	ssyncset.done $0x0  }
0xb9: {  	[sflag:s11] =	ssyncadd.s32 $0xFFFFE000;
	s7 =	sadd.s32 $0x0, s20  }
0xba: {  	[hbm4b:s7+s2] =	stream.linear.scatter [tilespmem:s25], [sflag:$0x5], $0x4000, $0x38;
	[tilespmem:$0x10800] =	vst v63  }
0xbb: {  	_ =	swait.ge [sflag:s12], $0x4000  }
0xbc: {  	[sflag:s12] =	ssyncset.done $0x0  }
0xbd: {  	[sflag:s12] =	ssyncadd.s32 $0xFFFFC000  }
0xbe: {  	_ =	swait.ge [sflag:s13], $0x400  }
0xbf: {  	[sflag:s13] =	ssyncset.done $0x0  }
0xc0: {  	[sflag:s13] =	ssyncadd.s32 $0xFFFFFC00  }
0xc1: {  	[tilespmem:s25], [sflag:$0x1] =	stream.indirect.gather [hbm4b:s3+s24], $0x40, s22, s24, $0xb8;
	[tilespmem:$0x10800] =	vst v63  }
0xc2: {  	s14 =	simm.s32 $0x480  }
0xc3: {  	[tilespmem:s26], [sflag:$0x1] =	stream.indirect.gather [hbm4b:s3+s24], $0x40, s14, s24, $0xb8;
	[tilespmem:$0x10800] =	vst v63  }
0xc4: {  	_ =	swait.ge [sflag:s15], $0x2000  }
0xc5: {  	[sflag:s15] =	ssyncset.done $0x0  }
0xc6: {  	[sflag:s15] =	ssyncadd.s32 $0xFFFFE000  }
0xc7: {  	_ =	swait.ge [sflag:s15], $0x2000  }
0xc8: {  	s14 =	rddreg [dreg:$0xa];
	[sflag:s15] =	ssyncset.done $0x0  }
0xc9: {  	[sflag:s15] =	ssyncadd.s32 $0xFFFFE000;
	s7 =	sadd.s32 $0x0, s14  }
0xca: {  	[hbm4b:s7+s2] =	stream.linear.scatter [tilespmem:s29], [sflag:$0x6], $0x4000, $0x38;
	[tilespmem:$0x10800] =	vst v63  }
0xcb: {  	_ =	swait.ge [sflag:s16], $0x4000  }
0xcc: {  	[sflag:s16] =	ssyncset.done $0x0  }
0xcd: {  	s17 =	simm.s32 $0x500;
	[sflag:s16] =	ssyncadd.s32 $0xFFFFC000  }
0xce: {  	[tilespmem:s29], [sflag:$0x2] =	stream.indirect.gather [hbm4b:s3+s24], $0x40, s17, s24, $0xb8;
	[tilespmem:$0x10800] =	vst v63  }
0xcf: {  	s4 =	simm.s32 $0x580  }
0xd0: {  	[tilespmem:s31], [sflag:$0x2] =	stream.indirect.gather [hbm4b:s3+s24], $0x40, s4, s24, $0xb8;
	[tilespmem:$0x10800] =	vst v63  }
0xd1: {  	_ =	swait.ge [sflag:s19], $0x2000  }
0xd2: {  	[sflag:s19] =	ssyncset.done $0x0  }
0xd3: {  	[sflag:s19] =	ssyncadd.s32 $0xFFFFE000  }
0xd4: {  	_ =	swait.ge [sflag:s19], $0x2000  }
0xd5: {  	s17 =	rddreg [dreg:$0x5];
	[sflag:s19] =	ssyncset.done $0x0  }
0xd6: {  	[sflag:s19] =	ssyncadd.s32 $0xFFFFE000;
	s7 =	sadd.s32 $0x0, s17  }
0xd7: {  	[hbm4b:s7+s2] =	stream.linear.scatter [tilespmem:s1], [sflag:$0x7], $0x4000, $0x38;
	[tilespmem:$0x10800] =	vst v63  }
0xd8: {  	s14 =	rddreg [dreg:$0x1b]  }
0xd9: {  	[tilespmem:s2], [sflag:$0x9] =	stream.linear.gather [hbm4b:s14+s2], $0x400, $0x38;
	[tilespmem:$0x10800] =	vst v63  }
0xda: {  	_ =	swait.ge [sflag:s6], $0x4000  }
0xdb: {  	[sflag:s6] =	ssyncset.done $0x0  }
0xdc: {  	s0 =	simm.s32 $0x600;
	[sflag:s6] =	ssyncadd.s32 $0xFFFFC000  }
0xdd: {  	[tilespmem:s1], [sflag:$0x3] =	stream.indirect.gather [hbm4b:s3+s24], $0x40, s0, s24, $0xb8;
	[tilespmem:$0x10800] =	vst v63  }
0xde: {  	s9 =	simm.s32 $0x680  }
0xdf: {  	[tilespmem:s5], [sflag:$0x3] =	stream.indirect.gather [hbm4b:s3+s24], $0x40, s9, s24, $0xb8;
	[tilespmem:$0x10800] =	vst v63  }
0xe0: {  	_ =	swait.ge [sflag:s28], $0x2000  }
0xe1: {  	[sflag:s28] =	ssyncset.done $0x0  }
0xe2: {  	[sflag:s28] =	ssyncadd.s32 $0xFFFFE000  }
0xe3: {  	_ =	swait.ge [sflag:s28], $0x2000  }
0xe4: {  	s20 =	rddreg [dreg:$0x4];
	[sflag:s28] =	ssyncset.done $0x0  }
0xe5: {  	[sflag:s28] =	ssyncadd.s32 $0xFFFFE000;
	s7 =	sadd.s32 $0x0, s20  }
0xe6: {  	[hbm4b:s7+s2] =	stream.linear.scatter [tilespmem:s8], [sflag:$0x8], $0x4000, $0x38;
	[tilespmem:$0x10800] =	vst v63  }
0xe7: {  	_ =	swait.ge [sflag:s30], $0x4000  }
0xe8: {  	[sflag:s30] =	ssyncset.done $0x0  }
0xe9: {  	[sflag:s30] =	ssyncadd.s32 $0xFFFFC000  }
0xea: {  	[tilespmem:s8], [sflag:$0x4] =	stream.indirect.gather [hbm4b:s3+s24], $0x40, s21, s24, $0xb8;
	[tilespmem:$0x10800] =	vst v63  }
0xeb: {  	s9 =	simm.s32 $0x780  }
0xec: {  	[tilespmem:s10], [sflag:$0x4] =	stream.indirect.gather [hbm4b:s3+s24], $0x40, s9, s24, $0xb8;
	[tilespmem:$0x10800] =	vst v63  }
0xed: {  	_ =	swait.ge [sflag:s11], $0x2000  }
0xee: {  	s4 =	simm.s32 $0x600;
	[sflag:s11] =	ssyncset.done $0x0  }
0xef: {  	s0 =	simm.s32 $0x680;
	s20 =	simm.s32 $0x700;
	[sflag:s11] =	ssyncadd.s32 $0xFFFFE000  }
0xf0: {  	s7 =	simm.s32 $0x4000;
	s21 =	simm.s32 $0x780;
	_ =	swait.ge [sflag:s11], $0x2000  }
0xf1: {  	s9 =	sadd.s32 $0x100, s14;
	s17 =	rddreg [dreg:$0x3];
	[sflag:s11] =	ssyncset.done $0x0  }
0xf2: {  	s14 =	sadd.s32 $0x100, s18;
	[sflag:s11] =	ssyncadd.s32 $0xFFFFE000;
	s17 =	sadd.s32 $0x0, s17  }
.LBB2_2:
0xf3: {  	[hbm4b:s17+s2] =	stream.linear.scatter [tilespmem:s25], [sflag:$0x5], $0x4000, $0x38;
	[tilespmem:$0x10800] =	vst v63  }
0xf4: {  	_ =	swait.ge [sflag:s12], $0x4000  }
0xf5: {  	[sflag:s12] =	ssyncset.done $0x0  }
0xf6: {  	[sflag:s12] =	ssyncadd.s32 $0xFFFFC000  }
0xf7: {  	_ =	swait.ge [sflag:s23], $0x400  }
0xf8: {  	[sflag:s23] =	ssyncset.done $0x0  }
0xf9: {  	[sflag:s23] =	ssyncadd.s32 $0xFFFFFC00  }
0xfa: {  	[tilespmem:s25], [sflag:$0x1] =	stream.indirect.gather [hbm4b:s3+s24], $0x40, s2, s24, $0xb8;
	[tilespmem:$0x10800] =	vst v63  }
0xfb: {  	_ = 	snop  }
0xfc: {  	[tilespmem:s26], [sflag:$0x1] =	stream.indirect.gather [hbm4b:s3+s24], $0x40, s24, s24, $0xb8;
	[tilespmem:$0x10800] =	vst v63  }
0xfd: {  	_ =	swait.ge [sflag:s15], $0x2000  }
0xfe: {  	[sflag:s15] =	ssyncset.done $0x0  }
0xff: {  	[sflag:s15] =	ssyncadd.s32 $0xFFFFE000  }
0x100: {  	_ =	swait.ge [sflag:s15], $0x2000  }
0x101: {  	s17 =	smov.u32 s7;
	s18 =	rddreg [dreg:$0x9];
	[sflag:s15] =	ssyncset.done $0x0  }
0x102: {  	[sflag:s15] =	ssyncadd.s32 $0xFFFFE000;
	s18 =	sadd.s32 s17, s18  }
0x103: {  	[hbm4b:s18+s2] =	stream.linear.scatter [tilespmem:s29], [sflag:$0x6], $0x4000, $0x38;
	[tilespmem:$0x10800] =	vst v63  }
0x104: {  	_ =	swait.ge [sflag:s16], $0x4000  }
0x105: {  	[sflag:s16] =	ssyncset.done $0x0  }
0x106: {  	s18 =	simm.s32 $0x100;
	[sflag:s16] =	ssyncadd.s32 $0xFFFFC000  }
0x107: {  	[tilespmem:s29], [sflag:$0x2] =	stream.indirect.gather [hbm4b:s3+s24], $0x40, s18, s24, $0xb8;
	[tilespmem:$0x10800] =	vst v63  }
0x108: {  	s18 =	simm.s32 $0x180  }
0x109: {  	[tilespmem:s31], [sflag:$0x2] =	stream.indirect.gather [hbm4b:s3+s24], $0x40, s18, s24, $0xb8;
	[tilespmem:$0x10800] =	vst v63  }
0x10a: {  	_ =	swait.ge [sflag:s19], $0x2000  }
0x10b: {  	[sflag:s19] =	ssyncset.done $0x0  }
0x10c: {  	[sflag:s19] =	ssyncadd.s32 $0xFFFFE000  }
0x10d: {  	_ =	swait.ge [sflag:s19], $0x2000  }
0x10e: {  	s18 =	rddreg [dreg:$0x8];
	[sflag:s19] =	ssyncset.done $0x0  }
0x10f: {  	[sflag:s19] =	ssyncadd.s32 $0xFFFFE000;
	s18 =	sadd.s32 s17, s18  }
0x110: {  	[hbm4b:s18+s2] =	stream.linear.scatter [tilespmem:s1], [sflag:$0x7], $0x4000, $0x38;
	[tilespmem:$0x10800] =	vst v63  }
0x111: {  	_ = 	snop  }
0x112: {  	[tilespmem:s22], [sflag:$0xA] =	stream.linear.gather [hbm4b:s14+s2], $0x400, $0x38;
	[tilespmem:$0x10800] =	vst v63  }
0x113: {  	_ =	swait.ge [sflag:s6], $0x4000  }
0x114: {  	[sflag:s6] =	ssyncset.done $0x0  }
0x115: {  	s18 =	simm.s32 $0x200;
	[sflag:s6] =	ssyncadd.s32 $0xFFFFC000  }
0x116: {  	[tilespmem:s1], [sflag:$0x3] =	stream.indirect.gather [hbm4b:s3+s24], $0x40, s18, s24, $0xb8;
	[tilespmem:$0x10800] =	vst v63  }
0x117: {  	s18 =	simm.s32 $0x280  }
0x118: {  	[tilespmem:s5], [sflag:$0x3] =	stream.indirect.gather [hbm4b:s3+s24], $0x40, s18, s24, $0xb8;
	[tilespmem:$0x10800] =	vst v63  }
0x119: {  	_ =	swait.ge [sflag:s28], $0x2000  }
0x11a: {  	[sflag:s28] =	ssyncset.done $0x0  }
0x11b: {  	[sflag:s28] =	ssyncadd.s32 $0xFFFFE000  }
0x11c: {  	_ =	swait.ge [sflag:s28], $0x2000  }
0x11d: {  	s18 =	rddreg [dreg:$0x7];
	[sflag:s28] =	ssyncset.done $0x0  }
0x11e: {  	[sflag:s28] =	ssyncadd.s32 $0xFFFFE000;
	s18 =	sadd.s32 s17, s18  }
0x11f: {  	[hbm4b:s18+s2] =	stream.linear.scatter [tilespmem:s8], [sflag:$0x8], $0x4000, $0x38;
	[tilespmem:$0x10800] =	vst v63  }
0x120: {  	_ =	swait.ge [sflag:s30], $0x4000  }
0x121: {  	[sflag:s30] =	ssyncset.done $0x0  }
0x122: {  	s18 =	simm.s32 $0x300;
	[sflag:s30] =	ssyncadd.s32 $0xFFFFC000  }
0x123: {  	[tilespmem:s8], [sflag:$0x4] =	stream.indirect.gather [hbm4b:s3+s24], $0x40, s18, s24, $0xb8;
	[tilespmem:$0x10800] =	vst v63  }
0x124: {  	s18 =	simm.s32 $0x380  }
0x125: {  	[tilespmem:s10], [sflag:$0x4] =	stream.indirect.gather [hbm4b:s3+s24], $0x40, s18, s24, $0xb8;
	[tilespmem:$0x10800] =	vst v63  }
0x126: {  	_ =	swait.ge [sflag:s11], $0x2000  }
0x127: {  	[sflag:s11] =	ssyncset.done $0x0  }
0x128: {  	[sflag:s11] =	ssyncadd.s32 $0xFFFFE000  }
0x129: {  	_ =	swait.ge [sflag:s11], $0x2000  }
0x12a: {  	s18 =	rddreg [dreg:$0x6];
	[sflag:s11] =	ssyncset.done $0x0  }
0x12b: {  	[sflag:s11] =	ssyncadd.s32 $0xFFFFE000;
	s18 =	sadd.s32 s17, s18  }
0x12c: {  	[hbm4b:s18+s2] =	stream.linear.scatter [tilespmem:s25], [sflag:$0x5], $0x4000, $0x38;
	[tilespmem:$0x10800] =	vst v63  }
0x12d: {  	_ =	swait.ge [sflag:s12], $0x4000  }
0x12e: {  	[sflag:s12] =	ssyncset.done $0x0  }
0x12f: {  	[sflag:s12] =	ssyncadd.s32 $0xFFFFC000  }
0x130: {  	_ =	swait.ge [sflag:s13], $0x400  }
0x131: {  	[sflag:s13] =	ssyncset.done $0x0  }
0x132: {  	[sflag:s13] =	ssyncadd.s32 $0xFFFFFC00  }
0x133: {  	[tilespmem:s25], [sflag:$0x1] =	stream.indirect.gather [hbm4b:s3+s24], $0x40, s22, s24, $0xb8;
	[tilespmem:$0x10800] =	vst v63  }
0x134: {  	s18 =	simm.s32 $0x480  }
0x135: {  	[tilespmem:s26], [sflag:$0x1] =	stream.indirect.gather [hbm4b:s3+s24], $0x40, s18, s24, $0xb8;
	[tilespmem:$0x10800] =	vst v63  }
0x136: {  	_ =	swait.ge [sflag:s15], $0x2000  }
0x137: {  	[sflag:s15] =	ssyncset.done $0x0  }
0x138: {  	[sflag:s15] =	ssyncadd.s32 $0xFFFFE000  }
0x139: {  	_ =	swait.ge [sflag:s15], $0x2000  }
0x13a: {  	s18 =	rddreg [dreg:$0xa];
	[sflag:s15] =	ssyncset.done $0x0  }
0x13b: {  	[sflag:s15] =	ssyncadd.s32 $0xFFFFE000;
	s18 =	sadd.s32 s17, s18  }
0x13c: {  	[hbm4b:s18+s2] =	stream.linear.scatter [tilespmem:s29], [sflag:$0x6], $0x4000, $0x38;
	[tilespmem:$0x10800] =	vst v63  }
0x13d: {  	_ =	swait.ge [sflag:s16], $0x4000  }
0x13e: {  	[sflag:s16] =	ssyncset.done $0x0  }
0x13f: {  	s18 =	simm.s32 $0x500;
	[sflag:s16] =	ssyncadd.s32 $0xFFFFC000  }
0x140: {  	[tilespmem:s29], [sflag:$0x2] =	stream.indirect.gather [hbm4b:s3+s24], $0x40, s18, s24, $0xb8;
	[tilespmem:$0x10800] =	vst v63  }
0x141: {  	s18 =	simm.s32 $0x580  }
0x142: {  	[tilespmem:s31], [sflag:$0x2] =	stream.indirect.gather [hbm4b:s3+s24], $0x40, s18, s24, $0xb8;
	[tilespmem:$0x10800] =	vst v63  }
0x143: {  	_ =	swait.ge [sflag:s19], $0x2000  }
0x144: {  	[sflag:s19] =	ssyncset.done $0x0  }
0x145: {  	[sflag:s19] =	ssyncadd.s32 $0xFFFFE000  }
0x146: {  	_ =	swait.ge [sflag:s19], $0x2000  }
0x147: {  	s18 =	rddreg [dreg:$0x5];
	[sflag:s19] =	ssyncset.done $0x0  }
0x148: {  	[sflag:s19] =	ssyncadd.s32 $0xFFFFE000;
	s18 =	sadd.s32 s17, s18  }
0x149: {  	[hbm4b:s18+s2] =	stream.linear.scatter [tilespmem:s1], [sflag:$0x7], $0x4000, $0x38;
	[tilespmem:$0x10800] =	vst v63  }
0x14a: {  	_ = 	snop  }
0x14b: {  	[tilespmem:s2], [sflag:$0x9] =	stream.linear.gather [hbm4b:s9+s2], $0x400, $0x38;
	[tilespmem:$0x10800] =	vst v63  }
0x14c: {  	_ =	swait.ge [sflag:s6], $0x4000  }
0x14d: {  	[sflag:s6] =	ssyncset.done $0x0  }
0x14e: {  	[sflag:s6] =	ssyncadd.s32 $0xFFFFC000  }
0x14f: {  	[tilespmem:s1], [sflag:$0x3] =	stream.indirect.gather [hbm4b:s3+s24], $0x40, s4, s24, $0xb8;
	[tilespmem:$0x10800] =	vst v63  }
0x150: {  	_ = 	snop  }
0x151: {  	[tilespmem:s5], [sflag:$0x3] =	stream.indirect.gather [hbm4b:s3+s24], $0x40, s0, s24, $0xb8;
	[tilespmem:$0x10800] =	vst v63  }
0x152: {  	_ =	swait.ge [sflag:s28], $0x2000  }
0x153: {  	[sflag:s28] =	ssyncset.done $0x0  }
0x154: {  	[sflag:s28] =	ssyncadd.s32 $0xFFFFE000  }
0x155: {  	_ =	swait.ge [sflag:s28], $0x2000  }
0x156: {  	s18 =	rddreg [dreg:$0x4];
	[sflag:s28] =	ssyncset.done $0x0  }
0x157: {  	[sflag:s28] =	ssyncadd.s32 $0xFFFFE000;
	s18 =	sadd.s32 s17, s18  }
0x158: {  	[hbm4b:s18+s2] =	stream.linear.scatter [tilespmem:s8], [sflag:$0x8], $0x4000, $0x38;
	[tilespmem:$0x10800] =	vst v63  }
0x159: {  	_ =	swait.ge [sflag:s30], $0x4000  }
0x15a: {  	[sflag:s30] =	ssyncset.done $0x0  }
0x15b: {  	[sflag:s30] =	ssyncadd.s32 $0xFFFFC000  }
0x15c: {  	[tilespmem:s8], [sflag:$0x4] =	stream.indirect.gather [hbm4b:s3+s24], $0x40, s20, s24, $0xb8;
	[tilespmem:$0x10800] =	vst v63  }
0x15d: {  	_ = 	snop  }
0x15e: {  	[tilespmem:s10], [sflag:$0x4] =	stream.indirect.gather [hbm4b:s3+s24], $0x40, s21, s24, $0xb8;
	[tilespmem:$0x10800] =	vst v63  }
0x15f: {  	p0 =	sne.s32 s7, $0x28000;
	_ =	swait.ge [sflag:s11], $0x2000  }
.Ltmp0:
0x160: {  	[sflag:s11] =	ssyncset.done $0x0;
	(pc) =	sbr.rel @p0 .LBB2_2-.Ltmp0, $4  }
0x161: {  	[sflag:s11] =	ssyncadd.s32 $0xFFFFE000  }
0x162: {  	s7 =	sadd.s32 $0x4000, s7;
	_ =	swait.ge [sflag:s11], $0x2000  }
0x163: {  	s14 =	sadd.s32 $0x100, s14;
	[sflag:s11] =	ssyncset.done $0x0;
	s18 =	rddreg [dreg:$0x3]  }
0x164: {  	s9 =	sadd.s32 $0x100, s9;
	[sflag:s11] =	ssyncadd.s32 $0xFFFFE000;
	s17 =	sadd.s32 s17, s18  }
0x165: {  	[hbm4b:s17+s2] =	stream.linear.scatter [tilespmem:s25], [sflag:$0x5], $0x4000, $0x38;
	[tilespmem:$0x10800] =	vst v63  }
0x166: {  	_ =	swait.ge [sflag:s12], $0x4000  }
0x167: {  	[sflag:s12] =	ssyncset.done $0x0  }
0x168: {  	[sflag:s12] =	ssyncadd.s32 $0xFFFFC000  }
0x169: {  	_ =	swait.ge [sflag:s23], $0x400  }
0x16a: {  	[sflag:s23] =	ssyncset.done $0x0  }
0x16b: {  	[sflag:s23] =	ssyncadd.s32 $0xFFFFFC00  }
0x16c: {  	[tilespmem:s25], [sflag:$0x1] =	stream.indirect.gather [hbm4b:s3+s24], $0x40, s2, s24, $0xb8;
	[tilespmem:$0x10800] =	vst v63  }
0x16d: {  	_ = 	snop  }
0x16e: {  	[tilespmem:s26], [sflag:$0x1] =	stream.indirect.gather [hbm4b:s3+s24], $0x40, s24, s24, $0xb8;
	[tilespmem:$0x10800] =	vst v63  }
0x16f: {  	_ =	swait.ge [sflag:s15], $0x2000  }
0x170: {  	[sflag:s15] =	ssyncset.done $0x0  }
0x171: {  	[sflag:s15] =	ssyncadd.s32 $0xFFFFE000  }
0x172: {  	_ =	swait.ge [sflag:s15], $0x2000  }
0x173: {  	[sflag:s15] =	ssyncset.done $0x0  }
0x174: {  	s7 =	rddreg [dreg:$0x13];
	[sflag:s15] =	ssyncadd.s32 $0xFFFFE000  }
0x175: {  	[hbm4b:s7+s2] =	stream.linear.scatter [tilespmem:s29], [sflag:$0x6], $0x4000, $0x38;
	[tilespmem:$0x10800] =	vst v63  }
0x176: {  	_ =	swait.ge [sflag:s16], $0x4000  }
0x177: {  	[sflag:s16] =	ssyncset.done $0x0  }
0x178: {  	s17 =	simm.s32 $0x100;
	[sflag:s16] =	ssyncadd.s32 $0xFFFFC000  }
0x179: {  	[tilespmem:s29], [sflag:$0x2] =	stream.indirect.gather [hbm4b:s3+s24], $0x40, s17, s24, $0xb8;
	[tilespmem:$0x10800] =	vst v63  }
0x17a: {  	s18 =	simm.s32 $0x180  }
0x17b: {  	[tilespmem:s31], [sflag:$0x2] =	stream.indirect.gather [hbm4b:s3+s24], $0x40, s18, s24, $0xb8;
	[tilespmem:$0x10800] =	vst v63  }
0x17c: {  	_ =	swait.ge [sflag:s19], $0x2000  }
0x17d: {  	[sflag:s19] =	ssyncset.done $0x0  }
0x17e: {  	[sflag:s19] =	ssyncadd.s32 $0xFFFFE000  }
0x17f: {  	_ =	swait.ge [sflag:s19], $0x2000  }
0x180: {  	[sflag:s19] =	ssyncset.done $0x0  }
0x181: {  	s20 =	rddreg [dreg:$0x14];
	[sflag:s19] =	ssyncadd.s32 $0xFFFFE000  }
0x182: {  	[hbm4b:s20+s2] =	stream.linear.scatter [tilespmem:s1], [sflag:$0x7], $0x4000, $0x38;
	[tilespmem:$0x10800] =	vst v63  }
0x183: {  	_ =	swait.ge [sflag:s6], $0x4000  }
0x184: {  	[sflag:s6] =	ssyncset.done $0x0  }
0x185: {  	s0 =	simm.s32 $0x200;
	[sflag:s6] =	ssyncadd.s32 $0xFFFFC000  }
0x186: {  	[tilespmem:s1], [sflag:$0x3] =	stream.indirect.gather [hbm4b:s3+s24], $0x40, s0, s24, $0xb8;
	[tilespmem:$0x10800] =	vst v63  }
0x187: {  	s21 =	simm.s32 $0x280  }
0x188: {  	[tilespmem:s5], [sflag:$0x3] =	stream.indirect.gather [hbm4b:s3+s24], $0x40, s21, s24, $0xb8;
	[tilespmem:$0x10800] =	vst v63  }
0x189: {  	_ =	swait.ge [sflag:s28], $0x2000  }
0x18a: {  	[sflag:s28] =	ssyncset.done $0x0  }
0x18b: {  	[sflag:s28] =	ssyncadd.s32 $0xFFFFE000  }
0x18c: {  	_ =	swait.ge [sflag:s28], $0x2000  }
0x18d: {  	[sflag:s28] =	ssyncset.done $0x0  }
0x18e: {  	s4 =	rddreg [dreg:$0x15];
	[sflag:s28] =	ssyncadd.s32 $0xFFFFE000  }
0x18f: {  	[hbm4b:s4+s2] =	stream.linear.scatter [tilespmem:s8], [sflag:$0x8], $0x4000, $0x38;
	[tilespmem:$0x10800] =	vst v63  }
0x190: {  	_ =	swait.ge [sflag:s30], $0x4000  }
0x191: {  	[sflag:s30] =	ssyncset.done $0x0  }
0x192: {  	s7 =	simm.s32 $0x300;
	[sflag:s30] =	ssyncadd.s32 $0xFFFFC000  }
0x193: {  	[tilespmem:s8], [sflag:$0x4] =	stream.indirect.gather [hbm4b:s3+s24], $0x40, s7, s24, $0xb8;
	[tilespmem:$0x10800] =	vst v63  }
0x194: {  	s9 =	simm.s32 $0x380  }
0x195: {  	[tilespmem:s10], [sflag:$0x4] =	stream.indirect.gather [hbm4b:s3+s24], $0x40, s9, s24, $0xb8;
	[tilespmem:$0x10800] =	vst v63  }
0x196: {  	_ =	swait.ge [sflag:s11], $0x2000  }
0x197: {  	[sflag:s11] =	ssyncset.done $0x0  }
0x198: {  	[sflag:s11] =	ssyncadd.s32 $0xFFFFE000  }
0x199: {  	_ =	swait.ge [sflag:s11], $0x2000  }
0x19a: {  	[sflag:s11] =	ssyncset.done $0x0  }
0x19b: {  	s14 =	rddreg [dreg:$0x16];
	[sflag:s11] =	ssyncadd.s32 $0xFFFFE000  }
0x19c: {  	[hbm4b:s14+s2] =	stream.linear.scatter [tilespmem:s25], [sflag:$0x5], $0x4000, $0x38;
	[tilespmem:$0x10800] =	vst v63  }
0x19d: {  	_ =	swait.ge [sflag:s15], $0x2000  }
0x19e: {  	[sflag:s15] =	ssyncset.done $0x0  }
0x19f: {  	[sflag:s15] =	ssyncadd.s32 $0xFFFFE000  }
0x1a0: {  	_ =	swait.ge [sflag:s15], $0x2000  }
0x1a1: {  	[sflag:s15] =	ssyncset.done $0x0  }
0x1a2: {  	s17 =	rddreg [dreg:$0x17];
	[sflag:s15] =	ssyncadd.s32 $0xFFFFE000  }
0x1a3: {  	[hbm4b:s17+s2] =	stream.linear.scatter [tilespmem:s29], [sflag:$0x6], $0x4000, $0x38;
	[tilespmem:$0x10800] =	vst v63  }
0x1a4: {  	_ =	swait.ge [sflag:s19], $0x2000  }
0x1a5: {  	[sflag:s19] =	ssyncset.done $0x0  }
0x1a6: {  	[sflag:s19] =	ssyncadd.s32 $0xFFFFE000  }
0x1a7: {  	_ =	swait.ge [sflag:s19], $0x2000  }
0x1a8: {  	[sflag:s19] =	ssyncset.done $0x0  }
0x1a9: {  	s18 =	rddreg [dreg:$0x18];
	[sflag:s19] =	ssyncadd.s32 $0xFFFFE000  }
0x1aa: {  	[hbm4b:s18+s2] =	stream.linear.scatter [tilespmem:s1], [sflag:$0x7], $0x4000, $0x38;
	[tilespmem:$0x10800] =	vst v63  }
0x1ab: {  	_ =	swait.ge [sflag:s28], $0x2000  }
0x1ac: {  	[sflag:s28] =	ssyncset.done $0x0  }
0x1ad: {  	[sflag:s28] =	ssyncadd.s32 $0xFFFFE000  }
0x1ae: {  	_ =	swait.ge [sflag:s28], $0x2000  }
0x1af: {  	[sflag:s28] =	ssyncset.done $0x0  }
0x1b0: {  	s20 =	rddreg [dreg:$0x19];
	[sflag:s28] =	ssyncadd.s32 $0xFFFFE000  }
0x1b1: {  	[hbm4b:s20+s2] =	stream.linear.scatter [tilespmem:s8], [sflag:$0x8], $0x4000, $0x38;
	[tilespmem:$0x10800] =	vst v63  }
0x1b2: {  	_ =	swait.ge [sflag:s12], $0x4000  }
0x1b3: {  	[sflag:s12] =	ssyncset.done $0x0  }
0x1b4: {  	[sflag:s12] =	ssyncadd.s32 $0xFFFFC000  }
0x1b5: {  	_ =	swait.ge [sflag:s16], $0x4000  }
0x1b6: {  	[sflag:s16] =	ssyncset.done $0x0  }
0x1b7: {  	[sflag:s16] =	ssyncadd.s32 $0xFFFFC000  }
0x1b8: {  	_ =	swait.ge [sflag:s6], $0x4000  }
0x1b9: {  	[sflag:s6] =	ssyncset.done $0x0  }
0x1ba: {  	[sflag:s6] =	ssyncadd.s32 $0xFFFFC000  }
0x1bb: {  	_ =	swait.ge [sflag:s30], $0x4000  }
0x1bc: {  	s9 =	rddreg [dreg:$0x1d]  }
0x1bd: {  	s21 =	rddreg [dreg:$0x1a];
	s9 =	sadd.s32 $0x1, s9  }
0x1be: {  	p0 =	sne.s32 s9, s21  }
.Ltmp1:
0x1bf: {  	_ = 	snop;
	(pc) =	sbr.rel @p0 .LBB2_1-.Ltmp1, $4  }
0x1c0: {  	_ = 	snop  }
0x1c1: {  	s0 =	simm.s32 $0x480  }
0x1c2: {  	s4 =	simm.s32 $0x500;
	s18 =	simm.s32 $0x580;
	[sflag:s30] =	ssyncset.done $0x0  }
0x1c3: {  	s20 =	simm.s32 $0x600;
	[sflag:s30] =	ssyncadd.s32 $0xFFFFC000;
	s21 =	simm.s32 $0x680  }
0x1c4: {  	_ =	sfence.sel $0x180000  }
0x1c5: {  	[bflag:$0x0] =	sbarrier.arrive $0xFFFF  }
0x1c6: {  	_ =	strace $0x90000047  }
0x1c7: {  	s0 =	stileid.u32;
	[bflag:$0x2] =	sbarrier.arrive $0xFFFF  }
0x1c8: {  	p0 =	sne.s32 s0, $0x0;
	s0 =	rddreg [dreg:$0x2]  }
0x1c9: {  	s0 =	sadd.s32 @!p0 $0x100000, s0  }
0x1ca: {  	[sflag:s0] =	ssyncadd.tile.s32 @!p0 $0x1;
	_ =	shalt  }
.Lfunc_end2:
_tile_overlayer_lowered:
.L_overlay_start_2:
0x1cb: {  	(tag) =	ssettag $0x2  }
0x1cc: {  	s0 =	rddreg [dreg:$0x0];
	s2 =	stileid.u32  }
0x1cd: {  	s1 =	rddreg [dreg:$0x1];
	p0 =	sne.s32 s2, $0x0  }
0x1ce: {  	s3 =	rddreg [dreg:$0x2];
	[bflag:$0x3] =	sbarrier.arrive $0xFFFF;
	s2 =	simm.s32 @!p0 $0x1C0B  }
0x1cf: {  	[timem:s3], [sflag:s2] =	dma.local @!p0 [hbm:s0], s1  }
0x1d0: {  	s0 =	simm.s32 @!p0 $0xB  }
0x1d1: {  	_ =	swait.ge @!p0 [sflag:s0], s1  }
0x1d2: {  	s1 =	ssub.s32 @!p0 $0x0, s1;
	[sflag:s0] =	ssyncset.done @!p0 $0x0  }
0x1d3: {  	[sflag:s0] =	ssyncadd.s32 @!p0 s1  }
0x1d4: {  	[bflag:$0x3] =	sbarrier.arrive $0xFFFF  }
0x1d5: {  	_ =	shalt  }

// kernel: sparse-core-data-format-call.cloned.1.call-start
scs
called_computation_lowered:
.L_overlay_start_0:
0x0: {  	s2 =	sld [smem:$0x3FD9]  }
0x1: {  	s3 =	sld [smem:$0x3FFE];
	_ =	sdelay $0x1  }
0x2: {  	s1 =	srdreg.scid  }
0x3: {  	s0 =	sand.u32 $0x1, s1  }
0x4: {  	s18 =	sshll.u32 s0, $0xA;
	s2 =	sadd.s32 s3, s2  }
0x5: {  	s2 =	sadd.s32 s2, s18  }
0x6: {  	[smem:$0x3FC6] =	sst s2  }
0x7: {  	_ = 	snop  }
0x8: {  	s2 =	sld [smem:$0x3FD0];
	(tm) =	ssettm $0x1  }
0x9: {  	s19 =	sld [smem:$0x3FFB];
	_ =	sdelay $0x3  }
0xa: {  	_ =	strace s19  }
0xb: {  	s3 =	sld [smem:$0x3FFC];
	_ =	sdelay $0x3  }
0xc: {  	_ =	strace s3  }
0xd: {  	s3 =	sld [smem:$0x3FFD];
	_ =	sdelay $0x3  }
0xe: {  	_ =	strace s3  }
0xf: {  	_ =	strace $0x8FFFFFFF  }
0x10: {  	s20 =	sld [smem:$0x3FDB];
	_ =	sdelay $0x1  }
0x11: {  	s4 =	simm.s32 $_scs_section_size  }
0x12: {  	s5 =	simm.s32 $_size__tile_overlayer_lowered;
	s6 =	simm.s32 $_tile_overlayer_lowered  }
0x13: {  	s23 =	simm.s32 $0x1BFF;
	s22 =	sshll.u32 s6, $0x1;
	s3 =	sadd.s32 s4, s20  }
0x14: {  	s7 =	simm.s32 $0x0;
	s21 =	sshll.u32 s5, $0x1;
	s5 =	sadd.s32 s22, s3  }
0x15: {  	[timem:s7], [sflag:s23] =	dma.local [hbm:s5], s21  }
0x16: {  	_ =	swait.ge [sflag:s23], s21  }
0x17: {  	s4 =	ssub.s32 $0x0, s21;
	[sflag:s23] =	ssyncset.done $0x0  }
0x18: {  	[sflag:s23] =	ssyncadd.s32 s4;
	_ =	sdelay $0x1  }
0x19: {  	s24 =	simm.s32 $0x1B8B  }
0x1a: {  	_ =	swait.ge [sflag:s24], $0x1  }
0x1b: {  	[sflag:s24] =	ssyncset.done $0x0  }
0x1c: {  	s26 =	simm.s32 $0x1B8E;
	s25 =	sld [smem:$0x3FFE];
	[sflag:s24] =	ssyncadd.s32 $0xFFFFFFFF  }
0x1d: {  	s27 =	simm.s32 $execute0_lowered;
	[smem:$0x3FD2] =	sst s26  }
0x1e: {  	s5 =	sshll.u32 s27, $0x1;
	_ =	strace $0x80000049;
	[dreg:$0x1] =	wrdreg $0xFFFFFFFF  }
0x1f: {  	s28 =	simm.s32 $_size_execute0_lowered;
	s3 =	sadd.s32 s3, s5;
	[dreg:$0x0] =	wrdreg $0x0  }
0x20: {  	s5 =	sshll.u32 s28, $0x1;
	[dreg:$0x2] =	wrdreg s3  }
0x21: {  	[dreg:$0x3] =	wrdreg s5  }
0x22: {  	[dreg:$0x4] =	wrdreg $0xC0  }
0x23: {  	_ =	task [dreg:s7], $0x5FFFF  }
0x24: {  	[dreg:$0x1] =	wrdreg $0xFFFFFFFF  }
0x25: {  	[dreg:$0x0] =	wrdreg $0x60  }
0x26: {  	[dreg:$0x2] =	wrdreg s25  }
0x27: {  	[dreg:$0x3] =	wrdreg s2  }
0x28: {  	[dreg:$0x4] =	wrdreg $0x9  }
0x29: {  	_ =	task.clear_ibuf [dreg:s7], $0x5FFFF;
	_ =	strace $0x90000049  }
0x2a: {  	s29 =	simm.s32 $0x9;
	_ =	strace $0x8000004B  }
0x2b: {  	_ =	swait.ge [sflag:s29], $0x1  }
0x2c: {  	[sflag:s29] =	ssyncadd.s32 $0xFFFFFFFF  }
0x2d: {  	_ =	strace $0x9000004B  }
0x2e: {  	_ =	sfence  }
0x2f: {  	s30 =	sld [smem:$0x0];
	_ =	sdelay $0x2  }
0x30: {  	s31 =	sshll.u32 s1, $0xD;
	s1 =	sshrl.u32 s1, $0x2  }
0x31: {  	s3 =	sand.u32 $0x4000, s31;
	s1 =	sadd.s32 s1, s30  }
0x32: {  	s0 =	sor.u32 s3, s0;
	s1 =	sshll.u32 s1, $0x11  }
0x33: {  	s0 =	sor.u32 s1, s0  }
0x34: {  	s0 =	sadd.s32 $0x8F2B, s0  }
0x35: {  	[sflag:s0] =	ssyncadd.remote.s32 $0x1  }
0x36: {  	_ =	sfence.sel $0xFFFF  }
0x37: {  	[dreg:$0x0] =	wrdreg $0xFFFFFFFF;
	(pc) =	sbr.abs _section_cstart, $3  }
0x38: {  	[dreg:$0x1] =	wrdreg $0xFFFFFFFF  }
0x39: {  	_ =	task.clear_ibuf [dreg:s7], $0x2FFFF;
	_ =	strace $0x9FFFFFFF  }
0x3a: {  	(tm) =	ssettm $0x7FFFFFFF  }
0x3b: {  	_ =	shalt  }
tec
execute0_lowered:
.L_overlay_start_1:
0x0: {  	(tag) =	ssettag $0x1  }
0x1: {  	s0 =	srdreg.scid  }
0x2: {  	s1 =	sshll.u32 s0, $0x4  }
0x3: {  	s0 =	stileid.u32;
	s1 =	sand.u32 $0x10, s1  }
0x4: {  	s1 =	sor.u32 s0, s1  }
0x5: {  	s6 =	rddreg [dreg:$0x0];
	s4 =	simm.s32 $0x1;
	s2 =	sshll.u32 s1, $0x7  }
0x6: {  	s7 =	simm.s32 $0x2;
	s12 =	simm.s32 $0x0;
	s1 =	ssub.s32 $0x4000, s2  }
0x7: {  	s8 =	simm.s32 $0x20000;
	s13 =	simm.s32 $0x0;
	s3 =	sand.u32 $0xF80, s1  }
0x8: {  	s9 =	simm.s32 $0x0;
	s5 =	sshrl.u32 s1, $0xC;
	p0 =	sne.s32 s3, $0x0  }
.Ltmp0:
0x9: {  	s1 =	rddreg [dreg:$0x2];
	s4 =	simm.s32 @!p0 $0x0;
	(pc) =	sbr.rel .LBB1_1-.Ltmp0, $4  }
0xa: {  	s11 =	simm.s32 $0x0;
	s3 =	rddreg [dreg:$0x1];
	s5 =	sadd.s32 s4, s5  }
0xb: {  	_ =	strace $0x8000004A;
	s4 =	simm.s32 $0x1;
	s5 =	smul.u32 $0x32, s5  }
0xc: {  	s6 =	sadd.s32 $0xA00, s6;
	s10 =	smov.u32 s2;
	[sflag:s4] =	ssyncpa.u1 $0x0  }
0xd: {  	p0 =	por $0x0, $0x0;
	[sflag:s7] =	ssyncpa.u1 $0x0;
	s7 =	sor.u32 $0x1, s5  }
.LBB1_4:
0xe: {  	s16 =	sshll.u32 s13, $0x3;
	s17 =	sand.u32 $0x78, s13  }
0xf: {  	s30 =	sand.u32 $0x1F800, s13;
	s12 =	sshll.u32 s12, $0x11;
	s16 =	sand.u32 $0x3C00, s16  }
0x10: {  	[tilespmem:s15+$0x810 ss:$0x81] =	vst.msk $0xffff, v2;
	s31 =	sand.u32 $0x7, s13;
	s16 =	sor.u32 s17, s16;
	s17 =	sadd.s32 s3, s30  }
0x11: {  	[tilespmem:s15+$0x1020 ss:$0x81] =	vst.msk $0xffff, v0;
	s13 =	sshll.u32 s31, $0x12;
	s12 =	sadd.s32 s12, s17;
	s16 =	sshrl.u32 s16, $0x3  }
0x12: {  	[tilespmem:s15+$0x0 ss:$0x81] =	vst.msk $0xffff, v1;
	s13 =	sor.u32 $0x400, s13;
	s12 =	sadd.s32 s16, s12  }
0x13: {  	[hbm4b:s12+s13] =	stream.strided.scatter [tilespmem:s14], [sflag:$0x2], $0x2000, s8, s13, $0x20;
	[tilespmem:$0x8080] =	vst v63  }
.LBB1_5:
0x14: {  	s14 =	sadd.s32 $0x1, s9  }
0x15: {  	s12 =	sadd.s32 $0x1000, s10;
	s16 =	smov.u32 s10;
	p2 =	sgt.s32 s14, $0x31  }
0x16: {  	s16 =	smov.u32 @p2 s12  }
0x17: {  	s14 =	simm.s32 @p2 $0x0;
	p2 =	sgt.s32 s16, $0x3FFF  }
0x18: {  	s16 =	smov.u32 @p2 s2;
	p2 =	sne.s32 s11, s7  }
.Ltmp1:
0x19: {  	p1 =	slt.u32 s11, $0x2;
	(pc) =	sbr.rel @!p2 .LBB1_6-.Ltmp1, $4  }
0x1a: {  	s15 =	simm.s32 @!p1 $0x2  }
0x1b: {  	s13 =	smov.u32 s10;
	p0 =	por !p0, !p0;
	_ =	swait.ge @!p1 [sflag:s15], $0x2000  }
0x1c: {  	s12 =	smov.u32 s9;
	[sflag:s15] =	ssyncset.done @!p1 $0x0;
	s9 =	smov.u32 s14  }
0x1d: {  	s11 =	sadd.s32 $0x1, s11;
	[sflag:s15] =	ssyncadd.s32 @!p1 $0xFFFFE000;
	s10 =	smov.u32 s16  }
.LBB1_1:
0x1e: {  	p1 =	sge.u32 s11, s5  }
0x1f: {  	s14 =	sand.u32 @!p1 $0x1FFFFFF, s9  }
0x20: {  	s15 =	smulhi.u32 @!p1 $0x4924925, s14;
	_ =	sdelay $0x1  }
0x21: {  	s15 =	smul.u32 @!p1 $0x38, s15  }
0x22: {  	s16 =	sxor.u32 @!p1 $0xFFFFFFFF, s11;
	s17 =	smul.u32 @!p1 $0x380, s10  }
0x23: {  	s31 =	sadd.s32 $0xFFFFFFFF, s11;
	s16 =	sshll.u32 @!p1 s16, $0xD;
	s14 =	ssub.s32 @!p1 s14, s15  }
0x24: {  	s15 =	sand.u32 @!p1 $0x2000, s16;
	s16 =	sadd.s32 @!p1 s6, s17;
	s14 =	sshll.u32 @!p1 s14, $0x4  }
0x25: {  	s17 =	simm.s32 @!p1 $0x1C00;
	s14 =	sadd.s32 @!p1 s14, s16;
	s16 =	simm.s32 @!p1 $0x40  }
0x26: {  	[tilespmem:s15], [sflag:$0x1] =	stream.strided.gather @!p1 [hbm4b:s14+s16], $0x2000, s17, s16, $0x38;
	[tilespmem:$0x8080] =	vst v63  }
0x27: {  	p1 =	sge.u32 s31, s5  }
.Ltmp2:
0x28: {  	_ = 	snop;
	(pc) =	sbr.rel @p1 .LBB1_5-.Ltmp2, $1  }
0x29: {  	_ =	sdelay $0x3  }
0x2a: {  	s14 =	simm.s32 $0x1  }
0x2b: {  	_ =	swait.ge [sflag:s4], $0x2000;
	s14 =	simm.s32 @!p0 $0x0  }
0x2c: {  	[sflag:s4] =	ssyncset.done $0x0;
	s15 =	sshll.u32 s14, $0xD  }
0x2d: {  	[sflag:s4] =	ssyncadd.s32 $0xFFFFE000;
	s18 =	sor.u32 $0x20, s15  }
0x2e: {  	s14 =	smul.u32 $0x8100, s14;
	v3 =	vld [tilespmem:s18+$0x10]  }
0x2f: {  	s30 =	sand.u32 $0x1, s11;
	v2 =	vld [tilespmem:s18+$0xFFFFFFF0]  }
0x30: {  	s15 =	smul.u32 $0x8100, s30;
	s14 =	sshrl.u32 s14, $0x2;
	v0 =	vld [tilespmem:s18+$0x0]  }
0x31: {  	v1 =	vld [tilespmem:s18+$0xFFFFFFE0];
	s16 =	sor.u32 $0x4000, s14  }
0x32: {  	s31 =	sshrl.u32 s15, $0x2;
	s15 =	sadd.s32 $0x0, s16  }
0x33: {  	s17 =	simm.s32 $0x4;
	s18 =	sadd.s32 $0x40, s18;
	s14 =	sor.u32 $0x4000, s31;
	[tilespmem:s15+$0x1830 ss:$0x81] =	vst.msk $0xffff, v3  }
.LBB1_3:
0x34: {  	v3 =	vld [tilespmem:s18+$0x10];
	p1 =	sne.s32 s17, $0x1FC;
	[tilespmem:s15+$0x810 ss:$0x81] =	vst.msk $0xffff, v2;
	s19 =	smov.u32 s17;
	s17 =	sadd.s32 $0x4, s17  }
.Ltmp3:
0x35: {  	v2 =	vld [tilespmem:s18+$0xFFFFFFF0];
	[tilespmem:s15+$0x1020 ss:$0x81] =	vst.msk $0xffff, v0;
	(pc) =	sbr.rel @p1 .LBB1_3-.Ltmp3, $4  }
0x36: {  	v0 =	vld [tilespmem:s18+$0x0];
	[tilespmem:s15+$0x0 ss:$0x81] =	vst.msk $0xffff, v1  }
0x37: {  	s15 =	sshra.s32 s19, $0x2;
	v1 =	vld [tilespmem:s18+$0xFFFFFFE0]  }
0x38: {  	s15 =	sadd.s32 s15, s16  }
0x39: {  	s18 =	sadd.s32 $0x40, s18;
	[tilespmem:s15+$0x1830 ss:$0x81] =	vst.msk $0xffff, v3  }
.Ltmp4:
0x3a: {  	_ = 	snop;
	(pc) =	sbr.rel .LBB1_4-.Ltmp4, $1  }
0x3b: {  	_ =	sdelay $0x3  }
.LBB1_6:
0x3c: {  	_ =	sfence.sel $0x180000  }
0x3d: {  	s2 =	simm.s32 $0x1;
	[bflag:$0x0] =	sbarrier.arrive $0xFFFF  }
0x3e: {  	s31 =	simm.s32 $0x2;
	[sflag:s2] =	ssyncpa.u1 $0x1  }
0x3f: {  	[sflag:s31] =	ssyncpa.u1 $0x1  }
0x40: {  	p0 =	sne.s32 s0, $0x0;
	_ =	strace $0x9000004A  }
0x41: {  	s0 =	sadd.s32 @!p0 $0x100000, s1;
	[bflag:$0x2] =	sbarrier.arrive $0xFFFF  }
0x42: {  	[sflag:s0] =	ssyncadd.tile.s32 @!p0 $0x1;
	_ =	shalt  }
.Lfunc_end1:
_tile_overlayer_lowered:
.L_overlay_start_2:
0x43: {  	(tag) =	ssettag $0x2  }
0x44: {  	s0 =	rddreg [dreg:$0x0];
	s2 =	stileid.u32  }
0x45: {  	s1 =	rddreg [dreg:$0x1];
	p0 =	sne.s32 s2, $0x0  }
0x46: {  	s3 =	rddreg [dreg:$0x2];
	[bflag:$0x3] =	sbarrier.arrive $0xFFFF;
	s2 =	simm.s32 @!p0 $0x1C01  }
0x47: {  	[timem:s3], [sflag:s2] =	dma.local @!p0 [hbm:s0], s1  }
0x48: {  	s0 =	simm.s32 @!p0 $0x1  }
0x49: {  	_ =	swait.ge @!p0 [sflag:s0], s1  }
0x4a: {  	s1 =	ssub.s32 @!p0 $0x0, s1;
	[sflag:s0] =	ssyncset.done @!p0 $0x0  }
0x4b: {  	[sflag:s0] =	ssyncadd.s32 @!p0 s1  }
0x4c: {  	[bflag:$0x3] =	sbarrier.arrive $0xFFFF  }
0x4d: {  	_ =	shalt  }

</sc_bundles>
